<compile_context>
chip_gen: v7x
topology: tpu7x:2x2x1
jax: 0.10.2.dev20260603
libtpu: 0.0.44.dev20260713+nightly
codegen_flags: <defaults>
</compile_context>

<pallas_src>
import functools

import jax
import jax.numpy as jnp
from jax import lax
from jax.experimental import pallas as pl
from jax.experimental.pallas import tpu as pltpu
from jax.experimental.pallas import tpu_sc as plsc

D_MODEL = 1024
N_BATCH = 4
SEQ = 4096
N_TOK = N_BATCH * SEQ
N_WORKERS = 32
S_PER_W = SEQ // N_WORKERS
SS = 8
SROWS = N_BATCH * SS
N_SUPER = S_PER_W // SS
NB = 3
LANES = 16
PER_W = N_BATCH * S_PER_W


@functools.partial(
    pl.kernel,
    mesh=plsc.VectorSubcoreMesh(core_axis_name="c", subcore_axis_name="s"),
    out_type=jax.ShapeDtypeStruct((N_TOK, D_MODEL), jnp.float32),
    scratch_types=(
        [pltpu.VMEM((PER_W,), jnp.int32),
         pltpu.VMEM((PER_W,), jnp.int32),
         pltpu.VMEM((N_SUPER, SROWS), jnp.int32),
         pltpu.VMEM((NB * SROWS, D_MODEL), jnp.float32),
         pltpu.VMEM((SS, D_MODEL), jnp.float32),
         pltpu.VMEM((SS, D_MODEL), jnp.float32),
         pltpu.VMEM((SS, D_MODEL), jnp.float32)]
        + [pltpu.SemaphoreType.DMA for _ in range(3 * NB)]
    ),
    compiler_params=pltpu.CompilerParams(needs_layout_passes=False),
)
def _embed_sc(x_hbm, table_hbm, pos_hbm, out_hbm,
              stage_v, idx_v, out_idx, rows_v, pos0, pos1, pos2,
              g0, g1, g2, p0, p1, p2, o0, o1, o2):
    pos_v = (pos0, pos1, pos2)
    g_sem = (g0, g1, g2)
    p_sem = (p0, p1, p2)
    o_sem = (o0, o1, o2)

    wid = lax.axis_index("s") * 2 + lax.axis_index("c")
    s_base = wid * S_PER_W

    io = lax.iota(jnp.int32, LANES)
    lane_b = lax.shift_right_logical(io, 2)
    lane_s = jnp.bitwise_and(io, 3)
    lane_off = lane_b * S_PER_W + lane_s
    out_lane = lane_b * SEQ + s_base + lane_s

    def issue_pos(g, slot):
        pltpu.async_copy(pos_hbm.at[pl.ds(s_base + g * SS, SS)],
                         pos_v[slot], p_sem[slot])

    def issue_gather(g, slot):
        pltpu.async_copy(
            table_hbm.at[idx_v.at[pl.ds(g * SROWS, SROWS)]],
            rows_v.at[pl.ds(slot * SROWS, SROWS)], g_sem[slot])

    def wait_pos(slot):
        pltpu.make_async_copy(pos_hbm.at[pl.ds(0, SS)],
                              pos_v[slot], p_sem[slot]).wait()

    def wait_gather(slot):
        pltpu.make_async_copy(
            table_hbm.at[idx_v.at[pl.ds(0, SROWS)]],
            rows_v.at[pl.ds(slot * SROWS, SROWS)], g_sem[slot]).wait()

    def wait_scatter(slot):
        pltpu.make_async_copy(
            rows_v.at[pl.ds(slot * SROWS, SROWS)],
            out_hbm.at[out_idx.at[0]], o_sem[slot]).wait()

    issue_pos(0, 0)
    issue_pos(1, 1)
    stage_cps = [
        pltpu.async_copy(x_hbm.at[pl.ds(bi * SEQ + s_base, S_PER_W)],
                         stage_v.at[pl.ds(bi * S_PER_W, S_PER_W)],
                         o_sem[0])
        for bi in range(N_BATCH)]
    for cp in stage_cps:
        cp.wait()
    for t in range(PER_W // LANES):
        idx_v[pl.ds(t * LANES, LANES)] = plsc.load_gather(
            stage_v, [lane_off + t * N_BATCH])
        out_idx[t // 2, pl.ds((t % 2) * LANES, LANES)] = (
            out_lane + t * N_BATCH)
    issue_gather(0, 0)
    issue_gather(1, 1)

    def super_body(g, slot, prefetch):
        wait_gather(slot)
        wait_pos(slot)
        if prefetch:
            @pl.when(g + 2 < N_SUPER)
            def _():
                issue_pos(g + 2, (slot + 2) % NB)

        def add_body(j, jcarry):
            sl = pl.ds(pl.multiple_of(j * LANES, LANES), LANES)
            for s in range(SS):
                pv = pos_v[slot][s, sl]
                for bi in range(N_BATCH):
                    r = slot * SROWS + (s // 4) * LANES + bi * 4 + (s % 4)
                    plsc.addupdate(rows_v.at[r, sl], pv)
            return jcarry
        lax.fori_loop(0, D_MODEL // LANES, add_body, 0)

        pltpu.async_copy(rows_v.at[pl.ds(slot * SROWS, SROWS)],
                         out_hbm.at[out_idx.at[g]], o_sem[slot])

        if prefetch:
            nslot = (slot + 2) % NB
            @pl.when(g + 2 < N_SUPER)
            def _():
                @pl.when(g >= 1)
                def _():
                    wait_scatter(nslot)
                issue_gather(g + 2, nslot)

    def outer(it, carry):
        for k in range(NB):
            super_body(it * NB + k, k, True)
        return carry

    lax.fori_loop(0, (N_SUPER - 1) // NB, outer, 0)
    super_body(N_SUPER - 1, (N_SUPER - 1) % NB, False)

    for g in range(N_SUPER - 3, N_SUPER):
        wait_scatter(g % NB)


def kernel(x, table, pos_encoding):
    out = _embed_sc(x.reshape(-1).astype(jnp.int32), table, pos_encoding)
    return out.reshape(N_BATCH, SEQ, D_MODEL)

# --- scband reference (transcript-rebuilt; emitter-appended) ---
"""Pipeline reference for scband-transformer-embedding-49108656062483 (READ-ONLY COPY).

The authoritative reference and input builder live on the scoring server;
editing this copy changes nothing except your own understanding.
"""

import jax, jax.numpy as jnp
import numpy as np

VOCAB = 100000
D_MODEL = 1024
MAX_LEN = 4096
B = 4
S = 4096


def _make_pos_encoding():
    factor = 10000.0 ** (np.arange(0, D_MODEL, 2, dtype=np.float32) / D_MODEL)
    pos = np.arange(0, MAX_LEN, dtype=np.float32)[:, None]
    pe = np.zeros((MAX_LEN, D_MODEL), dtype=np.float32)
    pe[:, 0::2] = np.sin(pos / factor)
    pe[:, 1::2] = np.cos(pos / factor)
    return jnp.asarray(pe)


def setup_inputs(seed: int = 0) -> dict:
    key = jax.random.key(seed)
    k1, k2 = jax.random.split(key)
    x = jax.random.randint(k1, (B, S), 0, VOCAB, dtype=jnp.int64 if jax.config.jax_enable_x64 else jnp.int32)
    table = jax.random.normal(k2, (VOCAB, D_MODEL), dtype=jnp.float32)
    # padding_idx=0 -> row 0 zeroed at init
    table = table.at[0].set(0.0)
    pos_encoding = _make_pos_encoding()
    return {"x": x, "table": table, "pos_encoding": pos_encoding}


def reference(x, table, pos_encoding):
    # TokenEmbedding: gather rows from the embedding table
    tok_emb = jnp.take(table, x, axis=0)               # [B, S, D]
    # PositionEmbedding: constant sinusoidal encoding, broadcast over batch
    seq_len = x.shape[1]
    pos_emb = pos_encoding[:seq_len, :][None, :, :]    # [1, S, D]
    # Dropout in eval mode -> identity
    return tok_emb + pos_emb

if __name__ == "__main__":
    import jax
    _d = setup_inputs()
    print(jax.jit(kernel)(*tuple(_d.values())))

</pallas_src>

<mosaic_0001>
#map = affine_map<(d0, d1) -> (0)>
#map1 = affine_map<(d0, d1) -> (0, 0)>
module attributes {stable_mosaic.version = 14 : i64} {
  func.func @_embed_sc(%arg0: i32, %arg1: i32, %arg2: memref<16384xi32, #tpu.memory_space<hbm>>, %arg3: memref<100000x1024xf32, #tpu.memory_space<hbm>>, %arg4: memref<4096x1024xf32, #tpu.memory_space<hbm>>, %arg5: memref<16384x1024xf32, #tpu.memory_space<hbm>>, %arg6: memref<512xi32, #tpu.memory_space<vmem>>, %arg7: memref<512xi32, #tpu.memory_space<vmem>>, %arg8: memref<16x32xi32, #tpu.memory_space<vmem>>, %arg9: memref<96x1024xf32, #tpu.memory_space<vmem>>, %arg10: memref<8x1024xf32, #tpu.memory_space<vmem>>, %arg11: memref<8x1024xf32, #tpu.memory_space<vmem>>, %arg12: memref<8x1024xf32, #tpu.memory_space<vmem>>, %arg13: memref<!tpu.dma_semaphore, #tpu.memory_space<semaphore_mem>>, %arg14: memref<!tpu.dma_semaphore, #tpu.memory_space<semaphore_mem>>, %arg15: memref<!tpu.dma_semaphore, #tpu.memory_space<semaphore_mem>>, %arg16: memref<!tpu.dma_semaphore, #tpu.memory_space<semaphore_mem>>, %arg17: memref<!tpu.dma_semaphore, #tpu.memory_space<semaphore_mem>>, %arg18: memref<!tpu.dma_semaphore, #tpu.memory_space<semaphore_mem>>, %arg19: memref<!tpu.dma_semaphore, #tpu.memory_space<semaphore_mem>>, %arg20: memref<!tpu.dma_semaphore, #tpu.memory_space<semaphore_mem>>, %arg21: memref<!tpu.dma_semaphore, #tpu.memory_space<semaphore_mem>>) attributes {dimension_semantics = [#tpu.dimension_semantics<core_parallel>, #tpu.dimension_semantics<subcore_parallel>], iteration_bounds = array<i64: 2, 16>, scalar_prefetch = 0 : i64, scratch_operands = 16 : i64, tpu.core_type = #tpu.core_type<sc_vector_subcore>, window_params = [{transform_indices = #map}, {transform_indices = #map1}, {transform_indices = #map1}, {transform_indices = #map1}]} {
    %mul3A = arith.constant 2 : i32
    %mul3A_0 = arith.muli %arg1, %mul3A : i32
    %add3A = arith.addi %mul3A_0, %arg0 : i32
    %mul3A_1 = arith.constant 128 : i32
    %mul3A_2 = arith.muli %add3A, %mul3A_1 : i32
    %iota3A = tpu.iota {dimensions = array<i32: 0>} : vector<16xi32>
    %shift_right_logical3A = arith.constant 2 : i32
    %shift_right_logical3A_3 = vector.broadcast %shift_right_logical3A : i32 to vector<16xi32>
    %shift_right_logical3A_4 = arith.shrui %iota3A, %shift_right_logical3A_3 : vector<16xi32>
    %and3A = arith.constant 3 : i32
    %and3A_5 = vector.broadcast %and3A : i32 to vector<16xi32>
    %and3A_6 = arith.andi %iota3A, %and3A_5 : vector<16xi32>
    %mul3A_7 = arith.constant 128 : i32
    %mul3A_8 = vector.broadcast %mul3A_7 : i32 to vector<16xi32>
    %mul3A_9 = arith.muli %shift_right_logical3A_4, %mul3A_8 : vector<16xi32>
    %add3A_10 = arith.addi %mul3A_9, %and3A_6 : vector<16xi32>
    %mul3A_11 = arith.constant 4096 : i32
    %mul3A_12 = vector.broadcast %mul3A_11 : i32 to vector<16xi32>
    %mul3A_13 = arith.muli %shift_right_logical3A_4, %mul3A_12 : vector<16xi32>
    %add3A_14 = vector.broadcast %mul3A_2 : i32 to vector<16xi32>
    %add3A_15 = arith.addi %mul3A_13, %add3A_14 : vector<16xi32>
    %add3A_16 = arith.addi %add3A_15, %and3A_6 : vector<16xi32>
    %add3A_17 = arith.constant 0 : i32
    %add3A_18 = arith.addi %mul3A_2, %add3A_17 : i32
    %dma_start3A = arith.constant 0 : i32
    %dma_start3A_19 = tpu.memref_slice %arg4[%add3A_18, %dma_start3A] : memref<4096x1024xf32, #tpu.memory_space<hbm>> -> memref<8x1024xf32, #tpu.memory_space<hbm>>
    %dma_start3A_20 = arith.constant 0 : i32
    %dma_start3A_21 = tpu.memref_slice %arg4[%add3A_18, %dma_start3A_20] : memref<4096x1024xf32, #tpu.memory_space<hbm>> -> memref<8x1024xf32, #tpu.memory_space<hbm>>
    tpu.enqueue_dma source(%dma_start3A_21 : memref<8x1024xf32, #tpu.memory_space<hbm>>) target(%arg10 : memref<8x1024xf32, #tpu.memory_space<vmem>>) target_semaphore(%arg16 : memref<!tpu.dma_semaphore, #tpu.memory_space<semaphore_mem>>)
    %add3A_22 = arith.constant 8 : i32
    %add3A_23 = arith.addi %mul3A_2, %add3A_22 : i32
    %dma_start3A_24 = arith.constant 0 : i32
    %dma_start3A_25 = tpu.memref_slice %arg4[%add3A_23, %dma_start3A_24] : memref<4096x1024xf32, #tpu.memory_space<hbm>> -> memref<8x1024xf32, #tpu.memory_space<hbm>>
    %dma_start3A_26 = arith.constant 0 : i32
    %dma_start3A_27 = tpu.memref_slice %arg4[%add3A_23, %dma_start3A_26] : memref<4096x1024xf32, #tpu.memory_space<hbm>> -> memref<8x1024xf32, #tpu.memory_space<hbm>>
    tpu.enqueue_dma source(%dma_start3A_27 : memref<8x1024xf32, #tpu.memory_space<hbm>>) target(%arg11 : memref<8x1024xf32, #tpu.memory_space<vmem>>) target_semaphore(%arg17 : memref<!tpu.dma_semaphore, #tpu.memory_space<semaphore_mem>>)
    %add3A_28 = arith.constant 0 : i32
    %add3A_29 = arith.addi %add3A_28, %mul3A_2 : i32
    %dma_start3A_30 = arith.constant 0 : i32
    %dma_start3A_31 = tpu.memref_slice %arg6[%dma_start3A_30] : memref<512xi32, #tpu.memory_space<vmem>> -> memref<128xi32, #tpu.memory_space<vmem>>
    %dma_start3A_32 = tpu.memref_slice %arg2[%add3A_29] : memref<16384xi32, #tpu.memory_space<hbm>> -> memref<128xi32, #tpu.memory_space<hbm>>
    %dma_start3A_33 = arith.constant 0 : i32
    %dma_start3A_34 = tpu.memref_slice %arg6[%dma_start3A_33] : memref<512xi32, #tpu.memory_space<vmem>> -> memref<128xi32, #tpu.memory_space<vmem>>
    %dma_start3A_35 = tpu.memref_slice %arg2[%add3A_29] : memref<16384xi32, #tpu.memory_space<hbm>> -> memref<128xi32, #tpu.memory_space<hbm>>
    tpu.enqueue_dma source(%dma_start3A_35 : memref<128xi32, #tpu.memory_space<hbm>>) target(%dma_start3A_34 : memref<128xi32, #tpu.memory_space<vmem>>) target_semaphore(%arg19 : memref<!tpu.dma_semaphore, #tpu.memory_space<semaphore_mem>>)
    %add3A_36 = arith.constant 4096 : i32
    %add3A_37 = arith.addi %add3A_36, %mul3A_2 : i32
    %dma_start3A_38 = arith.constant 128 : i32
    %dma_start3A_39 = tpu.memref_slice %arg6[%dma_start3A_38] : memref<512xi32, #tpu.memory_space<vmem>> -> memref<128xi32, #tpu.memory_space<vmem>>
    %dma_start3A_40 = tpu.memref_slice %arg2[%add3A_37] : memref<16384xi32, #tpu.memory_space<hbm>> -> memref<128xi32, #tpu.memory_space<hbm>>
    %dma_start3A_41 = arith.constant 128 : i32
    %dma_start3A_42 = tpu.memref_slice %arg6[%dma_start3A_41] : memref<512xi32, #tpu.memory_space<vmem>> -> memref<128xi32, #tpu.memory_space<vmem>>
    %dma_start3A_43 = tpu.memref_slice %arg2[%add3A_37] : memref<16384xi32, #tpu.memory_space<hbm>> -> memref<128xi32, #tpu.memory_space<hbm>>
    tpu.enqueue_dma source(%dma_start3A_43 : memref<128xi32, #tpu.memory_space<hbm>>) target(%dma_start3A_42 : memref<128xi32, #tpu.memory_space<vmem>>) target_semaphore(%arg19 : memref<!tpu.dma_semaphore, #tpu.memory_space<semaphore_mem>>)
    %add3A_44 = arith.constant 8192 : i32
    %add3A_45 = arith.addi %add3A_44, %mul3A_2 : i32
    %dma_start3A_46 = arith.constant 256 : i32
    %dma_start3A_47 = tpu.memref_slice %arg6[%dma_start3A_46] : memref<512xi32, #tpu.memory_space<vmem>> -> memref<128xi32, #tpu.memory_space<vmem>>
    %dma_start3A_48 = tpu.memref_slice %arg2[%add3A_45] : memref<16384xi32, #tpu.memory_space<hbm>> -> memref<128xi32, #tpu.memory_space<hbm>>
    %dma_start3A_49 = arith.constant 256 : i32
    %dma_start3A_50 = tpu.memref_slice %arg6[%dma_start3A_49] : memref<512xi32, #tpu.memory_space<vmem>> -> memref<128xi32, #tpu.memory_space<vmem>>
    %dma_start3A_51 = tpu.memref_slice %arg2[%add3A_45] : memref<16384xi32, #tpu.memory_space<hbm>> -> memref<128xi32, #tpu.memory_space<hbm>>
    tpu.enqueue_dma source(%dma_start3A_51 : memref<128xi32, #tpu.memory_space<hbm>>) target(%dma_start3A_50 : memref<128xi32, #tpu.memory_space<vmem>>) target_semaphore(%arg19 : memref<!tpu.dma_semaphore, #tpu.memory_space<semaphore_mem>>)
    %add3A_52 = arith.constant 12288 : i32
    %add3A_53 = arith.addi %add3A_52, %mul3A_2 : i32
    %dma_start3A_54 = arith.constant 384 : i32
    %dma_start3A_55 = tpu.memref_slice %arg6[%dma_start3A_54] : memref<512xi32, #tpu.memory_space<vmem>> -> memref<128xi32, #tpu.memory_space<vmem>>
    %dma_start3A_56 = tpu.memref_slice %arg2[%add3A_53] : memref<16384xi32, #tpu.memory_space<hbm>> -> memref<128xi32, #tpu.memory_space<hbm>>
    %dma_start3A_57 = arith.constant 384 : i32
    %dma_start3A_58 = tpu.memref_slice %arg6[%dma_start3A_57] : memref<512xi32, #tpu.memory_space<vmem>> -> memref<128xi32, #tpu.memory_space<vmem>>
    %dma_start3A_59 = tpu.memref_slice %arg2[%add3A_53] : memref<16384xi32, #tpu.memory_space<hbm>> -> memref<128xi32, #tpu.memory_space<hbm>>
    tpu.enqueue_dma source(%dma_start3A_59 : memref<128xi32, #tpu.memory_space<hbm>>) target(%dma_start3A_58 : memref<128xi32, #tpu.memory_space<vmem>>) target_semaphore(%arg19 : memref<!tpu.dma_semaphore, #tpu.memory_space<semaphore_mem>>)
    %dma_wait3A = arith.constant 0 : i32
    %dma_wait3A_60 = tpu.memref_slice %arg6[%dma_wait3A] : memref<512xi32, #tpu.memory_space<vmem>> -> memref<128xi32, #tpu.memory_space<vmem>>
    %dma_wait3A_61 = tpu.memref_slice %arg2[%add3A_29] : memref<16384xi32, #tpu.memory_space<hbm>> -> memref<128xi32, #tpu.memory_space<hbm>>
    %dma_wait3A_62 = arith.constant 0 : i32
    %dma_wait3A_63 = tpu.memref_slice %arg6[%dma_wait3A_62] : memref<512xi32, #tpu.memory_space<vmem>> -> memref<128xi32, #tpu.memory_space<vmem>>
    %dma_wait3A_64 = tpu.memref_slice %arg2[%add3A_29] : memref<16384xi32, #tpu.memory_space<hbm>> -> memref<128xi32, #tpu.memory_space<hbm>>
    tpu.wait_dma2 semaphore(%arg19 : memref<!tpu.dma_semaphore, #tpu.memory_space<semaphore_mem>>) src(%dma_wait3A_64 : memref<128xi32, #tpu.memory_space<hbm>>) dst(%dma_wait3A_63 : memref<128xi32, #tpu.memory_space<vmem>>)
    %dma_wait3A_65 = arith.constant 128 : i32
    %dma_wait3A_66 = tpu.memref_slice %arg6[%dma_wait3A_65] : memref<512xi32, #tpu.memory_space<vmem>> -> memref<128xi32, #tpu.memory_space<vmem>>
    %dma_wait3A_67 = tpu.memref_slice %arg2[%add3A_37] : memref<16384xi32, #tpu.memory_space<hbm>> -> memref<128xi32, #tpu.memory_space<hbm>>
    %dma_wait3A_68 = arith.constant 128 : i32
    %dma_wait3A_69 = tpu.memref_slice %arg6[%dma_wait3A_68] : memref<512xi32, #tpu.memory_space<vmem>> -> memref<128xi32, #tpu.memory_space<vmem>>
    %dma_wait3A_70 = tpu.memref_slice %arg2[%add3A_37] : memref<16384xi32, #tpu.memory_space<hbm>> -> memref<128xi32, #tpu.memory_space<hbm>>
    tpu.wait_dma2 semaphore(%arg19 : memref<!tpu.dma_semaphore, #tpu.memory_space<semaphore_mem>>) src(%dma_wait3A_70 : memref<128xi32, #tpu.memory_space<hbm>>) dst(%dma_wait3A_69 : memref<128xi32, #tpu.memory_space<vmem>>)
    %dma_wait3A_71 = arith.constant 256 : i32
    %dma_wait3A_72 = tpu.memref_slice %arg6[%dma_wait3A_71] : memref<512xi32, #tpu.memory_space<vmem>> -> memref<128xi32, #tpu.memory_space<vmem>>
    %dma_wait3A_73 = tpu.memref_slice %arg2[%add3A_45] : memref<16384xi32, #tpu.memory_space<hbm>> -> memref<128xi32, #tpu.memory_space<hbm>>
    %dma_wait3A_74 = arith.constant 256 : i32
    %dma_wait3A_75 = tpu.memref_slice %arg6[%dma_wait3A_74] : memref<512xi32, #tpu.memory_space<vmem>> -> memref<128xi32, #tpu.memory_space<vmem>>
    %dma_wait3A_76 = tpu.memref_slice %arg2[%add3A_45] : memref<16384xi32, #tpu.memory_space<hbm>> -> memref<128xi32, #tpu.memory_space<hbm>>
    tpu.wait_dma2 semaphore(%arg19 : memref<!tpu.dma_semaphore, #tpu.memory_space<semaphore_mem>>) src(%dma_wait3A_76 : memref<128xi32, #tpu.memory_space<hbm>>) dst(%dma_wait3A_75 : memref<128xi32, #tpu.memory_space<vmem>>)
    %dma_wait3A_77 = arith.constant 384 : i32
    %dma_wait3A_78 = tpu.memref_slice %arg6[%dma_wait3A_77] : memref<512xi32, #tpu.memory_space<vmem>> -> memref<128xi32, #tpu.memory_space<vmem>>
    %dma_wait3A_79 = tpu.memref_slice %arg2[%add3A_53] : memref<16384xi32, #tpu.memory_space<hbm>> -> memref<128xi32, #tpu.memory_space<hbm>>
    %dma_wait3A_80 = arith.constant 384 : i32
    %dma_wait3A_81 = tpu.memref_slice %arg6[%dma_wait3A_80] : memref<512xi32, #tpu.memory_space<vmem>> -> memref<128xi32, #tpu.memory_space<vmem>>
    %dma_wait3A_82 = tpu.memref_slice %arg2[%add3A_53] : memref<16384xi32, #tpu.memory_space<hbm>> -> memref<128xi32, #tpu.memory_space<hbm>>
    tpu.wait_dma2 semaphore(%arg19 : memref<!tpu.dma_semaphore, #tpu.memory_space<semaphore_mem>>) src(%dma_wait3A_82 : memref<128xi32, #tpu.memory_space<hbm>>) dst(%dma_wait3A_81 : memref<128xi32, #tpu.memory_space<vmem>>)
    %add3A_83 = arith.constant 0 : i32
    %add3A_84 = vector.broadcast %add3A_83 : i32 to vector<16xi32>
    %add3A_85 = arith.addi %add3A_10, %add3A_84 : vector<16xi32>
    %gather3A = tpu.vector_load_idx %arg6[%add3A_85] : memref<512xi32, #tpu.memory_space<vmem>>[vector<16xi32>], vector<16xi32>,
    %swap3A = arith.constant 0 : index
    %swap3A_86 = tpu.vector_load %arg7[%swap3A] {strides = array<i32>} : memref<512xi32, #tpu.memory_space<vmem>>, vector<16xi32>,
    tpu.vector_store %arg7[%swap3A], %gather3A {strides = array<i32>} : memref<512xi32, #tpu.memory_space<vmem>>, vector<16xi32>,
    %add3A_87 = arith.constant 0 : i32
    %add3A_88 = vector.broadcast %add3A_87 : i32 to vector<16xi32>
    %add3A_89 = arith.addi %add3A_16, %add3A_88 : vector<16xi32>
    %swap3A_90 = arith.constant 0 : i32
    %swap3A_91 = arith.index_cast %swap3A_90 : i32 to index
    %swap3A_92 = arith.constant 0 : index
    %swap3A_93 = tpu.vector_load %arg8[%swap3A_91, %swap3A_92] {strides = array<i32>} : memref<16x32xi32, #tpu.memory_space<vmem>>, vector<16xi32>,
    tpu.vector_store %arg8[%swap3A_91, %swap3A_92], %add3A_89 {strides = array<i32>} : memref<16x32xi32, #tpu.memory_space<vmem>>, vector<16xi32>,
    %add3A_94 = arith.constant 4 : i32
    %add3A_95 = vector.broadcast %add3A_94 : i32 to vector<16xi32>
    %add3A_96 = arith.addi %add3A_10, %add3A_95 : vector<16xi32>
    %gather3A_97 = tpu.vector_load_idx %arg6[%add3A_96] : memref<512xi32, #tpu.memory_space<vmem>>[vector<16xi32>], vector<16xi32>,
    %swap3A_98 = arith.constant 16 : index
    %swap3A_99 = tpu.vector_load %arg7[%swap3A_98] {strides = array<i32>} : memref<512xi32, #tpu.memory_space<vmem>>, vector<16xi32>,
    tpu.vector_store %arg7[%swap3A_98], %gather3A_97 {strides = array<i32>} : memref<512xi32, #tpu.memory_space<vmem>>, vector<16xi32>,
    %add3A_100 = arith.constant 4 : i32
    %add3A_101 = vector.broadcast %add3A_100 : i32 to vector<16xi32>
    %add3A_102 = arith.addi %add3A_16, %add3A_101 : vector<16xi32>
    %swap3A_103 = arith.constant 0 : i32
    %swap3A_104 = arith.index_cast %swap3A_103 : i32 to index
    %swap3A_105 = arith.constant 16 : index
    %swap3A_106 = tpu.vector_load %arg8[%swap3A_104, %swap3A_105] {strides = array<i32>} : memref<16x32xi32, #tpu.memory_space<vmem>>, vector<16xi32>,
    tpu.vector_store %arg8[%swap3A_104, %swap3A_105], %add3A_102 {strides = array<i32>} : memref<16x32xi32, #tpu.memory_space<vmem>>, vector<16xi32>,
    %add3A_107 = arith.constant 8 : i32
    %add3A_108 = vector.broadcast %add3A_107 : i32 to vector<16xi32>
    %add3A_109 = arith.addi %add3A_10, %add3A_108 : vector<16xi32>
    %gather3A_110 = tpu.vector_load_idx %arg6[%add3A_109] : memref<512xi32, #tpu.memory_space<vmem>>[vector<16xi32>], vector<16xi32>,
    %swap3A_111 = arith.constant 32 : index
    %swap3A_112 = tpu.vector_load %arg7[%swap3A_111] {strides = array<i32>} : memref<512xi32, #tpu.memory_space<vmem>>, vector<16xi32>,
    tpu.vector_store %arg7[%swap3A_111], %gather3A_110 {strides = array<i32>} : memref<512xi32, #tpu.memory_space<vmem>>, vector<16xi32>,
    %add3A_113 = arith.constant 8 : i32
    %add3A_114 = vector.broadcast %add3A_113 : i32 to vector<16xi32>
    %add3A_115 = arith.addi %add3A_16, %add3A_114 : vector<16xi32>
    %swap3A_116 = arith.constant 1 : i32
    %swap3A_117 = arith.index_cast %swap3A_116 : i32 to index
    %swap3A_118 = arith.constant 0 : index
    %swap3A_119 = tpu.vector_load %arg8[%swap3A_117, %swap3A_118] {strides = array<i32>} : memref<16x32xi32, #tpu.memory_space<vmem>>, vector<16xi32>,
    tpu.vector_store %arg8[%swap3A_117, %swap3A_118], %add3A_115 {strides = array<i32>} : memref<16x32xi32, #tpu.memory_space<vmem>>, vector<16xi32>,
    %add3A_120 = arith.constant 12 : i32
    %add3A_121 = vector.broadcast %add3A_120 : i32 to vector<16xi32>
    %add3A_122 = arith.addi %add3A_10, %add3A_121 : vector<16xi32>
    %gather3A_123 = tpu.vector_load_idx %arg6[%add3A_122] : memref<512xi32, #tpu.memory_space<vmem>>[vector<16xi32>], vector<16xi32>,
    %swap3A_124 = arith.constant 48 : index
    %swap3A_125 = tpu.vector_load %arg7[%swap3A_124] {strides = array<i32>} : memref<512xi32, #tpu.memory_space<vmem>>, vector<16xi32>,
    tpu.vector_store %arg7[%swap3A_124], %gather3A_123 {strides = array<i32>} : memref<512xi32, #tpu.memory_space<vmem>>, vector<16xi32>,
    %add3A_126 = arith.constant 12 : i32
    %add3A_127 = vector.broadcast %add3A_126 : i32 to vector<16xi32>
    %add3A_128 = arith.addi %add3A_16, %add3A_127 : vector<16xi32>
    %swap3A_129 = arith.constant 1 : i32
    %swap3A_130 = arith.index_cast %swap3A_129 : i32 to index
    %swap3A_131 = arith.constant 16 : index
    %swap3A_132 = tpu.vector_load %arg8[%swap3A_130, %swap3A_131] {strides = array<i32>} : memref<16x32xi32, #tpu.memory_space<vmem>>, vector<16xi32>,
    tpu.vector_store %arg8[%swap3A_130, %swap3A_131], %add3A_128 {strides = array<i32>} : memref<16x32xi32, #tpu.memory_space<vmem>>, vector<16xi32>,
    %add3A_133 = arith.constant 16 : i32
    %add3A_134 = vector.broadcast %add3A_133 : i32 to vector<16xi32>
    %add3A_135 = arith.addi %add3A_10, %add3A_134 : vector<16xi32>
    %gather3A_136 = tpu.vector_load_idx %arg6[%add3A_135] : memref<512xi32, #tpu.memory_space<vmem>>[vector<16xi32>], vector<16xi32>,
    %swap3A_137 = arith.constant 64 : index
    %swap3A_138 = tpu.vector_load %arg7[%swap3A_137] {strides = array<i32>} : memref<512xi32, #tpu.memory_space<vmem>>, vector<16xi32>,
    tpu.vector_store %arg7[%swap3A_137], %gather3A_136 {strides = array<i32>} : memref<512xi32, #tpu.memory_space<vmem>>, vector<16xi32>,
    %add3A_139 = arith.constant 16 : i32
    %add3A_140 = vector.broadcast %add3A_139 : i32 to vector<16xi32>
    %add3A_141 = arith.addi %add3A_16, %add3A_140 : vector<16xi32>
    %swap3A_142 = arith.constant 2 : i32
    %swap3A_143 = arith.index_cast %swap3A_142 : i32 to index
    %swap3A_144 = arith.constant 0 : index
    %swap3A_145 = tpu.vector_load %arg8[%swap3A_143, %swap3A_144] {strides = array<i32>} : memref<16x32xi32, #tpu.memory_space<vmem>>, vector<16xi32>,
    tpu.vector_store %arg8[%swap3A_143, %swap3A_144], %add3A_141 {strides = array<i32>} : memref<16x32xi32, #tpu.memory_space<vmem>>, vector<16xi32>,
    %add3A_146 = arith.constant 20 : i32
    %add3A_147 = vector.broadcast %add3A_146 : i32 to vector<16xi32>
    %add3A_148 = arith.addi %add3A_10, %add3A_147 : vector<16xi32>
    %gather3A_149 = tpu.vector_load_idx %arg6[%add3A_148] : memref<512xi32, #tpu.memory_space<vmem>>[vector<16xi32>], vector<16xi32>,
    %swap3A_150 = arith.constant 80 : index
    %swap3A_151 = tpu.vector_load %arg7[%swap3A_150] {strides = array<i32>} : memref<512xi32, #tpu.memory_space<vmem>>, vector<16xi32>,
    tpu.vector_store %arg7[%swap3A_150], %gather3A_149 {strides = array<i32>} : memref<512xi32, #tpu.memory_space<vmem>>, vector<16xi32>,
    %add3A_152 = arith.constant 20 : i32
    %add3A_153 = vector.broadcast %add3A_152 : i32 to vector<16xi32>
    %add3A_154 = arith.addi %add3A_16, %add3A_153 : vector<16xi32>
    %swap3A_155 = arith.constant 2 : i32
    %swap3A_156 = arith.index_cast %swap3A_155 : i32 to index
    %swap3A_157 = arith.constant 16 : index
    %swap3A_158 = tpu.vector_load %arg8[%swap3A_156, %swap3A_157] {strides = array<i32>} : memref<16x32xi32, #tpu.memory_space<vmem>>, vector<16xi32>,
    tpu.vector_store %arg8[%swap3A_156, %swap3A_157], %add3A_154 {strides = array<i32>} : memref<16x32xi32, #tpu.memory_space<vmem>>, vector<16xi32>,
    %add3A_159 = arith.constant 24 : i32
    %add3A_160 = vector.broadcast %add3A_159 : i32 to vector<16xi32>
    %add3A_161 = arith.addi %add3A_10, %add3A_160 : vector<16xi32>
    %gather3A_162 = tpu.vector_load_idx %arg6[%add3A_161] : memref<512xi32, #tpu.memory_space<vmem>>[vector<16xi32>], vector<16xi32>,
    %swap3A_163 = arith.constant 96 : index
    %swap3A_164 = tpu.vector_load %arg7[%swap3A_163] {strides = array<i32>} : memref<512xi32, #tpu.memory_space<vmem>>, vector<16xi32>,
    tpu.vector_store %arg7[%swap3A_163], %gather3A_162 {strides = array<i32>} : memref<512xi32, #tpu.memory_space<vmem>>, vector<16xi32>,
    %add3A_165 = arith.constant 24 : i32
    %add3A_166 = vector.broadcast %add3A_165 : i32 to vector<16xi32>
    %add3A_167 = arith.addi %add3A_16, %add3A_166 : vector<16xi32>
    %swap3A_168 = arith.constant 3 : i32
    %swap3A_169 = arith.index_cast %swap3A_168 : i32 to index
    %swap3A_170 = arith.constant 0 : index
    %swap3A_171 = tpu.vector_load %arg8[%swap3A_169, %swap3A_170] {strides = array<i32>} : memref<16x32xi32, #tpu.memory_space<vmem>>, vector<16xi32>,
    tpu.vector_store %arg8[%swap3A_169, %swap3A_170], %add3A_167 {strides = array<i32>} : memref<16x32xi32, #tpu.memory_space<vmem>>, vector<16xi32>,
    %add3A_172 = arith.constant 28 : i32
    %add3A_173 = vector.broadcast %add3A_172 : i32 to vector<16xi32>
    %add3A_174 = arith.addi %add3A_10, %add3A_173 : vector<16xi32>
    %gather3A_175 = tpu.vector_load_idx %arg6[%add3A_174] : memref<512xi32, #tpu.memory_space<vmem>>[vector<16xi32>], vector<16xi32>,
    %swap3A_176 = arith.constant 112 : index
    %swap3A_177 = tpu.vector_load %arg7[%swap3A_176] {strides = array<i32>} : memref<512xi32, #tpu.memory_space<vmem>>, vector<16xi32>,
    tpu.vector_store %arg7[%swap3A_176], %gather3A_175 {strides = array<i32>} : memref<512xi32, #tpu.memory_space<vmem>>, vector<16xi32>,
    %add3A_178 = arith.constant 28 : i32
    %add3A_179 = vector.broadcast %add3A_178 : i32 to vector<16xi32>
    %add3A_180 = arith.addi %add3A_16, %add3A_179 : vector<16xi32>
    %swap3A_181 = arith.constant 3 : i32
    %swap3A_182 = arith.index_cast %swap3A_181 : i32 to index
    %swap3A_183 = arith.constant 16 : index
    %swap3A_184 = tpu.vector_load %arg8[%swap3A_182, %swap3A_183] {strides = array<i32>} : memref<16x32xi32, #tpu.memory_space<vmem>>, vector<16xi32>,
    tpu.vector_store %arg8[%swap3A_182, %swap3A_183], %add3A_180 {strides = array<i32>} : memref<16x32xi32, #tpu.memory_space<vmem>>, vector<16xi32>,
    %add3A_185 = arith.constant 32 : i32
    %add3A_186 = vector.broadcast %add3A_185 : i32 to vector<16xi32>
    %add3A_187 = arith.addi %add3A_10, %add3A_186 : vector<16xi32>
    %gather3A_188 = tpu.vector_load_idx %arg6[%add3A_187] : memref<512xi32, #tpu.memory_space<vmem>>[vector<16xi32>], vector<16xi32>,
    %swap3A_189 = arith.constant 128 : index
    %swap3A_190 = tpu.vector_load %arg7[%swap3A_189] {strides = array<i32>} : memref<512xi32, #tpu.memory_space<vmem>>, vector<16xi32>,
    tpu.vector_store %arg7[%swap3A_189], %gather3A_188 {strides = array<i32>} : memref<512xi32, #tpu.memory_space<vmem>>, vector<16xi32>,
    %add3A_191 = arith.constant 32 : i32
    %add3A_192 = vector.broadcast %add3A_191 : i32 to vector<16xi32>
    %add3A_193 = arith.addi %add3A_16, %add3A_192 : vector<16xi32>
    %swap3A_194 = arith.constant 4 : i32
    %swap3A_195 = arith.index_cast %swap3A_194 : i32 to index
    %swap3A_196 = arith.constant 0 : index
    %swap3A_197 = tpu.vector_load %arg8[%swap3A_195, %swap3A_196] {strides = array<i32>} : memref<16x32xi32, #tpu.memory_space<vmem>>, vector<16xi32>,
    tpu.vector_store %arg8[%swap3A_195, %swap3A_196], %add3A_193 {strides = array<i32>} : memref<16x32xi32, #tpu.memory_space<vmem>>, vector<16xi32>,
    %add3A_198 = arith.constant 36 : i32
    %add3A_199 = vector.broadcast %add3A_198 : i32 to vector<16xi32>
    %add3A_200 = arith.addi %add3A_10, %add3A_199 : vector<16xi32>
    %gather3A_201 = tpu.vector_load_idx %arg6[%add3A_200] : memref<512xi32, #tpu.memory_space<vmem>>[vector<16xi32>], vector<16xi32>,
    %swap3A_202 = arith.constant 144 : index
    %swap3A_203 = tpu.vector_load %arg7[%swap3A_202] {strides = array<i32>} : memref<512xi32, #tpu.memory_space<vmem>>, vector<16xi32>,
    tpu.vector_store %arg7[%swap3A_202], %gather3A_201 {strides = array<i32>} : memref<512xi32, #tpu.memory_space<vmem>>, vector<16xi32>,
    %add3A_204 = arith.constant 36 : i32
    %add3A_205 = vector.broadcast %add3A_204 : i32 to vector<16xi32>
    %add3A_206 = arith.addi %add3A_16, %add3A_205 : vector<16xi32>
    %swap3A_207 = arith.constant 4 : i32
    %swap3A_208 = arith.index_cast %swap3A_207 : i32 to index
    %swap3A_209 = arith.constant 16 : index
    %swap3A_210 = tpu.vector_load %arg8[%swap3A_208, %swap3A_209] {strides = array<i32>} : memref<16x32xi32, #tpu.memory_space<vmem>>, vector<16xi32>,
    tpu.vector_store %arg8[%swap3A_208, %swap3A_209], %add3A_206 {strides = array<i32>} : memref<16x32xi32, #tpu.memory_space<vmem>>, vector<16xi32>,
    %add3A_211 = arith.constant 40 : i32
    %add3A_212 = vector.broadcast %add3A_211 : i32 to vector<16xi32>
    %add3A_213 = arith.addi %add3A_10, %add3A_212 : vector<16xi32>
    %gather3A_214 = tpu.vector_load_idx %arg6[%add3A_213] : memref<512xi32, #tpu.memory_space<vmem>>[vector<16xi32>], vector<16xi32>,
    %swap3A_215 = arith.constant 160 : index
    %swap3A_216 = tpu.vector_load %arg7[%swap3A_215] {strides = array<i32>} : memref<512xi32, #tpu.memory_space<vmem>>, vector<16xi32>,
    tpu.vector_store %arg7[%swap3A_215], %gather3A_214 {strides = array<i32>} : memref<512xi32, #tpu.memory_space<vmem>>, vector<16xi32>,
    %add3A_217 = arith.constant 40 : i32
    %add3A_218 = vector.broadcast %add3A_217 : i32 to vector<16xi32>
    %add3A_219 = arith.addi %add3A_16, %add3A_218 : vector<16xi32>
    %swap3A_220 = arith.constant 5 : i32
    %swap3A_221 = arith.index_cast %swap3A_220 : i32 to index
    %swap3A_222 = arith.constant 0 : index
    %swap3A_223 = tpu.vector_load %arg8[%swap3A_221, %swap3A_222] {strides = array<i32>} : memref<16x32xi32, #tpu.memory_space<vmem>>, vector<16xi32>,
    tpu.vector_store %arg8[%swap3A_221, %swap3A_222], %add3A_219 {strides = array<i32>} : memref<16x32xi32, #tpu.memory_space<vmem>>, vector<16xi32>,
    %add3A_224 = arith.constant 44 : i32
    %add3A_225 = vector.broadcast %add3A_224 : i32 to vector<16xi32>
    %add3A_226 = arith.addi %add3A_10, %add3A_225 : vector<16xi32>
    %gather3A_227 = tpu.vector_load_idx %arg6[%add3A_226] : memref<512xi32, #tpu.memory_space<vmem>>[vector<16xi32>], vector<16xi32>,
    %swap3A_228 = arith.constant 176 : index
    %swap3A_229 = tpu.vector_load %arg7[%swap3A_228] {strides = array<i32>} : memref<512xi32, #tpu.memory_space<vmem>>, vector<16xi32>,
    tpu.vector_store %arg7[%swap3A_228], %gather3A_227 {strides = array<i32>} : memref<512xi32, #tpu.memory_space<vmem>>, vector<16xi32>,
    %add3A_230 = arith.constant 44 : i32
    %add3A_231 = vector.broadcast %add3A_230 : i32 to vector<16xi32>
    %add3A_232 = arith.addi %add3A_16, %add3A_231 : vector<16xi32>
    %swap3A_233 = arith.constant 5 : i32
    %swap3A_234 = arith.index_cast %swap3A_233 : i32 to index
    %swap3A_235 = arith.constant 16 : index
    %swap3A_236 = tpu.vector_load %arg8[%swap3A_234, %swap3A_235] {strides = array<i32>} : memref<16x32xi32, #tpu.memory_space<vmem>>, vector<16xi32>,
    tpu.vector_store %arg8[%swap3A_234, %swap3A_235], %add3A_232 {strides = array<i32>} : memref<16x32xi32, #tpu.memory_space<vmem>>, vector<16xi32>,
    %add3A_237 = arith.constant 48 : i32
    %add3A_238 = vector.broadcast %add3A_237 : i32 to vector<16xi32>
    %add3A_239 = arith.addi %add3A_10, %add3A_238 : vector<16xi32>
    %gather3A_240 = tpu.vector_load_idx %arg6[%add3A_239] : memref<512xi32, #tpu.memory_space<vmem>>[vector<16xi32>], vector<16xi32>,
    %swap3A_241 = arith.constant 192 : index
    %swap3A_242 = tpu.vector_load %arg7[%swap3A_241] {strides = array<i32>} : memref<512xi32, #tpu.memory_space<vmem>>, vector<16xi32>,
    tpu.vector_store %arg7[%swap3A_241], %gather3A_240 {strides = array<i32>} : memref<512xi32, #tpu.memory_space<vmem>>, vector<16xi32>,
    %add3A_243 = arith.constant 48 : i32
    %add3A_244 = vector.broadcast %add3A_243 : i32 to vector<16xi32>
    %add3A_245 = arith.addi %add3A_16, %add3A_244 : vector<16xi32>
    %swap3A_246 = arith.constant 6 : i32
    %swap3A_247 = arith.index_cast %swap3A_246 : i32 to index
    %swap3A_248 = arith.constant 0 : index
    %swap3A_249 = tpu.vector_load %arg8[%swap3A_247, %swap3A_248] {strides = array<i32>} : memref<16x32xi32, #tpu.memory_space<vmem>>, vector<16xi32>,
    tpu.vector_store %arg8[%swap3A_247, %swap3A_248], %add3A_245 {strides = array<i32>} : memref<16x32xi32, #tpu.memory_space<vmem>>, vector<16xi32>,
    %add3A_250 = arith.constant 52 : i32
    %add3A_251 = vector.broadcast %add3A_250 : i32 to vector<16xi32>
    %add3A_252 = arith.addi %add3A_10, %add3A_251 : vector<16xi32>
    %gather3A_253 = tpu.vector_load_idx %arg6[%add3A_252] : memref<512xi32, #tpu.memory_space<vmem>>[vector<16xi32>], vector<16xi32>,
    %swap3A_254 = arith.constant 208 : index
    %swap3A_255 = tpu.vector_load %arg7[%swap3A_254] {strides = array<i32>} : memref<512xi32, #tpu.memory_space<vmem>>, vector<16xi32>,
    tpu.vector_store %arg7[%swap3A_254], %gather3A_253 {strides = array<i32>} : memref<512xi32, #tpu.memory_space<vmem>>, vector<16xi32>,
    %add3A_256 = arith.constant 52 : i32
    %add3A_257 = vector.broadcast %add3A_256 : i32 to vector<16xi32>
    %add3A_258 = arith.addi %add3A_16, %add3A_257 : vector<16xi32>
    %swap3A_259 = arith.constant 6 : i32
    %swap3A_260 = arith.index_cast %swap3A_259 : i32 to index
    %swap3A_261 = arith.constant 16 : index
    %swap3A_262 = tpu.vector_load %arg8[%swap3A_260, %swap3A_261] {strides = array<i32>} : memref<16x32xi32, #tpu.memory_space<vmem>>, vector<16xi32>,
    tpu.vector_store %arg8[%swap3A_260, %swap3A_261], %add3A_258 {strides = array<i32>} : memref<16x32xi32, #tpu.memory_space<vmem>>, vector<16xi32>,
    %add3A_263 = arith.constant 56 : i32
    %add3A_264 = vector.broadcast %add3A_263 : i32 to vector<16xi32>
    %add3A_265 = arith.addi %add3A_10, %add3A_264 : vector<16xi32>
    %gather3A_266 = tpu.vector_load_idx %arg6[%add3A_265] : memref<512xi32, #tpu.memory_space<vmem>>[vector<16xi32>], vector<16xi32>,
    %swap3A_267 = arith.constant 224 : index
    %swap3A_268 = tpu.vector_load %arg7[%swap3A_267] {strides = array<i32>} : memref<512xi32, #tpu.memory_space<vmem>>, vector<16xi32>,
    tpu.vector_store %arg7[%swap3A_267], %gather3A_266 {strides = array<i32>} : memref<512xi32, #tpu.memory_space<vmem>>, vector<16xi32>,
    %add3A_269 = arith.constant 56 : i32
    %add3A_270 = vector.broadcast %add3A_269 : i32 to vector<16xi32>
    %add3A_271 = arith.addi %add3A_16, %add3A_270 : vector<16xi32>
    %swap3A_272 = arith.constant 7 : i32
    %swap3A_273 = arith.index_cast %swap3A_272 : i32 to index
    %swap3A_274 = arith.constant 0 : index
    %swap3A_275 = tpu.vector_load %arg8[%swap3A_273, %swap3A_274] {strides = array<i32>} : memref<16x32xi32, #tpu.memory_space<vmem>>, vector<16xi32>,
    tpu.vector_store %arg8[%swap3A_273, %swap3A_274], %add3A_271 {strides = array<i32>} : memref<16x32xi32, #tpu.memory_space<vmem>>, vector<16xi32>,
    %add3A_276 = arith.constant 60 : i32
    %add3A_277 = vector.broadcast %add3A_276 : i32 to vector<16xi32>
    %add3A_278 = arith.addi %add3A_10, %add3A_277 : vector<16xi32>
    %gather3A_279 = tpu.vector_load_idx %arg6[%add3A_278] : memref<512xi32, #tpu.memory_space<vmem>>[vector<16xi32>], vector<16xi32>,
    %swap3A_280 = arith.constant 240 : index
    %swap3A_281 = tpu.vector_load %arg7[%swap3A_280] {strides = array<i32>} : memref<512xi32, #tpu.memory_space<vmem>>, vector<16xi32>,
    tpu.vector_store %arg7[%swap3A_280], %gather3A_279 {strides = array<i32>} : memref<512xi32, #tpu.memory_space<vmem>>, vector<16xi32>,
    %add3A_282 = arith.constant 60 : i32
    %add3A_283 = vector.broadcast %add3A_282 : i32 to vector<16xi32>
    %add3A_284 = arith.addi %add3A_16, %add3A_283 : vector<16xi32>
    %swap3A_285 = arith.constant 7 : i32
    %swap3A_286 = arith.index_cast %swap3A_285 : i32 to index
    %swap3A_287 = arith.constant 16 : index
    %swap3A_288 = tpu.vector_load %arg8[%swap3A_286, %swap3A_287] {strides = array<i32>} : memref<16x32xi32, #tpu.memory_space<vmem>>, vector<16xi32>,
    tpu.vector_store %arg8[%swap3A_286, %swap3A_287], %add3A_284 {strides = array<i32>} : memref<16x32xi32, #tpu.memory_space<vmem>>, vector<16xi32>,
    %add3A_289 = arith.constant 64 : i32
    %add3A_290 = vector.broadcast %add3A_289 : i32 to vector<16xi32>
    %add3A_291 = arith.addi %add3A_10, %add3A_290 : vector<16xi32>
    %gather3A_292 = tpu.vector_load_idx %arg6[%add3A_291] : memref<512xi32, #tpu.memory_space<vmem>>[vector<16xi32>], vector<16xi32>,
    %swap3A_293 = arith.constant 256 : index
    %swap3A_294 = tpu.vector_load %arg7[%swap3A_293] {strides = array<i32>} : memref<512xi32, #tpu.memory_space<vmem>>, vector<16xi32>,
    tpu.vector_store %arg7[%swap3A_293], %gather3A_292 {strides = array<i32>} : memref<512xi32, #tpu.memory_space<vmem>>, vector<16xi32>,
    %add3A_295 = arith.constant 64 : i32
    %add3A_296 = vector.broadcast %add3A_295 : i32 to vector<16xi32>
    %add3A_297 = arith.addi %add3A_16, %add3A_296 : vector<16xi32>
    %swap3A_298 = arith.constant 8 : i32
    %swap3A_299 = arith.index_cast %swap3A_298 : i32 to index
    %swap3A_300 = arith.constant 0 : index
    %swap3A_301 = tpu.vector_load %arg8[%swap3A_299, %swap3A_300] {strides = array<i32>} : memref<16x32xi32, #tpu.memory_space<vmem>>, vector<16xi32>,
    tpu.vector_store %arg8[%swap3A_299, %swap3A_300], %add3A_297 {strides = array<i32>} : memref<16x32xi32, #tpu.memory_space<vmem>>, vector<16xi32>,
    %add3A_302 = arith.constant 68 : i32
    %add3A_303 = vector.broadcast %add3A_302 : i32 to vector<16xi32>
    %add3A_304 = arith.addi %add3A_10, %add3A_303 : vector<16xi32>
    %gather3A_305 = tpu.vector_load_idx %arg6[%add3A_304] : memref<512xi32, #tpu.memory_space<vmem>>[vector<16xi32>], vector<16xi32>,
    %swap3A_306 = arith.constant 272 : index
    %swap3A_307 = tpu.vector_load %arg7[%swap3A_306] {strides = array<i32>} : memref<512xi32, #tpu.memory_space<vmem>>, vector<16xi32>,
    tpu.vector_store %arg7[%swap3A_306], %gather3A_305 {strides = array<i32>} : memref<512xi32, #tpu.memory_space<vmem>>, vector<16xi32>,
    %add3A_308 = arith.constant 68 : i32
    %add3A_309 = vector.broadcast %add3A_308 : i32 to vector<16xi32>
    %add3A_310 = arith.addi %add3A_16, %add3A_309 : vector<16xi32>
    %swap3A_311 = arith.constant 8 : i32
    %swap3A_312 = arith.index_cast %swap3A_311 : i32 to index
    %swap3A_313 = arith.constant 16 : index
    %swap3A_314 = tpu.vector_load %arg8[%swap3A_312, %swap3A_313] {strides = array<i32>} : memref<16x32xi32, #tpu.memory_space<vmem>>, vector<16xi32>,
    tpu.vector_store %arg8[%swap3A_312, %swap3A_313], %add3A_310 {strides = array<i32>} : memref<16x32xi32, #tpu.memory_space<vmem>>, vector<16xi32>,
    %add3A_315 = arith.constant 72 : i32
    %add3A_316 = vector.broadcast %add3A_315 : i32 to vector<16xi32>
    %add3A_317 = arith.addi %add3A_10, %add3A_316 : vector<16xi32>
    %gather3A_318 = tpu.vector_load_idx %arg6[%add3A_317] : memref<512xi32, #tpu.memory_space<vmem>>[vector<16xi32>], vector<16xi32>,
    %swap3A_319 = arith.constant 288 : index
    %swap3A_320 = tpu.vector_load %arg7[%swap3A_319] {strides = array<i32>} : memref<512xi32, #tpu.memory_space<vmem>>, vector<16xi32>,
    tpu.vector_store %arg7[%swap3A_319], %gather3A_318 {strides = array<i32>} : memref<512xi32, #tpu.memory_space<vmem>>, vector<16xi32>,
    %add3A_321 = arith.constant 72 : i32
    %add3A_322 = vector.broadcast %add3A_321 : i32 to vector<16xi32>
    %add3A_323 = arith.addi %add3A_16, %add3A_322 : vector<16xi32>
    %swap3A_324 = arith.constant 9 : i32
    %swap3A_325 = arith.index_cast %swap3A_324 : i32 to index
    %swap3A_326 = arith.constant 0 : index
    %swap3A_327 = tpu.vector_load %arg8[%swap3A_325, %swap3A_326] {strides = array<i32>} : memref<16x32xi32, #tpu.memory_space<vmem>>, vector<16xi32>,
    tpu.vector_store %arg8[%swap3A_325, %swap3A_326], %add3A_323 {strides = array<i32>} : memref<16x32xi32, #tpu.memory_space<vmem>>, vector<16xi32>,
    %add3A_328 = arith.constant 76 : i32
    %add3A_329 = vector.broadcast %add3A_328 : i32 to vector<16xi32>
    %add3A_330 = arith.addi %add3A_10, %add3A_329 : vector<16xi32>
    %gather3A_331 = tpu.vector_load_idx %arg6[%add3A_330] : memref<512xi32, #tpu.memory_space<vmem>>[vector<16xi32>], vector<16xi32>,
    %swap3A_332 = arith.constant 304 : index
    %swap3A_333 = tpu.vector_load %arg7[%swap3A_332] {strides = array<i32>} : memref<512xi32, #tpu.memory_space<vmem>>, vector<16xi32>,
    tpu.vector_store %arg7[%swap3A_332], %gather3A_331 {strides = array<i32>} : memref<512xi32, #tpu.memory_space<vmem>>, vector<16xi32>,
    %add3A_334 = arith.constant 76 : i32
    %add3A_335 = vector.broadcast %add3A_334 : i32 to vector<16xi32>
    %add3A_336 = arith.addi %add3A_16, %add3A_335 : vector<16xi32>
    %swap3A_337 = arith.constant 9 : i32
    %swap3A_338 = arith.index_cast %swap3A_337 : i32 to index
    %swap3A_339 = arith.constant 16 : index
    %swap3A_340 = tpu.vector_load %arg8[%swap3A_338, %swap3A_339] {strides = array<i32>} : memref<16x32xi32, #tpu.memory_space<vmem>>, vector<16xi32>,
    tpu.vector_store %arg8[%swap3A_338, %swap3A_339], %add3A_336 {strides = array<i32>} : memref<16x32xi32, #tpu.memory_space<vmem>>, vector<16xi32>,
    %add3A_341 = arith.constant 80 : i32
    %add3A_342 = vector.broadcast %add3A_341 : i32 to vector<16xi32>
    %add3A_343 = arith.addi %add3A_10, %add3A_342 : vector<16xi32>
    %gather3A_344 = tpu.vector_load_idx %arg6[%add3A_343] : memref<512xi32, #tpu.memory_space<vmem>>[vector<16xi32>], vector<16xi32>,
    %swap3A_345 = arith.constant 320 : index
    %swap3A_346 = tpu.vector_load %arg7[%swap3A_345] {strides = array<i32>} : memref<512xi32, #tpu.memory_space<vmem>>, vector<16xi32>,
    tpu.vector_store %arg7[%swap3A_345], %gather3A_344 {strides = array<i32>} : memref<512xi32, #tpu.memory_space<vmem>>, vector<16xi32>,
    %add3A_347 = arith.constant 80 : i32
    %add3A_348 = vector.broadcast %add3A_347 : i32 to vector<16xi32>
    %add3A_349 = arith.addi %add3A_16, %add3A_348 : vector<16xi32>
    %swap3A_350 = arith.constant 10 : i32
    %swap3A_351 = arith.index_cast %swap3A_350 : i32 to index
    %swap3A_352 = arith.constant 0 : index
    %swap3A_353 = tpu.vector_load %arg8[%swap3A_351, %swap3A_352] {strides = array<i32>} : memref<16x32xi32, #tpu.memory_space<vmem>>, vector<16xi32>,
    tpu.vector_store %arg8[%swap3A_351, %swap3A_352], %add3A_349 {strides = array<i32>} : memref<16x32xi32, #tpu.memory_space<vmem>>, vector<16xi32>,
    %add3A_354 = arith.constant 84 : i32
    %add3A_355 = vector.broadcast %add3A_354 : i32 to vector<16xi32>
    %add3A_356 = arith.addi %add3A_10, %add3A_355 : vector<16xi32>
    %gather3A_357 = tpu.vector_load_idx %arg6[%add3A_356] : memref<512xi32, #tpu.memory_space<vmem>>[vector<16xi32>], vector<16xi32>,
    %swap3A_358 = arith.constant 336 : index
    %swap3A_359 = tpu.vector_load %arg7[%swap3A_358] {strides = array<i32>} : memref<512xi32, #tpu.memory_space<vmem>>, vector<16xi32>,
    tpu.vector_store %arg7[%swap3A_358], %gather3A_357 {strides = array<i32>} : memref<512xi32, #tpu.memory_space<vmem>>, vector<16xi32>,
    %add3A_360 = arith.constant 84 : i32
    %add3A_361 = vector.broadcast %add3A_360 : i32 to vector<16xi32>
    %add3A_362 = arith.addi %add3A_16, %add3A_361 : vector<16xi32>
    %swap3A_363 = arith.constant 10 : i32
    %swap3A_364 = arith.index_cast %swap3A_363 : i32 to index
    %swap3A_365 = arith.constant 16 : index
    %swap3A_366 = tpu.vector_load %arg8[%swap3A_364, %swap3A_365] {strides = array<i32>} : memref<16x32xi32, #tpu.memory_space<vmem>>, vector<16xi32>,
    tpu.vector_store %arg8[%swap3A_364, %swap3A_365], %add3A_362 {strides = array<i32>} : memref<16x32xi32, #tpu.memory_space<vmem>>, vector<16xi32>,
    %add3A_367 = arith.constant 88 : i32
    %add3A_368 = vector.broadcast %add3A_367 : i32 to vector<16xi32>
    %add3A_369 = arith.addi %add3A_10, %add3A_368 : vector<16xi32>
    %gather3A_370 = tpu.vector_load_idx %arg6[%add3A_369] : memref<512xi32, #tpu.memory_space<vmem>>[vector<16xi32>], vector<16xi32>,
    %swap3A_371 = arith.constant 352 : index
    %swap3A_372 = tpu.vector_load %arg7[%swap3A_371] {strides = array<i32>} : memref<512xi32, #tpu.memory_space<vmem>>, vector<16xi32>,
    tpu.vector_store %arg7[%swap3A_371], %gather3A_370 {strides = array<i32>} : memref<512xi32, #tpu.memory_space<vmem>>, vector<16xi32>,
    %add3A_373 = arith.constant 88 : i32
    %add3A_374 = vector.broadcast %add3A_373 : i32 to vector<16xi32>
    %add3A_375 = arith.addi %add3A_16, %add3A_374 : vector<16xi32>
    %swap3A_376 = arith.constant 11 : i32
    %swap3A_377 = arith.index_cast %swap3A_376 : i32 to index
    %swap3A_378 = arith.constant 0 : index
    %swap3A_379 = tpu.vector_load %arg8[%swap3A_377, %swap3A_378] {strides = array<i32>} : memref<16x32xi32, #tpu.memory_space<vmem>>, vector<16xi32>,
    tpu.vector_store %arg8[%swap3A_377, %swap3A_378], %add3A_375 {strides = array<i32>} : memref<16x32xi32, #tpu.memory_space<vmem>>, vector<16xi32>,
    %add3A_380 = arith.constant 92 : i32
    %add3A_381 = vector.broadcast %add3A_380 : i32 to vector<16xi32>
    %add3A_382 = arith.addi %add3A_10, %add3A_381 : vector<16xi32>
    %gather3A_383 = tpu.vector_load_idx %arg6[%add3A_382] : memref<512xi32, #tpu.memory_space<vmem>>[vector<16xi32>], vector<16xi32>,
    %swap3A_384 = arith.constant 368 : index
    %swap3A_385 = tpu.vector_load %arg7[%swap3A_384] {strides = array<i32>} : memref<512xi32, #tpu.memory_space<vmem>>, vector<16xi32>,
    tpu.vector_store %arg7[%swap3A_384], %gather3A_383 {strides = array<i32>} : memref<512xi32, #tpu.memory_space<vmem>>, vector<16xi32>,
    %add3A_386 = arith.constant 92 : i32
    %add3A_387 = vector.broadcast %add3A_386 : i32 to vector<16xi32>
    %add3A_388 = arith.addi %add3A_16, %add3A_387 : vector<16xi32>
    %swap3A_389 = arith.constant 11 : i32
    %swap3A_390 = arith.index_cast %swap3A_389 : i32 to index
    %swap3A_391 = arith.constant 16 : index
    %swap3A_392 = tpu.vector_load %arg8[%swap3A_390, %swap3A_391] {strides = array<i32>} : memref<16x32xi32, #tpu.memory_space<vmem>>, vector<16xi32>,
    tpu.vector_store %arg8[%swap3A_390, %swap3A_391], %add3A_388 {strides = array<i32>} : memref<16x32xi32, #tpu.memory_space<vmem>>, vector<16xi32>,
    %add3A_393 = arith.constant 96 : i32
    %add3A_394 = vector.broadcast %add3A_393 : i32 to vector<16xi32>
    %add3A_395 = arith.addi %add3A_10, %add3A_394 : vector<16xi32>
    %gather3A_396 = tpu.vector_load_idx %arg6[%add3A_395] : memref<512xi32, #tpu.memory_space<vmem>>[vector<16xi32>], vector<16xi32>,
    %swap3A_397 = arith.constant 384 : index
    %swap3A_398 = tpu.vector_load %arg7[%swap3A_397] {strides = array<i32>} : memref<512xi32, #tpu.memory_space<vmem>>, vector<16xi32>,
    tpu.vector_store %arg7[%swap3A_397], %gather3A_396 {strides = array<i32>} : memref<512xi32, #tpu.memory_space<vmem>>, vector<16xi32>,
    %add3A_399 = arith.constant 96 : i32
    %add3A_400 = vector.broadcast %add3A_399 : i32 to vector<16xi32>
    %add3A_401 = arith.addi %add3A_16, %add3A_400 : vector<16xi32>
    %swap3A_402 = arith.constant 12 : i32
    %swap3A_403 = arith.index_cast %swap3A_402 : i32 to index
    %swap3A_404 = arith.constant 0 : index
    %swap3A_405 = tpu.vector_load %arg8[%swap3A_403, %swap3A_404] {strides = array<i32>} : memref<16x32xi32, #tpu.memory_space<vmem>>, vector<16xi32>,
    tpu.vector_store %arg8[%swap3A_403, %swap3A_404], %add3A_401 {strides = array<i32>} : memref<16x32xi32, #tpu.memory_space<vmem>>, vector<16xi32>,
    %add3A_406 = arith.constant 100 : i32
    %add3A_407 = vector.broadcast %add3A_406 : i32 to vector<16xi32>
    %add3A_408 = arith.addi %add3A_10, %add3A_407 : vector<16xi32>
    %gather3A_409 = tpu.vector_load_idx %arg6[%add3A_408] : memref<512xi32, #tpu.memory_space<vmem>>[vector<16xi32>], vector<16xi32>,
    %swap3A_410 = arith.constant 400 : index
    %swap3A_411 = tpu.vector_load %arg7[%swap3A_410] {strides = array<i32>} : memref<512xi32, #tpu.memory_space<vmem>>, vector<16xi32>,
    tpu.vector_store %arg7[%swap3A_410], %gather3A_409 {strides = array<i32>} : memref<512xi32, #tpu.memory_space<vmem>>, vector<16xi32>,
    %add3A_412 = arith.constant 100 : i32
    %add3A_413 = vector.broadcast %add3A_412 : i32 to vector<16xi32>
    %add3A_414 = arith.addi %add3A_16, %add3A_413 : vector<16xi32>
    %swap3A_415 = arith.constant 12 : i32
    %swap3A_416 = arith.index_cast %swap3A_415 : i32 to index
    %swap3A_417 = arith.constant 16 : index
    %swap3A_418 = tpu.vector_load %arg8[%swap3A_416, %swap3A_417] {strides = array<i32>} : memref<16x32xi32, #tpu.memory_space<vmem>>, vector<16xi32>,
    tpu.vector_store %arg8[%swap3A_416, %swap3A_417], %add3A_414 {strides = array<i32>} : memref<16x32xi32, #tpu.memory_space<vmem>>, vector<16xi32>,
    %add3A_419 = arith.constant 104 : i32
    %add3A_420 = vector.broadcast %add3A_419 : i32 to vector<16xi32>
    %add3A_421 = arith.addi %add3A_10, %add3A_420 : vector<16xi32>
    %gather3A_422 = tpu.vector_load_idx %arg6[%add3A_421] : memref<512xi32, #tpu.memory_space<vmem>>[vector<16xi32>], vector<16xi32>,
    %swap3A_423 = arith.constant 416 : index
    %swap3A_424 = tpu.vector_load %arg7[%swap3A_423] {strides = array<i32>} : memref<512xi32, #tpu.memory_space<vmem>>, vector<16xi32>,
    tpu.vector_store %arg7[%swap3A_423], %gather3A_422 {strides = array<i32>} : memref<512xi32, #tpu.memory_space<vmem>>, vector<16xi32>,
    %add3A_425 = arith.constant 104 : i32
    %add3A_426 = vector.broadcast %add3A_425 : i32 to vector<16xi32>
    %add3A_427 = arith.addi %add3A_16, %add3A_426 : vector<16xi32>
    %swap3A_428 = arith.constant 13 : i32
    %swap3A_429 = arith.index_cast %swap3A_428 : i32 to index
    %swap3A_430 = arith.constant 0 : index
    %swap3A_431 = tpu.vector_load %arg8[%swap3A_429, %swap3A_430] {strides = array<i32>} : memref<16x32xi32, #tpu.memory_space<vmem>>, vector<16xi32>,
    tpu.vector_store %arg8[%swap3A_429, %swap3A_430], %add3A_427 {strides = array<i32>} : memref<16x32xi32, #tpu.memory_space<vmem>>, vector<16xi32>,
    %add3A_432 = arith.constant 108 : i32
    %add3A_433 = vector.broadcast %add3A_432 : i32 to vector<16xi32>
    %add3A_434 = arith.addi %add3A_10, %add3A_433 : vector<16xi32>
    %gather3A_435 = tpu.vector_load_idx %arg6[%add3A_434] : memref<512xi32, #tpu.memory_space<vmem>>[vector<16xi32>], vector<16xi32>,
    %swap3A_436 = arith.constant 432 : index
    %swap3A_437 = tpu.vector_load %arg7[%swap3A_436] {strides = array<i32>} : memref<512xi32, #tpu.memory_space<vmem>>, vector<16xi32>,
    tpu.vector_store %arg7[%swap3A_436], %gather3A_435 {strides = array<i32>} : memref<512xi32, #tpu.memory_space<vmem>>, vector<16xi32>,
    %add3A_438 = arith.constant 108 : i32
    %add3A_439 = vector.broadcast %add3A_438 : i32 to vector<16xi32>
    %add3A_440 = arith.addi %add3A_16, %add3A_439 : vector<16xi32>
    %swap3A_441 = arith.constant 13 : i32
    %swap3A_442 = arith.index_cast %swap3A_441 : i32 to index
    %swap3A_443 = arith.constant 16 : index
    %swap3A_444 = tpu.vector_load %arg8[%swap3A_442, %swap3A_443] {strides = array<i32>} : memref<16x32xi32, #tpu.memory_space<vmem>>, vector<16xi32>,
    tpu.vector_store %arg8[%swap3A_442, %swap3A_443], %add3A_440 {strides = array<i32>} : memref<16x32xi32, #tpu.memory_space<vmem>>, vector<16xi32>,
    %add3A_445 = arith.constant 112 : i32
    %add3A_446 = vector.broadcast %add3A_445 : i32 to vector<16xi32>
    %add3A_447 = arith.addi %add3A_10, %add3A_446 : vector<16xi32>
    %gather3A_448 = tpu.vector_load_idx %arg6[%add3A_447] : memref<512xi32, #tpu.memory_space<vmem>>[vector<16xi32>], vector<16xi32>,
    %swap3A_449 = arith.constant 448 : index
    %swap3A_450 = tpu.vector_load %arg7[%swap3A_449] {strides = array<i32>} : memref<512xi32, #tpu.memory_space<vmem>>, vector<16xi32>,
    tpu.vector_store %arg7[%swap3A_449], %gather3A_448 {strides = array<i32>} : memref<512xi32, #tpu.memory_space<vmem>>, vector<16xi32>,
    %add3A_451 = arith.constant 112 : i32
    %add3A_452 = vector.broadcast %add3A_451 : i32 to vector<16xi32>
    %add3A_453 = arith.addi %add3A_16, %add3A_452 : vector<16xi32>
    %swap3A_454 = arith.constant 14 : i32
    %swap3A_455 = arith.index_cast %swap3A_454 : i32 to index
    %swap3A_456 = arith.constant 0 : index
    %swap3A_457 = tpu.vector_load %arg8[%swap3A_455, %swap3A_456] {strides = array<i32>} : memref<16x32xi32, #tpu.memory_space<vmem>>, vector<16xi32>,
    tpu.vector_store %arg8[%swap3A_455, %swap3A_456], %add3A_453 {strides = array<i32>} : memref<16x32xi32, #tpu.memory_space<vmem>>, vector<16xi32>,
    %add3A_458 = arith.constant 116 : i32
    %add3A_459 = vector.broadcast %add3A_458 : i32 to vector<16xi32>
    %add3A_460 = arith.addi %add3A_10, %add3A_459 : vector<16xi32>
    %gather3A_461 = tpu.vector_load_idx %arg6[%add3A_460] : memref<512xi32, #tpu.memory_space<vmem>>[vector<16xi32>], vector<16xi32>,
    %swap3A_462 = arith.constant 464 : index
    %swap3A_463 = tpu.vector_load %arg7[%swap3A_462] {strides = array<i32>} : memref<512xi32, #tpu.memory_space<vmem>>, vector<16xi32>,
    tpu.vector_store %arg7[%swap3A_462], %gather3A_461 {strides = array<i32>} : memref<512xi32, #tpu.memory_space<vmem>>, vector<16xi32>,
    %add3A_464 = arith.constant 116 : i32
    %add3A_465 = vector.broadcast %add3A_464 : i32 to vector<16xi32>
    %add3A_466 = arith.addi %add3A_16, %add3A_465 : vector<16xi32>
    %swap3A_467 = arith.constant 14 : i32
    %swap3A_468 = arith.index_cast %swap3A_467 : i32 to index
    %swap3A_469 = arith.constant 16 : index
    %swap3A_470 = tpu.vector_load %arg8[%swap3A_468, %swap3A_469] {strides = array<i32>} : memref<16x32xi32, #tpu.memory_space<vmem>>, vector<16xi32>,
    tpu.vector_store %arg8[%swap3A_468, %swap3A_469], %add3A_466 {strides = array<i32>} : memref<16x32xi32, #tpu.memory_space<vmem>>, vector<16xi32>,
    %add3A_471 = arith.constant 120 : i32
    %add3A_472 = vector.broadcast %add3A_471 : i32 to vector<16xi32>
    %add3A_473 = arith.addi %add3A_10, %add3A_472 : vector<16xi32>
    %gather3A_474 = tpu.vector_load_idx %arg6[%add3A_473] : memref<512xi32, #tpu.memory_space<vmem>>[vector<16xi32>], vector<16xi32>,
    %swap3A_475 = arith.constant 480 : index
    %swap3A_476 = tpu.vector_load %arg7[%swap3A_475] {strides = array<i32>} : memref<512xi32, #tpu.memory_space<vmem>>, vector<16xi32>,
    tpu.vector_store %arg7[%swap3A_475], %gather3A_474 {strides = array<i32>} : memref<512xi32, #tpu.memory_space<vmem>>, vector<16xi32>,
    %add3A_477 = arith.constant 120 : i32
    %add3A_478 = vector.broadcast %add3A_477 : i32 to vector<16xi32>
    %add3A_479 = arith.addi %add3A_16, %add3A_478 : vector<16xi32>
    %swap3A_480 = arith.constant 15 : i32
    %swap3A_481 = arith.index_cast %swap3A_480 : i32 to index
    %swap3A_482 = arith.constant 0 : index
    %swap3A_483 = tpu.vector_load %arg8[%swap3A_481, %swap3A_482] {strides = array<i32>} : memref<16x32xi32, #tpu.memory_space<vmem>>, vector<16xi32>,
    tpu.vector_store %arg8[%swap3A_481, %swap3A_482], %add3A_479 {strides = array<i32>} : memref<16x32xi32, #tpu.memory_space<vmem>>, vector<16xi32>,
    %add3A_484 = arith.constant 124 : i32
    %add3A_485 = vector.broadcast %add3A_484 : i32 to vector<16xi32>
    %add3A_486 = arith.addi %add3A_10, %add3A_485 : vector<16xi32>
    %gather3A_487 = tpu.vector_load_idx %arg6[%add3A_486] : memref<512xi32, #tpu.memory_space<vmem>>[vector<16xi32>], vector<16xi32>,
    %swap3A_488 = arith.constant 496 : index
    %swap3A_489 = tpu.vector_load %arg7[%swap3A_488] {strides = array<i32>} : memref<512xi32, #tpu.memory_space<vmem>>, vector<16xi32>,
    tpu.vector_store %arg7[%swap3A_488], %gather3A_487 {strides = array<i32>} : memref<512xi32, #tpu.memory_space<vmem>>, vector<16xi32>,
    %add3A_490 = arith.constant 124 : i32
    %add3A_491 = vector.broadcast %add3A_490 : i32 to vector<16xi32>
    %add3A_492 = arith.addi %add3A_16, %add3A_491 : vector<16xi32>
    %swap3A_493 = arith.constant 15 : i32
    %swap3A_494 = arith.index_cast %swap3A_493 : i32 to index
    %swap3A_495 = arith.constant 16 : index
    %swap3A_496 = tpu.vector_load %arg8[%swap3A_494, %swap3A_495] {strides = array<i32>} : memref<16x32xi32, #tpu.memory_space<vmem>>, vector<16xi32>,
    tpu.vector_store %arg8[%swap3A_494, %swap3A_495], %add3A_492 {strides = array<i32>} : memref<16x32xi32, #tpu.memory_space<vmem>>, vector<16xi32>,
    %dma_start3A_497 = arith.constant 0 : i32
    %dma_start3A_498 = arith.constant 0 : i32
    %dma_start3A_499 = tpu.memref_slice %arg9[%dma_start3A_497, %dma_start3A_498] : memref<96x1024xf32, #tpu.memory_space<vmem>> -> memref<32x1024xf32, #tpu.memory_space<vmem>>
    %dma_start3A_500 = arith.constant 0 : i32
    %dma_start3A_501 = tpu.memref_slice %arg7[%dma_start3A_500] : memref<512xi32, #tpu.memory_space<vmem>> -> memref<32xi32, #tpu.memory_space<vmem>>
    %dma_start3A_502 = arith.constant 0 : i32
    %dma_start3A_503 = arith.constant 0 : i32
    %dma_start3A_504 = tpu.memref_slice %arg3[%dma_start3A_502, %dma_start3A_503] : memref<100000x1024xf32, #tpu.memory_space<hbm>> -> memref<100000x1024xf32, #tpu.memory_space<hbm>>
    tpu.enqueue_indirect_dma source(%dma_start3A_504 : memref<100000x1024xf32, #tpu.memory_space<hbm>>) target(%dma_start3A_499 : memref<32x1024xf32, #tpu.memory_space<vmem>>) offsets(%dma_start3A_501 : memref<32xi32, #tpu.memory_space<vmem>>) semaphore(%arg13 : memref<!tpu.dma_semaphore, #tpu.memory_space<semaphore_mem>>)
    %dma_start3A_505 = arith.constant 32 : i32
    %dma_start3A_506 = arith.constant 0 : i32
    %dma_start3A_507 = tpu.memref_slice %arg9[%dma_start3A_505, %dma_start3A_506] : memref<96x1024xf32, #tpu.memory_space<vmem>> -> memref<32x1024xf32, #tpu.memory_space<vmem>>
    %dma_start3A_508 = arith.constant 32 : i32
    %dma_start3A_509 = tpu.memref_slice %arg7[%dma_start3A_508] : memref<512xi32, #tpu.memory_space<vmem>> -> memref<32xi32, #tpu.memory_space<vmem>>
    %dma_start3A_510 = arith.constant 0 : i32
    %dma_start3A_511 = arith.constant 0 : i32
    %dma_start3A_512 = tpu.memref_slice %arg3[%dma_start3A_510, %dma_start3A_511] : memref<100000x1024xf32, #tpu.memory_space<hbm>> -> memref<100000x1024xf32, #tpu.memory_space<hbm>>
    tpu.enqueue_indirect_dma source(%dma_start3A_512 : memref<100000x1024xf32, #tpu.memory_space<hbm>>) target(%dma_start3A_507 : memref<32x1024xf32, #tpu.memory_space<vmem>>) offsets(%dma_start3A_509 : memref<32xi32, #tpu.memory_space<vmem>>) semaphore(%arg14 : memref<!tpu.dma_semaphore, #tpu.memory_space<semaphore_mem>>)
    %scan3A = arith.constant 0 : i32
    %scan3A_513 = arith.constant 0 : i32
    %scan3A_514 = arith.constant 5 : i32
    %scan3A_515 = arith.addi %scan3A_513, %scan3A_514 : i32
    %scan3A_516 = arith.constant 1 : i32
    scf.for %scan3A_578 = %scan3A_513 to %scan3A_515 step %scan3A_516  : i32 {
      %mul3A_579 = arith.constant 3 : i32
      %mul3A_580 = arith.muli %scan3A_578, %mul3A_579 : i32
      %add3A_581 = arith.constant 0 : i32
      %add3A_582 = arith.addi %mul3A_580, %add3A_581 : i32
      %dma_wait3A_583 = arith.constant 0 : i32
      %dma_wait3A_584 = arith.constant 0 : i32
      %dma_wait3A_585 = tpu.memref_slice %arg9[%dma_wait3A_583, %dma_wait3A_584] : memref<96x1024xf32, #tpu.memory_space<vmem>> -> memref<32x1024xf32, #tpu.memory_space<vmem>>
      %dma_wait3A_586 = arith.constant 0 : i32
      %dma_wait3A_587 = tpu.memref_slice %arg7[%dma_wait3A_586] : memref<512xi32, #tpu.memory_space<vmem>> -> memref<32xi32, #tpu.memory_space<vmem>>
      %dma_wait3A_588 = arith.constant 0 : i32
      %dma_wait3A_589 = arith.constant 0 : i32
      %dma_wait3A_590 = tpu.memref_slice %arg3[%dma_wait3A_588, %dma_wait3A_589] : memref<100000x1024xf32, #tpu.memory_space<hbm>> -> memref<100000x1024xf32, #tpu.memory_space<hbm>>
      tpu.wait_indirect_dma semaphore(%arg13 : memref<!tpu.dma_semaphore, #tpu.memory_space<semaphore_mem>>) src(%dma_wait3A_590 : memref<100000x1024xf32, #tpu.memory_space<hbm>>) dst(%dma_wait3A_585 : memref<32x1024xf32, #tpu.memory_space<vmem>>)
      %dma_wait3A_591 = arith.constant 0 : i32
      %dma_wait3A_592 = arith.constant 0 : i32
      %dma_wait3A_593 = tpu.memref_slice %arg4[%dma_wait3A_591, %dma_wait3A_592] : memref<4096x1024xf32, #tpu.memory_space<hbm>> -> memref<8x1024xf32, #tpu.memory_space<hbm>>
      %dma_wait3A_594 = arith.constant 0 : i32
      %dma_wait3A_595 = arith.constant 0 : i32
      %dma_wait3A_596 = tpu.memref_slice %arg4[%dma_wait3A_594, %dma_wait3A_595] : memref<4096x1024xf32, #tpu.memory_space<hbm>> -> memref<8x1024xf32, #tpu.memory_space<hbm>>
      tpu.wait_dma2 semaphore(%arg16 : memref<!tpu.dma_semaphore, #tpu.memory_space<semaphore_mem>>) src(%dma_wait3A_596 : memref<8x1024xf32, #tpu.memory_space<hbm>>) dst(%arg10 : memref<8x1024xf32, #tpu.memory_space<vmem>>)
      %add3A_597 = arith.constant 2 : i32
      %add3A_598 = arith.addi %add3A_582, %add3A_597 : i32
      %lt3A = arith.constant 16 : i32
      %lt3A_599 = arith.cmpi slt, %add3A_598, %lt3A : i32
      %convert_element_type3A = arith.extui %lt3A_599 : i1 to i32
      %cond3A = arith.constant 0 : i32
      %cond3A_600 = arith.cmpi ne, %convert_element_type3A, %cond3A : i32
      scf.if %cond3A_600 {
        %add3A_717 = arith.constant 2 : i32
        %add3A_718 = arith.addi %add3A_582, %add3A_717 : i32
        %mul3A_719 = arith.constant 8 : i32
        %mul3A_720 = arith.muli %add3A_718, %mul3A_719 : i32
        %add3A_721 = arith.addi %mul3A_2, %mul3A_720 : i32
        %dma_start3A_722 = arith.constant 0 : i32
        %dma_start3A_723 = tpu.memref_slice %arg4[%add3A_721, %dma_start3A_722] : memref<4096x1024xf32, #tpu.memory_space<hbm>> -> memref<8x1024xf32, #tpu.memory_space<hbm>>
        %dma_start3A_724 = arith.constant 0 : i32
        %dma_start3A_725 = tpu.memref_slice %arg4[%add3A_721, %dma_start3A_724] : memref<4096x1024xf32, #tpu.memory_space<hbm>> -> memref<8x1024xf32, #tpu.memory_space<hbm>>
        tpu.enqueue_dma source(%dma_start3A_725 : memref<8x1024xf32, #tpu.memory_space<hbm>>) target(%arg12 : memref<8x1024xf32, #tpu.memory_space<vmem>>) target_semaphore(%arg18 : memref<!tpu.dma_semaphore, #tpu.memory_space<semaphore_mem>>)
      } else {
      }
      %scan3A_601 = arith.constant 0 : i32
      %scan3A_602 = arith.constant 0 : i32
      %scan3A_603 = arith.constant 64 : i32
      %scan3A_604 = arith.addi %scan3A_602, %scan3A_603 : i32
      %scan3A_605 = arith.constant 1 : i32
      scf.for %scan3A_717 = %scan3A_602 to %scan3A_604 step %scan3A_605  : i32 {
        %mul3A_718 = arith.constant 16 : i32
        %mul3A_719 = arith.muli %scan3A_717, %mul3A_718 : i32
        %multiple_of3A = tpu.assume_multiple %mul3A_719, 16 : i32
        %get3A = arith.constant 0 : i32
        %get3A_720 = arith.index_cast %get3A : i32 to index
        %get3A_721 = arith.index_cast %multiple_of3A : i32 to index
        %get3A_722 = tpu.vector_load %arg10[%get3A_720, %get3A_721] {strides = array<i32>} : memref<8x1024xf32, #tpu.memory_space<vmem>>, vector<16xf32>,
        %swap3A_723 = arith.constant 0 : i32
        %swap3A_724 = arith.index_cast %swap3A_723 : i32 to index
        %swap3A_725 = arith.index_cast %multiple_of3A : i32 to index
        %swap3A_726 = tpu.vector_load %arg9[%swap3A_724, %swap3A_725] {strides = array<i32>} : memref<96x1024xf32, #tpu.memory_space<vmem>>, vector<16xf32>,
        tpu.vector_store %arg9[%swap3A_724, %swap3A_725], %get3A_722 {add = true, strides = array<i32>} : memref<96x1024xf32, #tpu.memory_space<vmem>>, vector<16xf32>,
        %swap3A_727 = arith.constant 4 : i32
        %swap3A_728 = arith.index_cast %swap3A_727 : i32 to index
        %swap3A_729 = arith.index_cast %multiple_of3A : i32 to index
        %swap3A_730 = tpu.vector_load %arg9[%swap3A_728, %swap3A_729] {strides = array<i32>} : memref<96x1024xf32, #tpu.memory_space<vmem>>, vector<16xf32>,
        tpu.vector_store %arg9[%swap3A_728, %swap3A_729], %get3A_722 {add = true, strides = array<i32>} : memref<96x1024xf32, #tpu.memory_space<vmem>>, vector<16xf32>,
        %swap3A_731 = arith.constant 8 : i32
        %swap3A_732 = arith.index_cast %swap3A_731 : i32 to index
        %swap3A_733 = arith.index_cast %multiple_of3A : i32 to index
        %swap3A_734 = tpu.vector_load %arg9[%swap3A_732, %swap3A_733] {strides = array<i32>} : memref<96x1024xf32, #tpu.memory_space<vmem>>, vector<16xf32>,
        tpu.vector_store %arg9[%swap3A_732, %swap3A_733], %get3A_722 {add = true, strides = array<i32>} : memref<96x1024xf32, #tpu.memory_space<vmem>>, vector<16xf32>,
        %swap3A_735 = arith.constant 12 : i32
        %swap3A_736 = arith.index_cast %swap3A_735 : i32 to index
        %swap3A_737 = arith.index_cast %multiple_of3A : i32 to index
        %swap3A_738 = tpu.vector_load %arg9[%swap3A_736, %swap3A_737] {strides = array<i32>} : memref<96x1024xf32, #tpu.memory_space<vmem>>, vector<16xf32>,
        tpu.vector_store %arg9[%swap3A_736, %swap3A_737], %get3A_722 {add = true, strides = array<i32>} : memref<96x1024xf32, #tpu.memory_space<vmem>>, vector<16xf32>,
        %get3A_739 = arith.constant 1 : i32
        %get3A_740 = arith.index_cast %get3A_739 : i32 to index
        %get3A_741 = arith.index_cast %multiple_of3A : i32 to index
        %get3A_742 = tpu.vector_load %arg10[%get3A_740, %get3A_741] {strides = array<i32>} : memref<8x1024xf32, #tpu.memory_space<vmem>>, vector<16xf32>,
        %swap3A_743 = arith.constant 1 : i32
        %swap3A_744 = arith.index_cast %swap3A_743 : i32 to index
        %swap3A_745 = arith.index_cast %multiple_of3A : i32 to index
        %swap3A_746 = tpu.vector_load %arg9[%swap3A_744, %swap3A_745] {strides = array<i32>} : memref<96x1024xf32, #tpu.memory_space<vmem>>, vector<16xf32>,
        tpu.vector_store %arg9[%swap3A_744, %swap3A_745], %get3A_742 {add = true, strides = array<i32>} : memref<96x1024xf32, #tpu.memory_space<vmem>>, vector<16xf32>,
        %swap3A_747 = arith.constant 5 : i32
        %swap3A_748 = arith.index_cast %swap3A_747 : i32 to index
        %swap3A_749 = arith.index_cast %multiple_of3A : i32 to index
        %swap3A_750 = tpu.vector_load %arg9[%swap3A_748, %swap3A_749] {strides = array<i32>} : memref<96x1024xf32, #tpu.memory_space<vmem>>, vector<16xf32>,
        tpu.vector_store %arg9[%swap3A_748, %swap3A_749], %get3A_742 {add = true, strides = array<i32>} : memref<96x1024xf32, #tpu.memory_space<vmem>>, vector<16xf32>,
        %swap3A_751 = arith.constant 9 : i32
        %swap3A_752 = arith.index_cast %swap3A_751 : i32 to index
        %swap3A_753 = arith.index_cast %multiple_of3A : i32 to index
        %swap3A_754 = tpu.vector_load %arg9[%swap3A_752, %swap3A_753] {strides = array<i32>} : memref<96x1024xf32, #tpu.memory_space<vmem>>, vector<16xf32>,
        tpu.vector_store %arg9[%swap3A_752, %swap3A_753], %get3A_742 {add = true, strides = array<i32>} : memref<96x1024xf32, #tpu.memory_space<vmem>>, vector<16xf32>,
        %swap3A_755 = arith.constant 13 : i32
        %swap3A_756 = arith.index_cast %swap3A_755 : i32 to index
        %swap3A_757 = arith.index_cast %multiple_of3A : i32 to index
        %swap3A_758 = tpu.vector_load %arg9[%swap3A_756, %swap3A_757] {strides = array<i32>} : memref<96x1024xf32, #tpu.memory_space<vmem>>, vector<16xf32>,
        tpu.vector_store %arg9[%swap3A_756, %swap3A_757], %get3A_742 {add = true, strides = array<i32>} : memref<96x1024xf32, #tpu.memory_space<vmem>>, vector<16xf32>,
        %get3A_759 = arith.constant 2 : i32
        %get3A_760 = arith.index_cast %get3A_759 : i32 to index
        %get3A_761 = arith.index_cast %multiple_of3A : i32 to index
        %get3A_762 = tpu.vector_load %arg10[%get3A_760, %get3A_761] {strides = array<i32>} : memref<8x1024xf32, #tpu.memory_space<vmem>>, vector<16xf32>,
        %swap3A_763 = arith.constant 2 : i32
        %swap3A_764 = arith.index_cast %swap3A_763 : i32 to index
        %swap3A_765 = arith.index_cast %multiple_of3A : i32 to index
        %swap3A_766 = tpu.vector_load %arg9[%swap3A_764, %swap3A_765] {strides = array<i32>} : memref<96x1024xf32, #tpu.memory_space<vmem>>, vector<16xf32>,
        tpu.vector_store %arg9[%swap3A_764, %swap3A_765], %get3A_762 {add = true, strides = array<i32>} : memref<96x1024xf32, #tpu.memory_space<vmem>>, vector<16xf32>,
        %swap3A_767 = arith.constant 6 : i32
        %swap3A_768 = arith.index_cast %swap3A_767 : i32 to index
        %swap3A_769 = arith.index_cast %multiple_of3A : i32 to index
        %swap3A_770 = tpu.vector_load %arg9[%swap3A_768, %swap3A_769] {strides = array<i32>} : memref<96x1024xf32, #tpu.memory_space<vmem>>, vector<16xf32>,
        tpu.vector_store %arg9[%swap3A_768, %swap3A_769], %get3A_762 {add = true, strides = array<i32>} : memref<96x1024xf32, #tpu.memory_space<vmem>>, vector<16xf32>,
        %swap3A_771 = arith.constant 10 : i32
        %swap3A_772 = arith.index_cast %swap3A_771 : i32 to index
        %swap3A_773 = arith.index_cast %multiple_of3A : i32 to index
        %swap3A_774 = tpu.vector_load %arg9[%swap3A_772, %swap3A_773] {strides = array<i32>} : memref<96x1024xf32, #tpu.memory_space<vmem>>, vector<16xf32>,
        tpu.vector_store %arg9[%swap3A_772, %swap3A_773], %get3A_762 {add = true, strides = array<i32>} : memref<96x1024xf32, #tpu.memory_space<vmem>>, vector<16xf32>,
        %swap3A_775 = arith.constant 14 : i32
        %swap3A_776 = arith.index_cast %swap3A_775 : i32 to index
        %swap3A_777 = arith.index_cast %multiple_of3A : i32 to index
        %swap3A_778 = tpu.vector_load %arg9[%swap3A_776, %swap3A_777] {strides = array<i32>} : memref<96x1024xf32, #tpu.memory_space<vmem>>, vector<16xf32>,
        tpu.vector_store %arg9[%swap3A_776, %swap3A_777], %get3A_762 {add = true, strides = array<i32>} : memref<96x1024xf32, #tpu.memory_space<vmem>>, vector<16xf32>,
        %get3A_779 = arith.constant 3 : i32
        %get3A_780 = arith.index_cast %get3A_779 : i32 to index
        %get3A_781 = arith.index_cast %multiple_of3A : i32 to index
        %get3A_782 = tpu.vector_load %arg10[%get3A_780, %get3A_781] {strides = array<i32>} : memref<8x1024xf32, #tpu.memory_space<vmem>>, vector<16xf32>,
        %swap3A_783 = arith.constant 3 : i32
        %swap3A_784 = arith.index_cast %swap3A_783 : i32 to index
        %swap3A_785 = arith.index_cast %multiple_of3A : i32 to index
        %swap3A_786 = tpu.vector_load %arg9[%swap3A_784, %swap3A_785] {strides = array<i32>} : memref<96x1024xf32, #tpu.memory_space<vmem>>, vector<16xf32>,
        tpu.vector_store %arg9[%swap3A_784, %swap3A_785], %get3A_782 {add = true, strides = array<i32>} : memref<96x1024xf32, #tpu.memory_space<vmem>>, vector<16xf32>,
        %swap3A_787 = arith.constant 7 : i32
        %swap3A_788 = arith.index_cast %swap3A_787 : i32 to index
        %swap3A_789 = arith.index_cast %multiple_of3A : i32 to index
        %swap3A_790 = tpu.vector_load %arg9[%swap3A_788, %swap3A_789] {strides = array<i32>} : memref<96x1024xf32, #tpu.memory_space<vmem>>, vector<16xf32>,
        tpu.vector_store %arg9[%swap3A_788, %swap3A_789], %get3A_782 {add = true, strides = array<i32>} : memref<96x1024xf32, #tpu.memory_space<vmem>>, vector<16xf32>,
        %swap3A_791 = arith.constant 11 : i32
        %swap3A_792 = arith.index_cast %swap3A_791 : i32 to index
        %swap3A_793 = arith.index_cast %multiple_of3A : i32 to index
        %swap3A_794 = tpu.vector_load %arg9[%swap3A_792, %swap3A_793] {strides = array<i32>} : memref<96x1024xf32, #tpu.memory_space<vmem>>, vector<16xf32>,
        tpu.vector_store %arg9[%swap3A_792, %swap3A_793], %get3A_782 {add = true, strides = array<i32>} : memref<96x1024xf32, #tpu.memory_space<vmem>>, vector<16xf32>,
        %swap3A_795 = arith.constant 15 : i32
        %swap3A_796 = arith.index_cast %swap3A_795 : i32 to index
        %swap3A_797 = arith.index_cast %multiple_of3A : i32 to index
        %swap3A_798 = tpu.vector_load %arg9[%swap3A_796, %swap3A_797] {strides = array<i32>} : memref<96x1024xf32, #tpu.memory_space<vmem>>, vector<16xf32>,
        tpu.vector_store %arg9[%swap3A_796, %swap3A_797], %get3A_782 {add = true, strides = array<i32>} : memref<96x1024xf32, #tpu.memory_space<vmem>>, vector<16xf32>,
        %get3A_799 = arith.constant 4 : i32
        %get3A_800 = arith.index_cast %get3A_799 : i32 to index
        %get3A_801 = arith.index_cast %multiple_of3A : i32 to index
        %get3A_802 = tpu.vector_load %arg10[%get3A_800, %get3A_801] {strides = array<i32>} : memref<8x1024xf32, #tpu.memory_space<vmem>>, vector<16xf32>,
        %swap3A_803 = arith.constant 16 : i32
        %swap3A_804 = arith.index_cast %swap3A_803 : i32 to index
        %swap3A_805 = arith.index_cast %multiple_of3A : i32 to index
        %swap3A_806 = tpu.vector_load %arg9[%swap3A_804, %swap3A_805] {strides = array<i32>} : memref<96x1024xf32, #tpu.memory_space<vmem>>, vector<16xf32>,
        tpu.vector_store %arg9[%swap3A_804, %swap3A_805], %get3A_802 {add = true, strides = array<i32>} : memref<96x1024xf32, #tpu.memory_space<vmem>>, vector<16xf32>,
        %swap3A_807 = arith.constant 20 : i32
        %swap3A_808 = arith.index_cast %swap3A_807 : i32 to index
        %swap3A_809 = arith.index_cast %multiple_of3A : i32 to index
        %swap3A_810 = tpu.vector_load %arg9[%swap3A_808, %swap3A_809] {strides = array<i32>} : memref<96x1024xf32, #tpu.memory_space<vmem>>, vector<16xf32>,
        tpu.vector_store %arg9[%swap3A_808, %swap3A_809], %get3A_802 {add = true, strides = array<i32>} : memref<96x1024xf32, #tpu.memory_space<vmem>>, vector<16xf32>,
        %swap3A_811 = arith.constant 24 : i32
        %swap3A_812 = arith.index_cast %swap3A_811 : i32 to index
        %swap3A_813 = arith.index_cast %multiple_of3A : i32 to index
        %swap3A_814 = tpu.vector_load %arg9[%swap3A_812, %swap3A_813] {strides = array<i32>} : memref<96x1024xf32, #tpu.memory_space<vmem>>, vector<16xf32>,
        tpu.vector_store %arg9[%swap3A_812, %swap3A_813], %get3A_802 {add = true, strides = array<i32>} : memref<96x1024xf32, #tpu.memory_space<vmem>>, vector<16xf32>,
        %swap3A_815 = arith.constant 28 : i32
        %swap3A_816 = arith.index_cast %swap3A_815 : i32 to index
        %swap3A_817 = arith.index_cast %multiple_of3A : i32 to index
        %swap3A_818 = tpu.vector_load %arg9[%swap3A_816, %swap3A_817] {strides = array<i32>} : memref<96x1024xf32, #tpu.memory_space<vmem>>, vector<16xf32>,
        tpu.vector_store %arg9[%swap3A_816, %swap3A_817], %get3A_802 {add = true, strides = array<i32>} : memref<96x1024xf32, #tpu.memory_space<vmem>>, vector<16xf32>,
        %get3A_819 = arith.constant 5 : i32
        %get3A_820 = arith.index_cast %get3A_819 : i32 to index
        %get3A_821 = arith.index_cast %multiple_of3A : i32 to index
        %get3A_822 = tpu.vector_load %arg10[%get3A_820, %get3A_821] {strides = array<i32>} : memref<8x1024xf32, #tpu.memory_space<vmem>>, vector<16xf32>,
        %swap3A_823 = arith.constant 17 : i32
        %swap3A_824 = arith.index_cast %swap3A_823 : i32 to index
        %swap3A_825 = arith.index_cast %multiple_of3A : i32 to index
        %swap3A_826 = tpu.vector_load %arg9[%swap3A_824, %swap3A_825] {strides = array<i32>} : memref<96x1024xf32, #tpu.memory_space<vmem>>, vector<16xf32>,
        tpu.vector_store %arg9[%swap3A_824, %swap3A_825], %get3A_822 {add = true, strides = array<i32>} : memref<96x1024xf32, #tpu.memory_space<vmem>>, vector<16xf32>,
        %swap3A_827 = arith.constant 21 : i32
        %swap3A_828 = arith.index_cast %swap3A_827 : i32 to index
        %swap3A_829 = arith.index_cast %multiple_of3A : i32 to index
        %swap3A_830 = tpu.vector_load %arg9[%swap3A_828, %swap3A_829] {strides = array<i32>} : memref<96x1024xf32, #tpu.memory_space<vmem>>, vector<16xf32>,
        tpu.vector_store %arg9[%swap3A_828, %swap3A_829], %get3A_822 {add = true, strides = array<i32>} : memref<96x1024xf32, #tpu.memory_space<vmem>>, vector<16xf32>,
        %swap3A_831 = arith.constant 25 : i32
        %swap3A_832 = arith.index_cast %swap3A_831 : i32 to index
        %swap3A_833 = arith.index_cast %multiple_of3A : i32 to index
        %swap3A_834 = tpu.vector_load %arg9[%swap3A_832, %swap3A_833] {strides = array<i32>} : memref<96x1024xf32, #tpu.memory_space<vmem>>, vector<16xf32>,
        tpu.vector_store %arg9[%swap3A_832, %swap3A_833], %get3A_822 {add = true, strides = array<i32>} : memref<96x1024xf32, #tpu.memory_space<vmem>>, vector<16xf32>,
        %swap3A_835 = arith.constant 29 : i32
        %swap3A_836 = arith.index_cast %swap3A_835 : i32 to index
        %swap3A_837 = arith.index_cast %multiple_of3A : i32 to index
        %swap3A_838 = tpu.vector_load %arg9[%swap3A_836, %swap3A_837] {strides = array<i32>} : memref<96x1024xf32, #tpu.memory_space<vmem>>, vector<16xf32>,
        tpu.vector_store %arg9[%swap3A_836, %swap3A_837], %get3A_822 {add = true, strides = array<i32>} : memref<96x1024xf32, #tpu.memory_space<vmem>>, vector<16xf32>,
        %get3A_839 = arith.constant 6 : i32
        %get3A_840 = arith.index_cast %get3A_839 : i32 to index
        %get3A_841 = arith.index_cast %multiple_of3A : i32 to index
        %get3A_842 = tpu.vector_load %arg10[%get3A_840, %get3A_841] {strides = array<i32>} : memref<8x1024xf32, #tpu.memory_space<vmem>>, vector<16xf32>,
        %swap3A_843 = arith.constant 18 : i32
        %swap3A_844 = arith.index_cast %swap3A_843 : i32 to index
        %swap3A_845 = arith.index_cast %multiple_of3A : i32 to index
        %swap3A_846 = tpu.vector_load %arg9[%swap3A_844, %swap3A_845] {strides = array<i32>} : memref<96x1024xf32, #tpu.memory_space<vmem>>, vector<16xf32>,
        tpu.vector_store %arg9[%swap3A_844, %swap3A_845], %get3A_842 {add = true, strides = array<i32>} : memref<96x1024xf32, #tpu.memory_space<vmem>>, vector<16xf32>,
        %swap3A_847 = arith.constant 22 : i32
        %swap3A_848 = arith.index_cast %swap3A_847 : i32 to index
        %swap3A_849 = arith.index_cast %multiple_of3A : i32 to index
        %swap3A_850 = tpu.vector_load %arg9[%swap3A_848, %swap3A_849] {strides = array<i32>} : memref<96x1024xf32, #tpu.memory_space<vmem>>, vector<16xf32>,
        tpu.vector_store %arg9[%swap3A_848, %swap3A_849], %get3A_842 {add = true, strides = array<i32>} : memref<96x1024xf32, #tpu.memory_space<vmem>>, vector<16xf32>,
        %swap3A_851 = arith.constant 26 : i32
        %swap3A_852 = arith.index_cast %swap3A_851 : i32 to index
        %swap3A_853 = arith.index_cast %multiple_of3A : i32 to index
        %swap3A_854 = tpu.vector_load %arg9[%swap3A_852, %swap3A_853] {strides = array<i32>} : memref<96x1024xf32, #tpu.memory_space<vmem>>, vector<16xf32>,
        tpu.vector_store %arg9[%swap3A_852, %swap3A_853], %get3A_842 {add = true, strides = array<i32>} : memref<96x1024xf32, #tpu.memory_space<vmem>>, vector<16xf32>,
        %swap3A_855 = arith.constant 30 : i32
        %swap3A_856 = arith.index_cast %swap3A_855 : i32 to index
        %swap3A_857 = arith.index_cast %multiple_of3A : i32 to index
        %swap3A_858 = tpu.vector_load %arg9[%swap3A_856, %swap3A_857] {strides = array<i32>} : memref<96x1024xf32, #tpu.memory_space<vmem>>, vector<16xf32>,
        tpu.vector_store %arg9[%swap3A_856, %swap3A_857], %get3A_842 {add = true, strides = array<i32>} : memref<96x1024xf32, #tpu.memory_space<vmem>>, vector<16xf32>,
        %get3A_859 = arith.constant 7 : i32
        %get3A_860 = arith.index_cast %get3A_859 : i32 to index
        %get3A_861 = arith.index_cast %multiple_of3A : i32 to index
        %get3A_862 = tpu.vector_load %arg10[%get3A_860, %get3A_861] {strides = array<i32>} : memref<8x1024xf32, #tpu.memory_space<vmem>>, vector<16xf32>,
        %swap3A_863 = arith.constant 19 : i32
        %swap3A_864 = arith.index_cast %swap3A_863 : i32 to index
        %swap3A_865 = arith.index_cast %multiple_of3A : i32 to index
        %swap3A_866 = tpu.vector_load %arg9[%swap3A_864, %swap3A_865] {strides = array<i32>} : memref<96x1024xf32, #tpu.memory_space<vmem>>, vector<16xf32>,
        tpu.vector_store %arg9[%swap3A_864, %swap3A_865], %get3A_862 {add = true, strides = array<i32>} : memref<96x1024xf32, #tpu.memory_space<vmem>>, vector<16xf32>,
        %swap3A_867 = arith.constant 23 : i32
        %swap3A_868 = arith.index_cast %swap3A_867 : i32 to index
        %swap3A_869 = arith.index_cast %multiple_of3A : i32 to index
        %swap3A_870 = tpu.vector_load %arg9[%swap3A_868, %swap3A_869] {strides = array<i32>} : memref<96x1024xf32, #tpu.memory_space<vmem>>, vector<16xf32>,
        tpu.vector_store %arg9[%swap3A_868, %swap3A_869], %get3A_862 {add = true, strides = array<i32>} : memref<96x1024xf32, #tpu.memory_space<vmem>>, vector<16xf32>,
        %swap3A_871 = arith.constant 27 : i32
        %swap3A_872 = arith.index_cast %swap3A_871 : i32 to index
        %swap3A_873 = arith.index_cast %multiple_of3A : i32 to index
        %swap3A_874 = tpu.vector_load %arg9[%swap3A_872, %swap3A_873] {strides = array<i32>} : memref<96x1024xf32, #tpu.memory_space<vmem>>, vector<16xf32>,
        tpu.vector_store %arg9[%swap3A_872, %swap3A_873], %get3A_862 {add = true, strides = array<i32>} : memref<96x1024xf32, #tpu.memory_space<vmem>>, vector<16xf32>,
        %swap3A_875 = arith.constant 31 : i32
        %swap3A_876 = arith.index_cast %swap3A_875 : i32 to index
        %swap3A_877 = arith.index_cast %multiple_of3A : i32 to index
        %swap3A_878 = tpu.vector_load %arg9[%swap3A_876, %swap3A_877] {strides = array<i32>} : memref<96x1024xf32, #tpu.memory_space<vmem>>, vector<16xf32>,
        tpu.vector_store %arg9[%swap3A_876, %swap3A_877], %get3A_862 {add = true, strides = array<i32>} : memref<96x1024xf32, #tpu.memory_space<vmem>>, vector<16xf32>,
      }
      %scan3A_606 = arith.constant 64 : i32
      %dma_start3A_607 = arith.constant 0 : i32
      %dma_start3A_608 = arith.constant 0 : i32
      %dma_start3A_609 = tpu.memref_slice %arg9[%dma_start3A_607, %dma_start3A_608] : memref<96x1024xf32, #tpu.memory_space<vmem>> -> memref<32x1024xf32, #tpu.memory_space<vmem>>
      %dma_start3A_610 = arith.constant 0 : i32
      %dma_start3A_611 = tpu.memref_slice %arg8[%add3A_582, %dma_start3A_610] : memref<16x32xi32, #tpu.memory_space<vmem>> -> memref<1x32xi32, #tpu.memory_space<vmem>>
      %dma_start3A_612 = tpu.memref_squeeze %dma_start3A_611 : memref<1x32xi32, #tpu.memory_space<vmem>> -> memref<32xi32, #tpu.memory_space<vmem>>
      %dma_start3A_613 = arith.constant 0 : i32
      %dma_start3A_614 = arith.constant 0 : i32
      %dma_start3A_615 = tpu.memref_slice %arg5[%dma_start3A_613, %dma_start3A_614] : memref<16384x1024xf32, #tpu.memory_space<hbm>> -> memref<16384x1024xf32, #tpu.memory_space<hbm>>
      tpu.enqueue_indirect_dma source(%dma_start3A_609 : memref<32x1024xf32, #tpu.memory_space<vmem>>) target(%dma_start3A_615 : memref<16384x1024xf32, #tpu.memory_space<hbm>>) offsets(%dma_start3A_612 : memref<32xi32, #tpu.memory_space<vmem>>) semaphore(%arg19 : memref<!tpu.dma_semaphore, #tpu.memory_space<semaphore_mem>>)
      %add3A_616 = arith.constant 2 : i32
      %add3A_617 = arith.addi %add3A_582, %add3A_616 : i32
      %lt3A_618 = arith.constant 16 : i32
      %lt3A_619 = arith.cmpi slt, %add3A_617, %lt3A_618 : i32
      %convert_element_type3A_620 = arith.extui %lt3A_619 : i1 to i32
      %cond3A_621 = arith.constant 0 : i32
      %cond3A_622 = arith.cmpi ne, %convert_element_type3A_620, %cond3A_621 : i32
      scf.if %cond3A_622 {
        %ge3A = arith.constant 1 : i32
        %ge3A_717 = arith.cmpi sge, %add3A_582, %ge3A : i32
        %convert_element_type3A_718 = arith.extui %ge3A_717 : i1 to i32
        %cond3A_719 = arith.constant 0 : i32
        %cond3A_720 = arith.cmpi ne, %convert_element_type3A_718, %cond3A_719 : i32
        scf.if %cond3A_720 {
          %dma_wait3A_732 = arith.constant 0 : i32
          %dma_wait3A_733 = arith.constant 64 : i32
          %dma_wait3A_734 = arith.constant 0 : i32
          %dma_wait3A_735 = tpu.memref_slice %arg9[%dma_wait3A_733, %dma_wait3A_734] : memref<96x1024xf32, #tpu.memory_space<vmem>> -> memref<32x1024xf32, #tpu.memory_space<vmem>>
          %dma_wait3A_736 = arith.constant 0 : i32
          %dma_wait3A_737 = tpu.memref_slice %arg8[%dma_wait3A_732, %dma_wait3A_736] : memref<16x32xi32, #tpu.memory_space<vmem>> -> memref<1x32xi32, #tpu.memory_space<vmem>>
          %dma_wait3A_738 = tpu.memref_squeeze %dma_wait3A_737 : memref<1x32xi32, #tpu.memory_space<vmem>> -> memref<32xi32, #tpu.memory_space<vmem>>
          %dma_wait3A_739 = arith.constant 0 : i32
          %dma_wait3A_740 = arith.constant 0 : i32
          %dma_wait3A_741 = tpu.memref_slice %arg5[%dma_wait3A_739, %dma_wait3A_740] : memref<16384x1024xf32, #tpu.memory_space<hbm>> -> memref<16384x1024xf32, #tpu.memory_space<hbm>>
          tpu.wait_indirect_dma semaphore(%arg21 : memref<!tpu.dma_semaphore, #tpu.memory_space<semaphore_mem>>) src(%dma_wait3A_735 : memref<32x1024xf32, #tpu.memory_space<vmem>>) dst(%dma_wait3A_741 : memref<16384x1024xf32, #tpu.memory_space<hbm>>)
        } else {
        }
        %add3A_721 = arith.constant 2 : i32
        %add3A_722 = arith.addi %add3A_582, %add3A_721 : i32
        %mul3A_723 = arith.constant 32 : i32
        %mul3A_724 = arith.muli %add3A_722, %mul3A_723 : i32
        %dma_start3A_725 = arith.constant 64 : i32
        %dma_start3A_726 = arith.constant 0 : i32
        %dma_start3A_727 = tpu.memref_slice %arg9[%dma_start3A_725, %dma_start3A_726] : memref<96x1024xf32, #tpu.memory_space<vmem>> -> memref<32x1024xf32, #tpu.memory_space<vmem>>
        %dma_start3A_728 = tpu.memref_slice %arg7[%mul3A_724] : memref<512xi32, #tpu.memory_space<vmem>> -> memref<32xi32, #tpu.memory_space<vmem>>
        %dma_start3A_729 = arith.constant 0 : i32
        %dma_start3A_730 = arith.constant 0 : i32
        %dma_start3A_731 = tpu.memref_slice %arg3[%dma_start3A_729, %dma_start3A_730] : memref<100000x1024xf32, #tpu.memory_space<hbm>> -> memref<100000x1024xf32, #tpu.memory_space<hbm>>
        tpu.enqueue_indirect_dma source(%dma_start3A_731 : memref<100000x1024xf32, #tpu.memory_space<hbm>>) target(%dma_start3A_727 : memref<32x1024xf32, #tpu.memory_space<vmem>>) offsets(%dma_start3A_728 : memref<32xi32, #tpu.memory_space<vmem>>) semaphore(%arg15 : memref<!tpu.dma_semaphore, #tpu.memory_space<semaphore_mem>>)
      } else {
      }
      %mul3A_623 = arith.constant 3 : i32
      %mul3A_624 = arith.muli %scan3A_578, %mul3A_623 : i32
      %add3A_625 = arith.constant 1 : i32
      %add3A_626 = arith.addi %mul3A_624, %add3A_625 : i32
      %dma_wait3A_627 = arith.constant 32 : i32
      %dma_wait3A_628 = arith.constant 0 : i32
      %dma_wait3A_629 = tpu.memref_slice %arg9[%dma_wait3A_627, %dma_wait3A_628] : memref<96x1024xf32, #tpu.memory_space<vmem>> -> memref<32x1024xf32, #tpu.memory_space<vmem>>
      %dma_wait3A_630 = arith.constant 0 : i32
      %dma_wait3A_631 = tpu.memref_slice %arg7[%dma_wait3A_630] : memref<512xi32, #tpu.memory_space<vmem>> -> memref<32xi32, #tpu.memory_space<vmem>>
      %dma_wait3A_632 = arith.constant 0 : i32
      %dma_wait3A_633 = arith.constant 0 : i32
      %dma_wait3A_634 = tpu.memref_slice %arg3[%dma_wait3A_632, %dma_wait3A_633] : memref<100000x1024xf32, #tpu.memory_space<hbm>> -> memref<100000x1024xf32, #tpu.memory_space<hbm>>
      tpu.wait_indirect_dma semaphore(%arg14 : memref<!tpu.dma_semaphore, #tpu.memory_space<semaphore_mem>>) src(%dma_wait3A_634 : memref<100000x1024xf32, #tpu.memory_space<hbm>>) dst(%dma_wait3A_629 : memref<32x1024xf32, #tpu.memory_space<vmem>>)
      %dma_wait3A_635 = arith.constant 0 : i32
      %dma_wait3A_636 = arith.constant 0 : i32
      %dma_wait3A_637 = tpu.memref_slice %arg4[%dma_wait3A_635, %dma_wait3A_636] : memref<4096x1024xf32, #tpu.memory_space<hbm>> -> memref<8x1024xf32, #tpu.memory_space<hbm>>
      %dma_wait3A_638 = arith.constant 0 : i32
      %dma_wait3A_639 = arith.constant 0 : i32
      %dma_wait3A_640 = tpu.memref_slice %arg4[%dma_wait3A_638, %dma_wait3A_639] : memref<4096x1024xf32, #tpu.memory_space<hbm>> -> memref<8x1024xf32, #tpu.memory_space<hbm>>
      tpu.wait_dma2 semaphore(%arg17 : memref<!tpu.dma_semaphore, #tpu.memory_space<semaphore_mem>>) src(%dma_wait3A_640 : memref<8x1024xf32, #tpu.memory_space<hbm>>) dst(%arg11 : memref<8x1024xf32, #tpu.memory_space<vmem>>)
      %add3A_641 = arith.constant 2 : i32
      %add3A_642 = arith.addi %add3A_626, %add3A_641 : i32
      %lt3A_643 = arith.constant 16 : i32
      %lt3A_644 = arith.cmpi slt, %add3A_642, %lt3A_643 : i32
      %convert_element_type3A_645 = arith.extui %lt3A_644 : i1 to i32
      %cond3A_646 = arith.constant 0 : i32
      %cond3A_647 = arith.cmpi ne, %convert_element_type3A_645, %cond3A_646 : i32
      scf.if %cond3A_647 {
        %add3A_717 = arith.constant 2 : i32
        %add3A_718 = arith.addi %add3A_626, %add3A_717 : i32
        %mul3A_719 = arith.constant 8 : i32
        %mul3A_720 = arith.muli %add3A_718, %mul3A_719 : i32
        %add3A_721 = arith.addi %mul3A_2, %mul3A_720 : i32
        %dma_start3A_722 = arith.constant 0 : i32
        %dma_start3A_723 = tpu.memref_slice %arg4[%add3A_721, %dma_start3A_722] : memref<4096x1024xf32, #tpu.memory_space<hbm>> -> memref<8x1024xf32, #tpu.memory_space<hbm>>
        %dma_start3A_724 = arith.constant 0 : i32
        %dma_start3A_725 = tpu.memref_slice %arg4[%add3A_721, %dma_start3A_724] : memref<4096x1024xf32, #tpu.memory_space<hbm>> -> memref<8x1024xf32, #tpu.memory_space<hbm>>
        tpu.enqueue_dma source(%dma_start3A_725 : memref<8x1024xf32, #tpu.memory_space<hbm>>) target(%arg10 : memref<8x1024xf32, #tpu.memory_space<vmem>>) target_semaphore(%arg16 : memref<!tpu.dma_semaphore, #tpu.memory_space<semaphore_mem>>)
      } else {
      }
      %scan3A_648 = arith.constant 0 : i32
      %scan3A_649 = arith.constant 0 : i32
      %scan3A_650 = arith.constant 64 : i32
      %scan3A_651 = arith.addi %scan3A_649, %scan3A_650 : i32
      %scan3A_652 = arith.constant 1 : i32
      scf.for %scan3A_717 = %scan3A_649 to %scan3A_651 step %scan3A_652  : i32 {
        %mul3A_718 = arith.constant 16 : i32
        %mul3A_719 = arith.muli %scan3A_717, %mul3A_718 : i32
        %multiple_of3A = tpu.assume_multiple %mul3A_719, 16 : i32
        %get3A = arith.constant 0 : i32
        %get3A_720 = arith.index_cast %get3A : i32 to index
        %get3A_721 = arith.index_cast %multiple_of3A : i32 to index
        %get3A_722 = tpu.vector_load %arg11[%get3A_720, %get3A_721] {strides = array<i32>} : memref<8x1024xf32, #tpu.memory_space<vmem>>, vector<16xf32>,
        %swap3A_723 = arith.constant 32 : i32
        %swap3A_724 = arith.index_cast %swap3A_723 : i32 to index
        %swap3A_725 = arith.index_cast %multiple_of3A : i32 to index
        %swap3A_726 = tpu.vector_load %arg9[%swap3A_724, %swap3A_725] {strides = array<i32>} : memref<96x1024xf32, #tpu.memory_space<vmem>>, vector<16xf32>,
        tpu.vector_store %arg9[%swap3A_724, %swap3A_725], %get3A_722 {add = true, strides = array<i32>} : memref<96x1024xf32, #tpu.memory_space<vmem>>, vector<16xf32>,
        %swap3A_727 = arith.constant 36 : i32
        %swap3A_728 = arith.index_cast %swap3A_727 : i32 to index
        %swap3A_729 = arith.index_cast %multiple_of3A : i32 to index
        %swap3A_730 = tpu.vector_load %arg9[%swap3A_728, %swap3A_729] {strides = array<i32>} : memref<96x1024xf32, #tpu.memory_space<vmem>>, vector<16xf32>,
        tpu.vector_store %arg9[%swap3A_728, %swap3A_729], %get3A_722 {add = true, strides = array<i32>} : memref<96x1024xf32, #tpu.memory_space<vmem>>, vector<16xf32>,
        %swap3A_731 = arith.constant 40 : i32
        %swap3A_732 = arith.index_cast %swap3A_731 : i32 to index
        %swap3A_733 = arith.index_cast %multiple_of3A : i32 to index
        %swap3A_734 = tpu.vector_load %arg9[%swap3A_732, %swap3A_733] {strides = array<i32>} : memref<96x1024xf32, #tpu.memory_space<vmem>>, vector<16xf32>,
        tpu.vector_store %arg9[%swap3A_732, %swap3A_733], %get3A_722 {add = true, strides = array<i32>} : memref<96x1024xf32, #tpu.memory_space<vmem>>, vector<16xf32>,
        %swap3A_735 = arith.constant 44 : i32
        %swap3A_736 = arith.index_cast %swap3A_735 : i32 to index
        %swap3A_737 = arith.index_cast %multiple_of3A : i32 to index
        %swap3A_738 = tpu.vector_load %arg9[%swap3A_736, %swap3A_737] {strides = array<i32>} : memref<96x1024xf32, #tpu.memory_space<vmem>>, vector<16xf32>,
        tpu.vector_store %arg9[%swap3A_736, %swap3A_737], %get3A_722 {add = true, strides = array<i32>} : memref<96x1024xf32, #tpu.memory_space<vmem>>, vector<16xf32>,
        %get3A_739 = arith.constant 1 : i32
        %get3A_740 = arith.index_cast %get3A_739 : i32 to index
        %get3A_741 = arith.index_cast %multiple_of3A : i32 to index
        %get3A_742 = tpu.vector_load %arg11[%get3A_740, %get3A_741] {strides = array<i32>} : memref<8x1024xf32, #tpu.memory_space<vmem>>, vector<16xf32>,
        %swap3A_743 = arith.constant 33 : i32
        %swap3A_744 = arith.index_cast %swap3A_743 : i32 to index
        %swap3A_745 = arith.index_cast %multiple_of3A : i32 to index
        %swap3A_746 = tpu.vector_load %arg9[%swap3A_744, %swap3A_745] {strides = array<i32>} : memref<96x1024xf32, #tpu.memory_space<vmem>>, vector<16xf32>,
        tpu.vector_store %arg9[%swap3A_744, %swap3A_745], %get3A_742 {add = true, strides = array<i32>} : memref<96x1024xf32, #tpu.memory_space<vmem>>, vector<16xf32>,
        %swap3A_747 = arith.constant 37 : i32
        %swap3A_748 = arith.index_cast %swap3A_747 : i32 to index
        %swap3A_749 = arith.index_cast %multiple_of3A : i32 to index
        %swap3A_750 = tpu.vector_load %arg9[%swap3A_748, %swap3A_749] {strides = array<i32>} : memref<96x1024xf32, #tpu.memory_space<vmem>>, vector<16xf32>,
        tpu.vector_store %arg9[%swap3A_748, %swap3A_749], %get3A_742 {add = true, strides = array<i32>} : memref<96x1024xf32, #tpu.memory_space<vmem>>, vector<16xf32>,
        %swap3A_751 = arith.constant 41 : i32
        %swap3A_752 = arith.index_cast %swap3A_751 : i32 to index
        %swap3A_753 = arith.index_cast %multiple_of3A : i32 to index
        %swap3A_754 = tpu.vector_load %arg9[%swap3A_752, %swap3A_753] {strides = array<i32>} : memref<96x1024xf32, #tpu.memory_space<vmem>>, vector<16xf32>,
        tpu.vector_store %arg9[%swap3A_752, %swap3A_753], %get3A_742 {add = true, strides = array<i32>} : memref<96x1024xf32, #tpu.memory_space<vmem>>, vector<16xf32>,
        %swap3A_755 = arith.constant 45 : i32
        %swap3A_756 = arith.index_cast %swap3A_755 : i32 to index
        %swap3A_757 = arith.index_cast %multiple_of3A : i32 to index
        %swap3A_758 = tpu.vector_load %arg9[%swap3A_756, %swap3A_757] {strides = array<i32>} : memref<96x1024xf32, #tpu.memory_space<vmem>>, vector<16xf32>,
        tpu.vector_store %arg9[%swap3A_756, %swap3A_757], %get3A_742 {add = true, strides = array<i32>} : memref<96x1024xf32, #tpu.memory_space<vmem>>, vector<16xf32>,
        %get3A_759 = arith.constant 2 : i32
        %get3A_760 = arith.index_cast %get3A_759 : i32 to index
        %get3A_761 = arith.index_cast %multiple_of3A : i32 to index
        %get3A_762 = tpu.vector_load %arg11[%get3A_760, %get3A_761] {strides = array<i32>} : memref<8x1024xf32, #tpu.memory_space<vmem>>, vector<16xf32>,
        %swap3A_763 = arith.constant 34 : i32
        %swap3A_764 = arith.index_cast %swap3A_763 : i32 to index
        %swap3A_765 = arith.index_cast %multiple_of3A : i32 to index
        %swap3A_766 = tpu.vector_load %arg9[%swap3A_764, %swap3A_765] {strides = array<i32>} : memref<96x1024xf32, #tpu.memory_space<vmem>>, vector<16xf32>,
        tpu.vector_store %arg9[%swap3A_764, %swap3A_765], %get3A_762 {add = true, strides = array<i32>} : memref<96x1024xf32, #tpu.memory_space<vmem>>, vector<16xf32>,
        %swap3A_767 = arith.constant 38 : i32
        %swap3A_768 = arith.index_cast %swap3A_767 : i32 to index
        %swap3A_769 = arith.index_cast %multiple_of3A : i32 to index
        %swap3A_770 = tpu.vector_load %arg9[%swap3A_768, %swap3A_769] {strides = array<i32>} : memref<96x1024xf32, #tpu.memory_space<vmem>>, vector<16xf32>,
        tpu.vector_store %arg9[%swap3A_768, %swap3A_769], %get3A_762 {add = true, strides = array<i32>} : memref<96x1024xf32, #tpu.memory_space<vmem>>, vector<16xf32>,
        %swap3A_771 = arith.constant 42 : i32
        %swap3A_772 = arith.index_cast %swap3A_771 : i32 to index
        %swap3A_773 = arith.index_cast %multiple_of3A : i32 to index
        %swap3A_774 = tpu.vector_load %arg9[%swap3A_772, %swap3A_773] {strides = array<i32>} : memref<96x1024xf32, #tpu.memory_space<vmem>>, vector<16xf32>,
        tpu.vector_store %arg9[%swap3A_772, %swap3A_773], %get3A_762 {add = true, strides = array<i32>} : memref<96x1024xf32, #tpu.memory_space<vmem>>, vector<16xf32>,
        %swap3A_775 = arith.constant 46 : i32
        %swap3A_776 = arith.index_cast %swap3A_775 : i32 to index
        %swap3A_777 = arith.index_cast %multiple_of3A : i32 to index
        %swap3A_778 = tpu.vector_load %arg9[%swap3A_776, %swap3A_777] {strides = array<i32>} : memref<96x1024xf32, #tpu.memory_space<vmem>>, vector<16xf32>,
        tpu.vector_store %arg9[%swap3A_776, %swap3A_777], %get3A_762 {add = true, strides = array<i32>} : memref<96x1024xf32, #tpu.memory_space<vmem>>, vector<16xf32>,
        %get3A_779 = arith.constant 3 : i32
        %get3A_780 = arith.index_cast %get3A_779 : i32 to index
        %get3A_781 = arith.index_cast %multiple_of3A : i32 to index
        %get3A_782 = tpu.vector_load %arg11[%get3A_780, %get3A_781] {strides = array<i32>} : memref<8x1024xf32, #tpu.memory_space<vmem>>, vector<16xf32>,
        %swap3A_783 = arith.constant 35 : i32
        %swap3A_784 = arith.index_cast %swap3A_783 : i32 to index
        %swap3A_785 = arith.index_cast %multiple_of3A : i32 to index
        %swap3A_786 = tpu.vector_load %arg9[%swap3A_784, %swap3A_785] {strides = array<i32>} : memref<96x1024xf32, #tpu.memory_space<vmem>>, vector<16xf32>,
        tpu.vector_store %arg9[%swap3A_784, %swap3A_785], %get3A_782 {add = true, strides = array<i32>} : memref<96x1024xf32, #tpu.memory_space<vmem>>, vector<16xf32>,
        %swap3A_787 = arith.constant 39 : i32
        %swap3A_788 = arith.index_cast %swap3A_787 : i32 to index
        %swap3A_789 = arith.index_cast %multiple_of3A : i32 to index
        %swap3A_790 = tpu.vector_load %arg9[%swap3A_788, %swap3A_789] {strides = array<i32>} : memref<96x1024xf32, #tpu.memory_space<vmem>>, vector<16xf32>,
        tpu.vector_store %arg9[%swap3A_788, %swap3A_789], %get3A_782 {add = true, strides = array<i32>} : memref<96x1024xf32, #tpu.memory_space<vmem>>, vector<16xf32>,
        %swap3A_791 = arith.constant 43 : i32
        %swap3A_792 = arith.index_cast %swap3A_791 : i32 to index
        %swap3A_793 = arith.index_cast %multiple_of3A : i32 to index
        %swap3A_794 = tpu.vector_load %arg9[%swap3A_792, %swap3A_793] {strides = array<i32>} : memref<96x1024xf32, #tpu.memory_space<vmem>>, vector<16xf32>,
        tpu.vector_store %arg9[%swap3A_792, %swap3A_793], %get3A_782 {add = true, strides = array<i32>} : memref<96x1024xf32, #tpu.memory_space<vmem>>, vector<16xf32>,
        %swap3A_795 = arith.constant 47 : i32
        %swap3A_796 = arith.index_cast %swap3A_795 : i32 to index
        %swap3A_797 = arith.index_cast %multiple_of3A : i32 to index
        %swap3A_798 = tpu.vector_load %arg9[%swap3A_796, %swap3A_797] {strides = array<i32>} : memref<96x1024xf32, #tpu.memory_space<vmem>>, vector<16xf32>,
        tpu.vector_store %arg9[%swap3A_796, %swap3A_797], %get3A_782 {add = true, strides = array<i32>} : memref<96x1024xf32, #tpu.memory_space<vmem>>, vector<16xf32>,
        %get3A_799 = arith.constant 4 : i32
        %get3A_800 = arith.index_cast %get3A_799 : i32 to index
        %get3A_801 = arith.index_cast %multiple_of3A : i32 to index
        %get3A_802 = tpu.vector_load %arg11[%get3A_800, %get3A_801] {strides = array<i32>} : memref<8x1024xf32, #tpu.memory_space<vmem>>, vector<16xf32>,
        %swap3A_803 = arith.constant 48 : i32
        %swap3A_804 = arith.index_cast %swap3A_803 : i32 to index
        %swap3A_805 = arith.index_cast %multiple_of3A : i32 to index
        %swap3A_806 = tpu.vector_load %arg9[%swap3A_804, %swap3A_805] {strides = array<i32>} : memref<96x1024xf32, #tpu.memory_space<vmem>>, vector<16xf32>,
        tpu.vector_store %arg9[%swap3A_804, %swap3A_805], %get3A_802 {add = true, strides = array<i32>} : memref<96x1024xf32, #tpu.memory_space<vmem>>, vector<16xf32>,
        %swap3A_807 = arith.constant 52 : i32
        %swap3A_808 = arith.index_cast %swap3A_807 : i32 to index
        %swap3A_809 = arith.index_cast %multiple_of3A : i32 to index
        %swap3A_810 = tpu.vector_load %arg9[%swap3A_808, %swap3A_809] {strides = array<i32>} : memref<96x1024xf32, #tpu.memory_space<vmem>>, vector<16xf32>,
        tpu.vector_store %arg9[%swap3A_808, %swap3A_809], %get3A_802 {add = true, strides = array<i32>} : memref<96x1024xf32, #tpu.memory_space<vmem>>, vector<16xf32>,
        %swap3A_811 = arith.constant 56 : i32
        %swap3A_812 = arith.index_cast %swap3A_811 : i32 to index
        %swap3A_813 = arith.index_cast %multiple_of3A : i32 to index
        %swap3A_814 = tpu.vector_load %arg9[%swap3A_812, %swap3A_813] {strides = array<i32>} : memref<96x1024xf32, #tpu.memory_space<vmem>>, vector<16xf32>,
        tpu.vector_store %arg9[%swap3A_812, %swap3A_813], %get3A_802 {add = true, strides = array<i32>} : memref<96x1024xf32, #tpu.memory_space<vmem>>, vector<16xf32>,
        %swap3A_815 = arith.constant 60 : i32
        %swap3A_816 = arith.index_cast %swap3A_815 : i32 to index
        %swap3A_817 = arith.index_cast %multiple_of3A : i32 to index
        %swap3A_818 = tpu.vector_load %arg9[%swap3A_816, %swap3A_817] {strides = array<i32>} : memref<96x1024xf32, #tpu.memory_space<vmem>>, vector<16xf32>,
        tpu.vector_store %arg9[%swap3A_816, %swap3A_817], %get3A_802 {add = true, strides = array<i32>} : memref<96x1024xf32, #tpu.memory_space<vmem>>, vector<16xf32>,
        %get3A_819 = arith.constant 5 : i32
        %get3A_820 = arith.index_cast %get3A_819 : i32 to index
        %get3A_821 = arith.index_cast %multiple_of3A : i32 to index
        %get3A_822 = tpu.vector_load %arg11[%get3A_820, %get3A_821] {strides = array<i32>} : memref<8x1024xf32, #tpu.memory_space<vmem>>, vector<16xf32>,
        %swap3A_823 = arith.constant 49 : i32
        %swap3A_824 = arith.index_cast %swap3A_823 : i32 to index
        %swap3A_825 = arith.index_cast %multiple_of3A : i32 to index
        %swap3A_826 = tpu.vector_load %arg9[%swap3A_824, %swap3A_825] {strides = array<i32>} : memref<96x1024xf32, #tpu.memory_space<vmem>>, vector<16xf32>,
        tpu.vector_store %arg9[%swap3A_824, %swap3A_825], %get3A_822 {add = true, strides = array<i32>} : memref<96x1024xf32, #tpu.memory_space<vmem>>, vector<16xf32>,
        %swap3A_827 = arith.constant 53 : i32
        %swap3A_828 = arith.index_cast %swap3A_827 : i32 to index
        %swap3A_829 = arith.index_cast %multiple_of3A : i32 to index
        %swap3A_830 = tpu.vector_load %arg9[%swap3A_828, %swap3A_829] {strides = array<i32>} : memref<96x1024xf32, #tpu.memory_space<vmem>>, vector<16xf32>,
        tpu.vector_store %arg9[%swap3A_828, %swap3A_829], %get3A_822 {add = true, strides = array<i32>} : memref<96x1024xf32, #tpu.memory_space<vmem>>, vector<16xf32>,
        %swap3A_831 = arith.constant 57 : i32
        %swap3A_832 = arith.index_cast %swap3A_831 : i32 to index
        %swap3A_833 = arith.index_cast %multiple_of3A : i32 to index
        %swap3A_834 = tpu.vector_load %arg9[%swap3A_832, %swap3A_833] {strides = array<i32>} : memref<96x1024xf32, #tpu.memory_space<vmem>>, vector<16xf32>,
        tpu.vector_store %arg9[%swap3A_832, %swap3A_833], %get3A_822 {add = true, strides = array<i32>} : memref<96x1024xf32, #tpu.memory_space<vmem>>, vector<16xf32>,
        %swap3A_835 = arith.constant 61 : i32
        %swap3A_836 = arith.index_cast %swap3A_835 : i32 to index
        %swap3A_837 = arith.index_cast %multiple_of3A : i32 to index
        %swap3A_838 = tpu.vector_load %arg9[%swap3A_836, %swap3A_837] {strides = array<i32>} : memref<96x1024xf32, #tpu.memory_space<vmem>>, vector<16xf32>,
        tpu.vector_store %arg9[%swap3A_836, %swap3A_837], %get3A_822 {add = true, strides = array<i32>} : memref<96x1024xf32, #tpu.memory_space<vmem>>, vector<16xf32>,
        %get3A_839 = arith.constant 6 : i32
        %get3A_840 = arith.index_cast %get3A_839 : i32 to index
        %get3A_841 = arith.index_cast %multiple_of3A : i32 to index
        %get3A_842 = tpu.vector_load %arg11[%get3A_840, %get3A_841] {strides = array<i32>} : memref<8x1024xf32, #tpu.memory_space<vmem>>, vector<16xf32>,
        %swap3A_843 = arith.constant 50 : i32
        %swap3A_844 = arith.index_cast %swap3A_843 : i32 to index
        %swap3A_845 = arith.index_cast %multiple_of3A : i32 to index
        %swap3A_846 = tpu.vector_load %arg9[%swap3A_844, %swap3A_845] {strides = array<i32>} : memref<96x1024xf32, #tpu.memory_space<vmem>>, vector<16xf32>,
        tpu.vector_store %arg9[%swap3A_844, %swap3A_845], %get3A_842 {add = true, strides = array<i32>} : memref<96x1024xf32, #tpu.memory_space<vmem>>, vector<16xf32>,
        %swap3A_847 = arith.constant 54 : i32
        %swap3A_848 = arith.index_cast %swap3A_847 : i32 to index
        %swap3A_849 = arith.index_cast %multiple_of3A : i32 to index
        %swap3A_850 = tpu.vector_load %arg9[%swap3A_848, %swap3A_849] {strides = array<i32>} : memref<96x1024xf32, #tpu.memory_space<vmem>>, vector<16xf32>,
        tpu.vector_store %arg9[%swap3A_848, %swap3A_849], %get3A_842 {add = true, strides = array<i32>} : memref<96x1024xf32, #tpu.memory_space<vmem>>, vector<16xf32>,
        %swap3A_851 = arith.constant 58 : i32
        %swap3A_852 = arith.index_cast %swap3A_851 : i32 to index
        %swap3A_853 = arith.index_cast %multiple_of3A : i32 to index
        %swap3A_854 = tpu.vector_load %arg9[%swap3A_852, %swap3A_853] {strides = array<i32>} : memref<96x1024xf32, #tpu.memory_space<vmem>>, vector<16xf32>,
        tpu.vector_store %arg9[%swap3A_852, %swap3A_853], %get3A_842 {add = true, strides = array<i32>} : memref<96x1024xf32, #tpu.memory_space<vmem>>, vector<16xf32>,
        %swap3A_855 = arith.constant 62 : i32
        %swap3A_856 = arith.index_cast %swap3A_855 : i32 to index
        %swap3A_857 = arith.index_cast %multiple_of3A : i32 to index
        %swap3A_858 = tpu.vector_load %arg9[%swap3A_856, %swap3A_857] {strides = array<i32>} : memref<96x1024xf32, #tpu.memory_space<vmem>>, vector<16xf32>,
        tpu.vector_store %arg9[%swap3A_856, %swap3A_857], %get3A_842 {add = true, strides = array<i32>} : memref<96x1024xf32, #tpu.memory_space<vmem>>, vector<16xf32>,
        %get3A_859 = arith.constant 7 : i32
        %get3A_860 = arith.index_cast %get3A_859 : i32 to index
        %get3A_861 = arith.index_cast %multiple_of3A : i32 to index
        %get3A_862 = tpu.vector_load %arg11[%get3A_860, %get3A_861] {strides = array<i32>} : memref<8x1024xf32, #tpu.memory_space<vmem>>, vector<16xf32>,
        %swap3A_863 = arith.constant 51 : i32
        %swap3A_864 = arith.index_cast %swap3A_863 : i32 to index
        %swap3A_865 = arith.index_cast %multiple_of3A : i32 to index
        %swap3A_866 = tpu.vector_load %arg9[%swap3A_864, %swap3A_865] {strides = array<i32>} : memref<96x1024xf32, #tpu.memory_space<vmem>>, vector<16xf32>,
        tpu.vector_store %arg9[%swap3A_864, %swap3A_865], %get3A_862 {add = true, strides = array<i32>} : memref<96x1024xf32, #tpu.memory_space<vmem>>, vector<16xf32>,
        %swap3A_867 = arith.constant 55 : i32
        %swap3A_868 = arith.index_cast %swap3A_867 : i32 to index
        %swap3A_869 = arith.index_cast %multiple_of3A : i32 to index
        %swap3A_870 = tpu.vector_load %arg9[%swap3A_868, %swap3A_869] {strides = array<i32>} : memref<96x1024xf32, #tpu.memory_space<vmem>>, vector<16xf32>,
        tpu.vector_store %arg9[%swap3A_868, %swap3A_869], %get3A_862 {add = true, strides = array<i32>} : memref<96x1024xf32, #tpu.memory_space<vmem>>, vector<16xf32>,
        %swap3A_871 = arith.constant 59 : i32
        %swap3A_872 = arith.index_cast %swap3A_871 : i32 to index
        %swap3A_873 = arith.index_cast %multiple_of3A : i32 to index
        %swap3A_874 = tpu.vector_load %arg9[%swap3A_872, %swap3A_873] {strides = array<i32>} : memref<96x1024xf32, #tpu.memory_space<vmem>>, vector<16xf32>,
        tpu.vector_store %arg9[%swap3A_872, %swap3A_873], %get3A_862 {add = true, strides = array<i32>} : memref<96x1024xf32, #tpu.memory_space<vmem>>, vector<16xf32>,
        %swap3A_875 = arith.constant 63 : i32
        %swap3A_876 = arith.index_cast %swap3A_875 : i32 to index
        %swap3A_877 = arith.index_cast %multiple_of3A : i32 to index
        %swap3A_878 = tpu.vector_load %arg9[%swap3A_876, %swap3A_877] {strides = array<i32>} : memref<96x1024xf32, #tpu.memory_space<vmem>>, vector<16xf32>,
        tpu.vector_store %arg9[%swap3A_876, %swap3A_877], %get3A_862 {add = true, strides = array<i32>} : memref<96x1024xf32, #tpu.memory_space<vmem>>, vector<16xf32>,
      }
      %scan3A_653 = arith.constant 64 : i32
      %dma_start3A_654 = arith.constant 32 : i32
      %dma_start3A_655 = arith.constant 0 : i32
      %dma_start3A_656 = tpu.memref_slice %arg9[%dma_start3A_654, %dma_start3A_655] : memref<96x1024xf32, #tpu.memory_space<vmem>> -> memref<32x1024xf32, #tpu.memory_space<vmem>>
      %dma_start3A_657 = arith.constant 0 : i32
      %dma_start3A_658 = tpu.memref_slice %arg8[%add3A_626, %dma_start3A_657] : memref<16x32xi32, #tpu.memory_space<vmem>> -> memref<1x32xi32, #tpu.memory_space<vmem>>
      %dma_start3A_659 = tpu.memref_squeeze %dma_start3A_658 : memref<1x32xi32, #tpu.memory_space<vmem>> -> memref<32xi32, #tpu.memory_space<vmem>>
      %dma_start3A_660 = arith.constant 0 : i32
      %dma_start3A_661 = arith.constant 0 : i32
      %dma_start3A_662 = tpu.memref_slice %arg5[%dma_start3A_660, %dma_start3A_661] : memref<16384x1024xf32, #tpu.memory_space<hbm>> -> memref<16384x1024xf32, #tpu.memory_space<hbm>>
      tpu.enqueue_indirect_dma source(%dma_start3A_656 : memref<32x1024xf32, #tpu.memory_space<vmem>>) target(%dma_start3A_662 : memref<16384x1024xf32, #tpu.memory_space<hbm>>) offsets(%dma_start3A_659 : memref<32xi32, #tpu.memory_space<vmem>>) semaphore(%arg20 : memref<!tpu.dma_semaphore, #tpu.memory_space<semaphore_mem>>)
      %add3A_663 = arith.constant 2 : i32
      %add3A_664 = arith.addi %add3A_626, %add3A_663 : i32
      %lt3A_665 = arith.constant 16 : i32
      %lt3A_666 = arith.cmpi slt, %add3A_664, %lt3A_665 : i32
      %convert_element_type3A_667 = arith.extui %lt3A_666 : i1 to i32
      %cond3A_668 = arith.constant 0 : i32
      %cond3A_669 = arith.cmpi ne, %convert_element_type3A_667, %cond3A_668 : i32
      scf.if %cond3A_669 {
        %ge3A = arith.constant 1 : i32
        %ge3A_717 = arith.cmpi sge, %add3A_626, %ge3A : i32
        %convert_element_type3A_718 = arith.extui %ge3A_717 : i1 to i32
        %cond3A_719 = arith.constant 0 : i32
        %cond3A_720 = arith.cmpi ne, %convert_element_type3A_718, %cond3A_719 : i32
        scf.if %cond3A_720 {
          %dma_wait3A_732 = arith.constant 0 : i32
          %dma_wait3A_733 = arith.constant 0 : i32
          %dma_wait3A_734 = arith.constant 0 : i32
          %dma_wait3A_735 = tpu.memref_slice %arg9[%dma_wait3A_733, %dma_wait3A_734] : memref<96x1024xf32, #tpu.memory_space<vmem>> -> memref<32x1024xf32, #tpu.memory_space<vmem>>
          %dma_wait3A_736 = arith.constant 0 : i32
          %dma_wait3A_737 = tpu.memref_slice %arg8[%dma_wait3A_732, %dma_wait3A_736] : memref<16x32xi32, #tpu.memory_space<vmem>> -> memref<1x32xi32, #tpu.memory_space<vmem>>
          %dma_wait3A_738 = tpu.memref_squeeze %dma_wait3A_737 : memref<1x32xi32, #tpu.memory_space<vmem>> -> memref<32xi32, #tpu.memory_space<vmem>>
          %dma_wait3A_739 = arith.constant 0 : i32
          %dma_wait3A_740 = arith.constant 0 : i32
          %dma_wait3A_741 = tpu.memref_slice %arg5[%dma_wait3A_739, %dma_wait3A_740] : memref<16384x1024xf32, #tpu.memory_space<hbm>> -> memref<16384x1024xf32, #tpu.memory_space<hbm>>
          tpu.wait_indirect_dma semaphore(%arg19 : memref<!tpu.dma_semaphore, #tpu.memory_space<semaphore_mem>>) src(%dma_wait3A_735 : memref<32x1024xf32, #tpu.memory_space<vmem>>) dst(%dma_wait3A_741 : memref<16384x1024xf32, #tpu.memory_space<hbm>>)
        } else {
        }
        %add3A_721 = arith.constant 2 : i32
        %add3A_722 = arith.addi %add3A_626, %add3A_721 : i32
        %mul3A_723 = arith.constant 32 : i32
        %mul3A_724 = arith.muli %add3A_722, %mul3A_723 : i32
        %dma_start3A_725 = arith.constant 0 : i32
        %dma_start3A_726 = arith.constant 0 : i32
        %dma_start3A_727 = tpu.memref_slice %arg9[%dma_start3A_725, %dma_start3A_726] : memref<96x1024xf32, #tpu.memory_space<vmem>> -> memref<32x1024xf32, #tpu.memory_space<vmem>>
        %dma_start3A_728 = tpu.memref_slice %arg7[%mul3A_724] : memref<512xi32, #tpu.memory_space<vmem>> -> memref<32xi32, #tpu.memory_space<vmem>>
        %dma_start3A_729 = arith.constant 0 : i32
        %dma_start3A_730 = arith.constant 0 : i32
        %dma_start3A_731 = tpu.memref_slice %arg3[%dma_start3A_729, %dma_start3A_730] : memref<100000x1024xf32, #tpu.memory_space<hbm>> -> memref<100000x1024xf32, #tpu.memory_space<hbm>>
        tpu.enqueue_indirect_dma source(%dma_start3A_731 : memref<100000x1024xf32, #tpu.memory_space<hbm>>) target(%dma_start3A_727 : memref<32x1024xf32, #tpu.memory_space<vmem>>) offsets(%dma_start3A_728 : memref<32xi32, #tpu.memory_space<vmem>>) semaphore(%arg13 : memref<!tpu.dma_semaphore, #tpu.memory_space<semaphore_mem>>)
      } else {
      }
      %mul3A_670 = arith.constant 3 : i32
      %mul3A_671 = arith.muli %scan3A_578, %mul3A_670 : i32
      %add3A_672 = arith.constant 2 : i32
      %add3A_673 = arith.addi %mul3A_671, %add3A_672 : i32
      %dma_wait3A_674 = arith.constant 64 : i32
      %dma_wait3A_675 = arith.constant 0 : i32
      %dma_wait3A_676 = tpu.memref_slice %arg9[%dma_wait3A_674, %dma_wait3A_675] : memref<96x1024xf32, #tpu.memory_space<vmem>> -> memref<32x1024xf32, #tpu.memory_space<vmem>>
      %dma_wait3A_677 = arith.constant 0 : i32
      %dma_wait3A_678 = tpu.memref_slice %arg7[%dma_wait3A_677] : memref<512xi32, #tpu.memory_space<vmem>> -> memref<32xi32, #tpu.memory_space<vmem>>
      %dma_wait3A_679 = arith.constant 0 : i32
      %dma_wait3A_680 = arith.constant 0 : i32
      %dma_wait3A_681 = tpu.memref_slice %arg3[%dma_wait3A_679, %dma_wait3A_680] : memref<100000x1024xf32, #tpu.memory_space<hbm>> -> memref<100000x1024xf32, #tpu.memory_space<hbm>>
      tpu.wait_indirect_dma semaphore(%arg15 : memref<!tpu.dma_semaphore, #tpu.memory_space<semaphore_mem>>) src(%dma_wait3A_681 : memref<100000x1024xf32, #tpu.memory_space<hbm>>) dst(%dma_wait3A_676 : memref<32x1024xf32, #tpu.memory_space<vmem>>)
      %dma_wait3A_682 = arith.constant 0 : i32
      %dma_wait3A_683 = arith.constant 0 : i32
      %dma_wait3A_684 = tpu.memref_slice %arg4[%dma_wait3A_682, %dma_wait3A_683] : memref<4096x1024xf32, #tpu.memory_space<hbm>> -> memref<8x1024xf32, #tpu.memory_space<hbm>>
      %dma_wait3A_685 = arith.constant 0 : i32
      %dma_wait3A_686 = arith.constant 0 : i32
      %dma_wait3A_687 = tpu.memref_slice %arg4[%dma_wait3A_685, %dma_wait3A_686] : memref<4096x1024xf32, #tpu.memory_space<hbm>> -> memref<8x1024xf32, #tpu.memory_space<hbm>>
      tpu.wait_dma2 semaphore(%arg18 : memref<!tpu.dma_semaphore, #tpu.memory_space<semaphore_mem>>) src(%dma_wait3A_687 : memref<8x1024xf32, #tpu.memory_space<hbm>>) dst(%arg12 : memref<8x1024xf32, #tpu.memory_space<vmem>>)
      %add3A_688 = arith.constant 2 : i32
      %add3A_689 = arith.addi %add3A_673, %add3A_688 : i32
      %lt3A_690 = arith.constant 16 : i32
      %lt3A_691 = arith.cmpi slt, %add3A_689, %lt3A_690 : i32
      %convert_element_type3A_692 = arith.extui %lt3A_691 : i1 to i32
      %cond3A_693 = arith.constant 0 : i32
      %cond3A_694 = arith.cmpi ne, %convert_element_type3A_692, %cond3A_693 : i32
      scf.if %cond3A_694 {
        %add3A_717 = arith.constant 2 : i32
        %add3A_718 = arith.addi %add3A_673, %add3A_717 : i32
        %mul3A_719 = arith.constant 8 : i32
        %mul3A_720 = arith.muli %add3A_718, %mul3A_719 : i32
        %add3A_721 = arith.addi %mul3A_2, %mul3A_720 : i32
        %dma_start3A_722 = arith.constant 0 : i32
        %dma_start3A_723 = tpu.memref_slice %arg4[%add3A_721, %dma_start3A_722] : memref<4096x1024xf32, #tpu.memory_space<hbm>> -> memref<8x1024xf32, #tpu.memory_space<hbm>>
        %dma_start3A_724 = arith.constant 0 : i32
        %dma_start3A_725 = tpu.memref_slice %arg4[%add3A_721, %dma_start3A_724] : memref<4096x1024xf32, #tpu.memory_space<hbm>> -> memref<8x1024xf32, #tpu.memory_space<hbm>>
        tpu.enqueue_dma source(%dma_start3A_725 : memref<8x1024xf32, #tpu.memory_space<hbm>>) target(%arg11 : memref<8x1024xf32, #tpu.memory_space<vmem>>) target_semaphore(%arg17 : memref<!tpu.dma_semaphore, #tpu.memory_space<semaphore_mem>>)
      } else {
      }
      %scan3A_695 = arith.constant 0 : i32
      %scan3A_696 = arith.constant 0 : i32
      %scan3A_697 = arith.constant 64 : i32
      %scan3A_698 = arith.addi %scan3A_696, %scan3A_697 : i32
      %scan3A_699 = arith.constant 1 : i32
      scf.for %scan3A_717 = %scan3A_696 to %scan3A_698 step %scan3A_699  : i32 {
        %mul3A_718 = arith.constant 16 : i32
        %mul3A_719 = arith.muli %scan3A_717, %mul3A_718 : i32
        %multiple_of3A = tpu.assume_multiple %mul3A_719, 16 : i32
        %get3A = arith.constant 0 : i32
        %get3A_720 = arith.index_cast %get3A : i32 to index
        %get3A_721 = arith.index_cast %multiple_of3A : i32 to index
        %get3A_722 = tpu.vector_load %arg12[%get3A_720, %get3A_721] {strides = array<i32>} : memref<8x1024xf32, #tpu.memory_space<vmem>>, vector<16xf32>,
        %swap3A_723 = arith.constant 64 : i32
        %swap3A_724 = arith.index_cast %swap3A_723 : i32 to index
        %swap3A_725 = arith.index_cast %multiple_of3A : i32 to index
        %swap3A_726 = tpu.vector_load %arg9[%swap3A_724, %swap3A_725] {strides = array<i32>} : memref<96x1024xf32, #tpu.memory_space<vmem>>, vector<16xf32>,
        tpu.vector_store %arg9[%swap3A_724, %swap3A_725], %get3A_722 {add = true, strides = array<i32>} : memref<96x1024xf32, #tpu.memory_space<vmem>>, vector<16xf32>,
        %swap3A_727 = arith.constant 68 : i32
        %swap3A_728 = arith.index_cast %swap3A_727 : i32 to index
        %swap3A_729 = arith.index_cast %multiple_of3A : i32 to index
        %swap3A_730 = tpu.vector_load %arg9[%swap3A_728, %swap3A_729] {strides = array<i32>} : memref<96x1024xf32, #tpu.memory_space<vmem>>, vector<16xf32>,
        tpu.vector_store %arg9[%swap3A_728, %swap3A_729], %get3A_722 {add = true, strides = array<i32>} : memref<96x1024xf32, #tpu.memory_space<vmem>>, vector<16xf32>,
        %swap3A_731 = arith.constant 72 : i32
        %swap3A_732 = arith.index_cast %swap3A_731 : i32 to index
        %swap3A_733 = arith.index_cast %multiple_of3A : i32 to index
        %swap3A_734 = tpu.vector_load %arg9[%swap3A_732, %swap3A_733] {strides = array<i32>} : memref<96x1024xf32, #tpu.memory_space<vmem>>, vector<16xf32>,
        tpu.vector_store %arg9[%swap3A_732, %swap3A_733], %get3A_722 {add = true, strides = array<i32>} : memref<96x1024xf32, #tpu.memory_space<vmem>>, vector<16xf32>,
        %swap3A_735 = arith.constant 76 : i32
        %swap3A_736 = arith.index_cast %swap3A_735 : i32 to index
        %swap3A_737 = arith.index_cast %multiple_of3A : i32 to index
        %swap3A_738 = tpu.vector_load %arg9[%swap3A_736, %swap3A_737] {strides = array<i32>} : memref<96x1024xf32, #tpu.memory_space<vmem>>, vector<16xf32>,
        tpu.vector_store %arg9[%swap3A_736, %swap3A_737], %get3A_722 {add = true, strides = array<i32>} : memref<96x1024xf32, #tpu.memory_space<vmem>>, vector<16xf32>,
        %get3A_739 = arith.constant 1 : i32
        %get3A_740 = arith.index_cast %get3A_739 : i32 to index
        %get3A_741 = arith.index_cast %multiple_of3A : i32 to index
        %get3A_742 = tpu.vector_load %arg12[%get3A_740, %get3A_741] {strides = array<i32>} : memref<8x1024xf32, #tpu.memory_space<vmem>>, vector<16xf32>,
        %swap3A_743 = arith.constant 65 : i32
        %swap3A_744 = arith.index_cast %swap3A_743 : i32 to index
        %swap3A_745 = arith.index_cast %multiple_of3A : i32 to index
        %swap3A_746 = tpu.vector_load %arg9[%swap3A_744, %swap3A_745] {strides = array<i32>} : memref<96x1024xf32, #tpu.memory_space<vmem>>, vector<16xf32>,
        tpu.vector_store %arg9[%swap3A_744, %swap3A_745], %get3A_742 {add = true, strides = array<i32>} : memref<96x1024xf32, #tpu.memory_space<vmem>>, vector<16xf32>,
        %swap3A_747 = arith.constant 69 : i32
        %swap3A_748 = arith.index_cast %swap3A_747 : i32 to index
        %swap3A_749 = arith.index_cast %multiple_of3A : i32 to index
        %swap3A_750 = tpu.vector_load %arg9[%swap3A_748, %swap3A_749] {strides = array<i32>} : memref<96x1024xf32, #tpu.memory_space<vmem>>, vector<16xf32>,
        tpu.vector_store %arg9[%swap3A_748, %swap3A_749], %get3A_742 {add = true, strides = array<i32>} : memref<96x1024xf32, #tpu.memory_space<vmem>>, vector<16xf32>,
        %swap3A_751 = arith.constant 73 : i32
        %swap3A_752 = arith.index_cast %swap3A_751 : i32 to index
        %swap3A_753 = arith.index_cast %multiple_of3A : i32 to index
        %swap3A_754 = tpu.vector_load %arg9[%swap3A_752, %swap3A_753] {strides = array<i32>} : memref<96x1024xf32, #tpu.memory_space<vmem>>, vector<16xf32>,
        tpu.vector_store %arg9[%swap3A_752, %swap3A_753], %get3A_742 {add = true, strides = array<i32>} : memref<96x1024xf32, #tpu.memory_space<vmem>>, vector<16xf32>,
        %swap3A_755 = arith.constant 77 : i32
        %swap3A_756 = arith.index_cast %swap3A_755 : i32 to index
        %swap3A_757 = arith.index_cast %multiple_of3A : i32 to index
        %swap3A_758 = tpu.vector_load %arg9[%swap3A_756, %swap3A_757] {strides = array<i32>} : memref<96x1024xf32, #tpu.memory_space<vmem>>, vector<16xf32>,
        tpu.vector_store %arg9[%swap3A_756, %swap3A_757], %get3A_742 {add = true, strides = array<i32>} : memref<96x1024xf32, #tpu.memory_space<vmem>>, vector<16xf32>,
        %get3A_759 = arith.constant 2 : i32
        %get3A_760 = arith.index_cast %get3A_759 : i32 to index
        %get3A_761 = arith.index_cast %multiple_of3A : i32 to index
        %get3A_762 = tpu.vector_load %arg12[%get3A_760, %get3A_761] {strides = array<i32>} : memref<8x1024xf32, #tpu.memory_space<vmem>>, vector<16xf32>,
        %swap3A_763 = arith.constant 66 : i32
        %swap3A_764 = arith.index_cast %swap3A_763 : i32 to index
        %swap3A_765 = arith.index_cast %multiple_of3A : i32 to index
        %swap3A_766 = tpu.vector_load %arg9[%swap3A_764, %swap3A_765] {strides = array<i32>} : memref<96x1024xf32, #tpu.memory_space<vmem>>, vector<16xf32>,
        tpu.vector_store %arg9[%swap3A_764, %swap3A_765], %get3A_762 {add = true, strides = array<i32>} : memref<96x1024xf32, #tpu.memory_space<vmem>>, vector<16xf32>,
        %swap3A_767 = arith.constant 70 : i32
        %swap3A_768 = arith.index_cast %swap3A_767 : i32 to index
        %swap3A_769 = arith.index_cast %multiple_of3A : i32 to index
        %swap3A_770 = tpu.vector_load %arg9[%swap3A_768, %swap3A_769] {strides = array<i32>} : memref<96x1024xf32, #tpu.memory_space<vmem>>, vector<16xf32>,
        tpu.vector_store %arg9[%swap3A_768, %swap3A_769], %get3A_762 {add = true, strides = array<i32>} : memref<96x1024xf32, #tpu.memory_space<vmem>>, vector<16xf32>,
        %swap3A_771 = arith.constant 74 : i32
        %swap3A_772 = arith.index_cast %swap3A_771 : i32 to index
        %swap3A_773 = arith.index_cast %multiple_of3A : i32 to index
        %swap3A_774 = tpu.vector_load %arg9[%swap3A_772, %swap3A_773] {strides = array<i32>} : memref<96x1024xf32, #tpu.memory_space<vmem>>, vector<16xf32>,
        tpu.vector_store %arg9[%swap3A_772, %swap3A_773], %get3A_762 {add = true, strides = array<i32>} : memref<96x1024xf32, #tpu.memory_space<vmem>>, vector<16xf32>,
        %swap3A_775 = arith.constant 78 : i32
        %swap3A_776 = arith.index_cast %swap3A_775 : i32 to index
        %swap3A_777 = arith.index_cast %multiple_of3A : i32 to index
        %swap3A_778 = tpu.vector_load %arg9[%swap3A_776, %swap3A_777] {strides = array<i32>} : memref<96x1024xf32, #tpu.memory_space<vmem>>, vector<16xf32>,
        tpu.vector_store %arg9[%swap3A_776, %swap3A_777], %get3A_762 {add = true, strides = array<i32>} : memref<96x1024xf32, #tpu.memory_space<vmem>>, vector<16xf32>,
        %get3A_779 = arith.constant 3 : i32
        %get3A_780 = arith.index_cast %get3A_779 : i32 to index
        %get3A_781 = arith.index_cast %multiple_of3A : i32 to index
        %get3A_782 = tpu.vector_load %arg12[%get3A_780, %get3A_781] {strides = array<i32>} : memref<8x1024xf32, #tpu.memory_space<vmem>>, vector<16xf32>,
        %swap3A_783 = arith.constant 67 : i32
        %swap3A_784 = arith.index_cast %swap3A_783 : i32 to index
        %swap3A_785 = arith.index_cast %multiple_of3A : i32 to index
        %swap3A_786 = tpu.vector_load %arg9[%swap3A_784, %swap3A_785] {strides = array<i32>} : memref<96x1024xf32, #tpu.memory_space<vmem>>, vector<16xf32>,
        tpu.vector_store %arg9[%swap3A_784, %swap3A_785], %get3A_782 {add = true, strides = array<i32>} : memref<96x1024xf32, #tpu.memory_space<vmem>>, vector<16xf32>,
        %swap3A_787 = arith.constant 71 : i32
        %swap3A_788 = arith.index_cast %swap3A_787 : i32 to index
        %swap3A_789 = arith.index_cast %multiple_of3A : i32 to index
        %swap3A_790 = tpu.vector_load %arg9[%swap3A_788, %swap3A_789] {strides = array<i32>} : memref<96x1024xf32, #tpu.memory_space<vmem>>, vector<16xf32>,
        tpu.vector_store %arg9[%swap3A_788, %swap3A_789], %get3A_782 {add = true, strides = array<i32>} : memref<96x1024xf32, #tpu.memory_space<vmem>>, vector<16xf32>,
        %swap3A_791 = arith.constant 75 : i32
        %swap3A_792 = arith.index_cast %swap3A_791 : i32 to index
        %swap3A_793 = arith.index_cast %multiple_of3A : i32 to index
        %swap3A_794 = tpu.vector_load %arg9[%swap3A_792, %swap3A_793] {strides = array<i32>} : memref<96x1024xf32, #tpu.memory_space<vmem>>, vector<16xf32>,
        tpu.vector_store %arg9[%swap3A_792, %swap3A_793], %get3A_782 {add = true, strides = array<i32>} : memref<96x1024xf32, #tpu.memory_space<vmem>>, vector<16xf32>,
        %swap3A_795 = arith.constant 79 : i32
        %swap3A_796 = arith.index_cast %swap3A_795 : i32 to index
        %swap3A_797 = arith.index_cast %multiple_of3A : i32 to index
        %swap3A_798 = tpu.vector_load %arg9[%swap3A_796, %swap3A_797] {strides = array<i32>} : memref<96x1024xf32, #tpu.memory_space<vmem>>, vector<16xf32>,
        tpu.vector_store %arg9[%swap3A_796, %swap3A_797], %get3A_782 {add = true, strides = array<i32>} : memref<96x1024xf32, #tpu.memory_space<vmem>>, vector<16xf32>,
        %get3A_799 = arith.constant 4 : i32
        %get3A_800 = arith.index_cast %get3A_799 : i32 to index
        %get3A_801 = arith.index_cast %multiple_of3A : i32 to index
        %get3A_802 = tpu.vector_load %arg12[%get3A_800, %get3A_801] {strides = array<i32>} : memref<8x1024xf32, #tpu.memory_space<vmem>>, vector<16xf32>,
        %swap3A_803 = arith.constant 80 : i32
        %swap3A_804 = arith.index_cast %swap3A_803 : i32 to index
        %swap3A_805 = arith.index_cast %multiple_of3A : i32 to index
        %swap3A_806 = tpu.vector_load %arg9[%swap3A_804, %swap3A_805] {strides = array<i32>} : memref<96x1024xf32, #tpu.memory_space<vmem>>, vector<16xf32>,
        tpu.vector_store %arg9[%swap3A_804, %swap3A_805], %get3A_802 {add = true, strides = array<i32>} : memref<96x1024xf32, #tpu.memory_space<vmem>>, vector<16xf32>,
        %swap3A_807 = arith.constant 84 : i32
        %swap3A_808 = arith.index_cast %swap3A_807 : i32 to index
        %swap3A_809 = arith.index_cast %multiple_of3A : i32 to index
        %swap3A_810 = tpu.vector_load %arg9[%swap3A_808, %swap3A_809] {strides = array<i32>} : memref<96x1024xf32, #tpu.memory_space<vmem>>, vector<16xf32>,
        tpu.vector_store %arg9[%swap3A_808, %swap3A_809], %get3A_802 {add = true, strides = array<i32>} : memref<96x1024xf32, #tpu.memory_space<vmem>>, vector<16xf32>,
        %swap3A_811 = arith.constant 88 : i32
        %swap3A_812 = arith.index_cast %swap3A_811 : i32 to index
        %swap3A_813 = arith.index_cast %multiple_of3A : i32 to index
        %swap3A_814 = tpu.vector_load %arg9[%swap3A_812, %swap3A_813] {strides = array<i32>} : memref<96x1024xf32, #tpu.memory_space<vmem>>, vector<16xf32>,
        tpu.vector_store %arg9[%swap3A_812, %swap3A_813], %get3A_802 {add = true, strides = array<i32>} : memref<96x1024xf32, #tpu.memory_space<vmem>>, vector<16xf32>,
        %swap3A_815 = arith.constant 92 : i32
        %swap3A_816 = arith.index_cast %swap3A_815 : i32 to index
        %swap3A_817 = arith.index_cast %multiple_of3A : i32 to index
        %swap3A_818 = tpu.vector_load %arg9[%swap3A_816, %swap3A_817] {strides = array<i32>} : memref<96x1024xf32, #tpu.memory_space<vmem>>, vector<16xf32>,
        tpu.vector_store %arg9[%swap3A_816, %swap3A_817], %get3A_802 {add = true, strides = array<i32>} : memref<96x1024xf32, #tpu.memory_space<vmem>>, vector<16xf32>,
        %get3A_819 = arith.constant 5 : i32
        %get3A_820 = arith.index_cast %get3A_819 : i32 to index
        %get3A_821 = arith.index_cast %multiple_of3A : i32 to index
        %get3A_822 = tpu.vector_load %arg12[%get3A_820, %get3A_821] {strides = array<i32>} : memref<8x1024xf32, #tpu.memory_space<vmem>>, vector<16xf32>,
        %swap3A_823 = arith.constant 81 : i32
        %swap3A_824 = arith.index_cast %swap3A_823 : i32 to index
        %swap3A_825 = arith.index_cast %multiple_of3A : i32 to index
        %swap3A_826 = tpu.vector_load %arg9[%swap3A_824, %swap3A_825] {strides = array<i32>} : memref<96x1024xf32, #tpu.memory_space<vmem>>, vector<16xf32>,
        tpu.vector_store %arg9[%swap3A_824, %swap3A_825], %get3A_822 {add = true, strides = array<i32>} : memref<96x1024xf32, #tpu.memory_space<vmem>>, vector<16xf32>,
        %swap3A_827 = arith.constant 85 : i32
        %swap3A_828 = arith.index_cast %swap3A_827 : i32 to index
        %swap3A_829 = arith.index_cast %multiple_of3A : i32 to index
        %swap3A_830 = tpu.vector_load %arg9[%swap3A_828, %swap3A_829] {strides = array<i32>} : memref<96x1024xf32, #tpu.memory_space<vmem>>, vector<16xf32>,
        tpu.vector_store %arg9[%swap3A_828, %swap3A_829], %get3A_822 {add = true, strides = array<i32>} : memref<96x1024xf32, #tpu.memory_space<vmem>>, vector<16xf32>,
        %swap3A_831 = arith.constant 89 : i32
        %swap3A_832 = arith.index_cast %swap3A_831 : i32 to index
        %swap3A_833 = arith.index_cast %multiple_of3A : i32 to index
        %swap3A_834 = tpu.vector_load %arg9[%swap3A_832, %swap3A_833] {strides = array<i32>} : memref<96x1024xf32, #tpu.memory_space<vmem>>, vector<16xf32>,
        tpu.vector_store %arg9[%swap3A_832, %swap3A_833], %get3A_822 {add = true, strides = array<i32>} : memref<96x1024xf32, #tpu.memory_space<vmem>>, vector<16xf32>,
        %swap3A_835 = arith.constant 93 : i32
        %swap3A_836 = arith.index_cast %swap3A_835 : i32 to index
        %swap3A_837 = arith.index_cast %multiple_of3A : i32 to index
        %swap3A_838 = tpu.vector_load %arg9[%swap3A_836, %swap3A_837] {strides = array<i32>} : memref<96x1024xf32, #tpu.memory_space<vmem>>, vector<16xf32>,
        tpu.vector_store %arg9[%swap3A_836, %swap3A_837], %get3A_822 {add = true, strides = array<i32>} : memref<96x1024xf32, #tpu.memory_space<vmem>>, vector<16xf32>,
        %get3A_839 = arith.constant 6 : i32
        %get3A_840 = arith.index_cast %get3A_839 : i32 to index
        %get3A_841 = arith.index_cast %multiple_of3A : i32 to index
        %get3A_842 = tpu.vector_load %arg12[%get3A_840, %get3A_841] {strides = array<i32>} : memref<8x1024xf32, #tpu.memory_space<vmem>>, vector<16xf32>,
        %swap3A_843 = arith.constant 82 : i32
        %swap3A_844 = arith.index_cast %swap3A_843 : i32 to index
        %swap3A_845 = arith.index_cast %multiple_of3A : i32 to index
        %swap3A_846 = tpu.vector_load %arg9[%swap3A_844, %swap3A_845] {strides = array<i32>} : memref<96x1024xf32, #tpu.memory_space<vmem>>, vector<16xf32>,
        tpu.vector_store %arg9[%swap3A_844, %swap3A_845], %get3A_842 {add = true, strides = array<i32>} : memref<96x1024xf32, #tpu.memory_space<vmem>>, vector<16xf32>,
        %swap3A_847 = arith.constant 86 : i32
        %swap3A_848 = arith.index_cast %swap3A_847 : i32 to index
        %swap3A_849 = arith.index_cast %multiple_of3A : i32 to index
        %swap3A_850 = tpu.vector_load %arg9[%swap3A_848, %swap3A_849] {strides = array<i32>} : memref<96x1024xf32, #tpu.memory_space<vmem>>, vector<16xf32>,
        tpu.vector_store %arg9[%swap3A_848, %swap3A_849], %get3A_842 {add = true, strides = array<i32>} : memref<96x1024xf32, #tpu.memory_space<vmem>>, vector<16xf32>,
        %swap3A_851 = arith.constant 90 : i32
        %swap3A_852 = arith.index_cast %swap3A_851 : i32 to index
        %swap3A_853 = arith.index_cast %multiple_of3A : i32 to index
        %swap3A_854 = tpu.vector_load %arg9[%swap3A_852, %swap3A_853] {strides = array<i32>} : memref<96x1024xf32, #tpu.memory_space<vmem>>, vector<16xf32>,
        tpu.vector_store %arg9[%swap3A_852, %swap3A_853], %get3A_842 {add = true, strides = array<i32>} : memref<96x1024xf32, #tpu.memory_space<vmem>>, vector<16xf32>,
        %swap3A_855 = arith.constant 94 : i32
        %swap3A_856 = arith.index_cast %swap3A_855 : i32 to index
        %swap3A_857 = arith.index_cast %multiple_of3A : i32 to index
        %swap3A_858 = tpu.vector_load %arg9[%swap3A_856, %swap3A_857] {strides = array<i32>} : memref<96x1024xf32, #tpu.memory_space<vmem>>, vector<16xf32>,
        tpu.vector_store %arg9[%swap3A_856, %swap3A_857], %get3A_842 {add = true, strides = array<i32>} : memref<96x1024xf32, #tpu.memory_space<vmem>>, vector<16xf32>,
        %get3A_859 = arith.constant 7 : i32
        %get3A_860 = arith.index_cast %get3A_859 : i32 to index
        %get3A_861 = arith.index_cast %multiple_of3A : i32 to index
        %get3A_862 = tpu.vector_load %arg12[%get3A_860, %get3A_861] {strides = array<i32>} : memref<8x1024xf32, #tpu.memory_space<vmem>>, vector<16xf32>,
        %swap3A_863 = arith.constant 83 : i32
        %swap3A_864 = arith.index_cast %swap3A_863 : i32 to index
        %swap3A_865 = arith.index_cast %multiple_of3A : i32 to index
        %swap3A_866 = tpu.vector_load %arg9[%swap3A_864, %swap3A_865] {strides = array<i32>} : memref<96x1024xf32, #tpu.memory_space<vmem>>, vector<16xf32>,
        tpu.vector_store %arg9[%swap3A_864, %swap3A_865], %get3A_862 {add = true, strides = array<i32>} : memref<96x1024xf32, #tpu.memory_space<vmem>>, vector<16xf32>,
        %swap3A_867 = arith.constant 87 : i32
        %swap3A_868 = arith.index_cast %swap3A_867 : i32 to index
        %swap3A_869 = arith.index_cast %multiple_of3A : i32 to index
        %swap3A_870 = tpu.vector_load %arg9[%swap3A_868, %swap3A_869] {strides = array<i32>} : memref<96x1024xf32, #tpu.memory_space<vmem>>, vector<16xf32>,
        tpu.vector_store %arg9[%swap3A_868, %swap3A_869], %get3A_862 {add = true, strides = array<i32>} : memref<96x1024xf32, #tpu.memory_space<vmem>>, vector<16xf32>,
        %swap3A_871 = arith.constant 91 : i32
        %swap3A_872 = arith.index_cast %swap3A_871 : i32 to index
        %swap3A_873 = arith.index_cast %multiple_of3A : i32 to index
        %swap3A_874 = tpu.vector_load %arg9[%swap3A_872, %swap3A_873] {strides = array<i32>} : memref<96x1024xf32, #tpu.memory_space<vmem>>, vector<16xf32>,
        tpu.vector_store %arg9[%swap3A_872, %swap3A_873], %get3A_862 {add = true, strides = array<i32>} : memref<96x1024xf32, #tpu.memory_space<vmem>>, vector<16xf32>,
        %swap3A_875 = arith.constant 95 : i32
        %swap3A_876 = arith.index_cast %swap3A_875 : i32 to index
        %swap3A_877 = arith.index_cast %multiple_of3A : i32 to index
        %swap3A_878 = tpu.vector_load %arg9[%swap3A_876, %swap3A_877] {strides = array<i32>} : memref<96x1024xf32, #tpu.memory_space<vmem>>, vector<16xf32>,
        tpu.vector_store %arg9[%swap3A_876, %swap3A_877], %get3A_862 {add = true, strides = array<i32>} : memref<96x1024xf32, #tpu.memory_space<vmem>>, vector<16xf32>,
      }
      %scan3A_700 = arith.constant 64 : i32
      %dma_start3A_701 = arith.constant 64 : i32
      %dma_start3A_702 = arith.constant 0 : i32
      %dma_start3A_703 = tpu.memref_slice %arg9[%dma_start3A_701, %dma_start3A_702] : memref<96x1024xf32, #tpu.memory_space<vmem>> -> memref<32x1024xf32, #tpu.memory_space<vmem>>
      %dma_start3A_704 = arith.constant 0 : i32
      %dma_start3A_705 = tpu.memref_slice %arg8[%add3A_673, %dma_start3A_704] : memref<16x32xi32, #tpu.memory_space<vmem>> -> memref<1x32xi32, #tpu.memory_space<vmem>>
      %dma_start3A_706 = tpu.memref_squeeze %dma_start3A_705 : memref<1x32xi32, #tpu.memory_space<vmem>> -> memref<32xi32, #tpu.memory_space<vmem>>
      %dma_start3A_707 = arith.constant 0 : i32
      %dma_start3A_708 = arith.constant 0 : i32
      %dma_start3A_709 = tpu.memref_slice %arg5[%dma_start3A_707, %dma_start3A_708] : memref<16384x1024xf32, #tpu.memory_space<hbm>> -> memref<16384x1024xf32, #tpu.memory_space<hbm>>
      tpu.enqueue_indirect_dma source(%dma_start3A_703 : memref<32x1024xf32, #tpu.memory_space<vmem>>) target(%dma_start3A_709 : memref<16384x1024xf32, #tpu.memory_space<hbm>>) offsets(%dma_start3A_706 : memref<32xi32, #tpu.memory_space<vmem>>) semaphore(%arg21 : memref<!tpu.dma_semaphore, #tpu.memory_space<semaphore_mem>>)
      %add3A_710 = arith.constant 2 : i32
      %add3A_711 = arith.addi %add3A_673, %add3A_710 : i32
      %lt3A_712 = arith.constant 16 : i32
      %lt3A_713 = arith.cmpi slt, %add3A_711, %lt3A_712 : i32
      %convert_element_type3A_714 = arith.extui %lt3A_713 : i1 to i32
      %cond3A_715 = arith.constant 0 : i32
      %cond3A_716 = arith.cmpi ne, %convert_element_type3A_714, %cond3A_715 : i32
      scf.if %cond3A_716 {
        %ge3A = arith.constant 1 : i32
        %ge3A_717 = arith.cmpi sge, %add3A_673, %ge3A : i32
        %convert_element_type3A_718 = arith.extui %ge3A_717 : i1 to i32
        %cond3A_719 = arith.constant 0 : i32
        %cond3A_720 = arith.cmpi ne, %convert_element_type3A_718, %cond3A_719 : i32
        scf.if %cond3A_720 {
          %dma_wait3A_732 = arith.constant 0 : i32
          %dma_wait3A_733 = arith.constant 32 : i32
          %dma_wait3A_734 = arith.constant 0 : i32
          %dma_wait3A_735 = tpu.memref_slice %arg9[%dma_wait3A_733, %dma_wait3A_734] : memref<96x1024xf32, #tpu.memory_space<vmem>> -> memref<32x1024xf32, #tpu.memory_space<vmem>>
          %dma_wait3A_736 = arith.constant 0 : i32
          %dma_wait3A_737 = tpu.memref_slice %arg8[%dma_wait3A_732, %dma_wait3A_736] : memref<16x32xi32, #tpu.memory_space<vmem>> -> memref<1x32xi32, #tpu.memory_space<vmem>>
          %dma_wait3A_738 = tpu.memref_squeeze %dma_wait3A_737 : memref<1x32xi32, #tpu.memory_space<vmem>> -> memref<32xi32, #tpu.memory_space<vmem>>
          %dma_wait3A_739 = arith.constant 0 : i32
          %dma_wait3A_740 = arith.constant 0 : i32
          %dma_wait3A_741 = tpu.memref_slice %arg5[%dma_wait3A_739, %dma_wait3A_740] : memref<16384x1024xf32, #tpu.memory_space<hbm>> -> memref<16384x1024xf32, #tpu.memory_space<hbm>>
          tpu.wait_indirect_dma semaphore(%arg20 : memref<!tpu.dma_semaphore, #tpu.memory_space<semaphore_mem>>) src(%dma_wait3A_735 : memref<32x1024xf32, #tpu.memory_space<vmem>>) dst(%dma_wait3A_741 : memref<16384x1024xf32, #tpu.memory_space<hbm>>)
        } else {
        }
        %add3A_721 = arith.constant 2 : i32
        %add3A_722 = arith.addi %add3A_673, %add3A_721 : i32
        %mul3A_723 = arith.constant 32 : i32
        %mul3A_724 = arith.muli %add3A_722, %mul3A_723 : i32
        %dma_start3A_725 = arith.constant 32 : i32
        %dma_start3A_726 = arith.constant 0 : i32
        %dma_start3A_727 = tpu.memref_slice %arg9[%dma_start3A_725, %dma_start3A_726] : memref<96x1024xf32, #tpu.memory_space<vmem>> -> memref<32x1024xf32, #tpu.memory_space<vmem>>
        %dma_start3A_728 = tpu.memref_slice %arg7[%mul3A_724] : memref<512xi32, #tpu.memory_space<vmem>> -> memref<32xi32, #tpu.memory_space<vmem>>
        %dma_start3A_729 = arith.constant 0 : i32
        %dma_start3A_730 = arith.constant 0 : i32
        %dma_start3A_731 = tpu.memref_slice %arg3[%dma_start3A_729, %dma_start3A_730] : memref<100000x1024xf32, #tpu.memory_space<hbm>> -> memref<100000x1024xf32, #tpu.memory_space<hbm>>
        tpu.enqueue_indirect_dma source(%dma_start3A_731 : memref<100000x1024xf32, #tpu.memory_space<hbm>>) target(%dma_start3A_727 : memref<32x1024xf32, #tpu.memory_space<vmem>>) offsets(%dma_start3A_728 : memref<32xi32, #tpu.memory_space<vmem>>) semaphore(%arg14 : memref<!tpu.dma_semaphore, #tpu.memory_space<semaphore_mem>>)
      } else {
      }
    }
    %scan3A_517 = arith.constant 5 : i32
    %dma_wait3A_518 = arith.constant 0 : i32
    %dma_wait3A_519 = arith.constant 0 : i32
    %dma_wait3A_520 = tpu.memref_slice %arg9[%dma_wait3A_518, %dma_wait3A_519] : memref<96x1024xf32, #tpu.memory_space<vmem>> -> memref<32x1024xf32, #tpu.memory_space<vmem>>
    %dma_wait3A_521 = arith.constant 0 : i32
    %dma_wait3A_522 = tpu.memref_slice %arg7[%dma_wait3A_521] : memref<512xi32, #tpu.memory_space<vmem>> -> memref<32xi32, #tpu.memory_space<vmem>>
    %dma_wait3A_523 = arith.constant 0 : i32
    %dma_wait3A_524 = arith.constant 0 : i32
    %dma_wait3A_525 = tpu.memref_slice %arg3[%dma_wait3A_523, %dma_wait3A_524] : memref<100000x1024xf32, #tpu.memory_space<hbm>> -> memref<100000x1024xf32, #tpu.memory_space<hbm>>
    tpu.wait_indirect_dma semaphore(%arg13 : memref<!tpu.dma_semaphore, #tpu.memory_space<semaphore_mem>>) src(%dma_wait3A_525 : memref<100000x1024xf32, #tpu.memory_space<hbm>>) dst(%dma_wait3A_520 : memref<32x1024xf32, #tpu.memory_space<vmem>>)
    %dma_wait3A_526 = arith.constant 0 : i32
    %dma_wait3A_527 = arith.constant 0 : i32
    %dma_wait3A_528 = tpu.memref_slice %arg4[%dma_wait3A_526, %dma_wait3A_527] : memref<4096x1024xf32, #tpu.memory_space<hbm>> -> memref<8x1024xf32, #tpu.memory_space<hbm>>
    %dma_wait3A_529 = arith.constant 0 : i32
    %dma_wait3A_530 = arith.constant 0 : i32
    %dma_wait3A_531 = tpu.memref_slice %arg4[%dma_wait3A_529, %dma_wait3A_530] : memref<4096x1024xf32, #tpu.memory_space<hbm>> -> memref<8x1024xf32, #tpu.memory_space<hbm>>
    tpu.wait_dma2 semaphore(%arg16 : memref<!tpu.dma_semaphore, #tpu.memory_space<semaphore_mem>>) src(%dma_wait3A_531 : memref<8x1024xf32, #tpu.memory_space<hbm>>) dst(%arg10 : memref<8x1024xf32, #tpu.memory_space<vmem>>)
    %scan3A_532 = arith.constant 0 : i32
    %scan3A_533 = arith.constant 0 : i32
    %scan3A_534 = arith.constant 64 : i32
    %scan3A_535 = arith.addi %scan3A_533, %scan3A_534 : i32
    %scan3A_536 = arith.constant 1 : i32
    scf.for %scan3A_578 = %scan3A_533 to %scan3A_535 step %scan3A_536  : i32 {
      %mul3A_579 = arith.constant 16 : i32
      %mul3A_580 = arith.muli %scan3A_578, %mul3A_579 : i32
      %multiple_of3A = tpu.assume_multiple %mul3A_580, 16 : i32
      %get3A = arith.constant 0 : i32
      %get3A_581 = arith.index_cast %get3A : i32 to index
      %get3A_582 = arith.index_cast %multiple_of3A : i32 to index
      %get3A_583 = tpu.vector_load %arg10[%get3A_581, %get3A_582] {strides = array<i32>} : memref<8x1024xf32, #tpu.memory_space<vmem>>, vector<16xf32>,
      %swap3A_584 = arith.constant 0 : i32
      %swap3A_585 = arith.index_cast %swap3A_584 : i32 to index
      %swap3A_586 = arith.index_cast %multiple_of3A : i32 to index
      %swap3A_587 = tpu.vector_load %arg9[%swap3A_585, %swap3A_586] {strides = array<i32>} : memref<96x1024xf32, #tpu.memory_space<vmem>>, vector<16xf32>,
      tpu.vector_store %arg9[%swap3A_585, %swap3A_586], %get3A_583 {add = true, strides = array<i32>} : memref<96x1024xf32, #tpu.memory_space<vmem>>, vector<16xf32>,
      %swap3A_588 = arith.constant 4 : i32
      %swap3A_589 = arith.index_cast %swap3A_588 : i32 to index
      %swap3A_590 = arith.index_cast %multiple_of3A : i32 to index
      %swap3A_591 = tpu.vector_load %arg9[%swap3A_589, %swap3A_590] {strides = array<i32>} : memref<96x1024xf32, #tpu.memory_space<vmem>>, vector<16xf32>,
      tpu.vector_store %arg9[%swap3A_589, %swap3A_590], %get3A_583 {add = true, strides = array<i32>} : memref<96x1024xf32, #tpu.memory_space<vmem>>, vector<16xf32>,
      %swap3A_592 = arith.constant 8 : i32
      %swap3A_593 = arith.index_cast %swap3A_592 : i32 to index
      %swap3A_594 = arith.index_cast %multiple_of3A : i32 to index
      %swap3A_595 = tpu.vector_load %arg9[%swap3A_593, %swap3A_594] {strides = array<i32>} : memref<96x1024xf32, #tpu.memory_space<vmem>>, vector<16xf32>,
      tpu.vector_store %arg9[%swap3A_593, %swap3A_594], %get3A_583 {add = true, strides = array<i32>} : memref<96x1024xf32, #tpu.memory_space<vmem>>, vector<16xf32>,
      %swap3A_596 = arith.constant 12 : i32
      %swap3A_597 = arith.index_cast %swap3A_596 : i32 to index
      %swap3A_598 = arith.index_cast %multiple_of3A : i32 to index
      %swap3A_599 = tpu.vector_load %arg9[%swap3A_597, %swap3A_598] {strides = array<i32>} : memref<96x1024xf32, #tpu.memory_space<vmem>>, vector<16xf32>,
      tpu.vector_store %arg9[%swap3A_597, %swap3A_598], %get3A_583 {add = true, strides = array<i32>} : memref<96x1024xf32, #tpu.memory_space<vmem>>, vector<16xf32>,
      %get3A_600 = arith.constant 1 : i32
      %get3A_601 = arith.index_cast %get3A_600 : i32 to index
      %get3A_602 = arith.index_cast %multiple_of3A : i32 to index
      %get3A_603 = tpu.vector_load %arg10[%get3A_601, %get3A_602] {strides = array<i32>} : memref<8x1024xf32, #tpu.memory_space<vmem>>, vector<16xf32>,
      %swap3A_604 = arith.constant 1 : i32
      %swap3A_605 = arith.index_cast %swap3A_604 : i32 to index
      %swap3A_606 = arith.index_cast %multiple_of3A : i32 to index
      %swap3A_607 = tpu.vector_load %arg9[%swap3A_605, %swap3A_606] {strides = array<i32>} : memref<96x1024xf32, #tpu.memory_space<vmem>>, vector<16xf32>,
      tpu.vector_store %arg9[%swap3A_605, %swap3A_606], %get3A_603 {add = true, strides = array<i32>} : memref<96x1024xf32, #tpu.memory_space<vmem>>, vector<16xf32>,
      %swap3A_608 = arith.constant 5 : i32
      %swap3A_609 = arith.index_cast %swap3A_608 : i32 to index
      %swap3A_610 = arith.index_cast %multiple_of3A : i32 to index
      %swap3A_611 = tpu.vector_load %arg9[%swap3A_609, %swap3A_610] {strides = array<i32>} : memref<96x1024xf32, #tpu.memory_space<vmem>>, vector<16xf32>,
      tpu.vector_store %arg9[%swap3A_609, %swap3A_610], %get3A_603 {add = true, strides = array<i32>} : memref<96x1024xf32, #tpu.memory_space<vmem>>, vector<16xf32>,
      %swap3A_612 = arith.constant 9 : i32
      %swap3A_613 = arith.index_cast %swap3A_612 : i32 to index
      %swap3A_614 = arith.index_cast %multiple_of3A : i32 to index
      %swap3A_615 = tpu.vector_load %arg9[%swap3A_613, %swap3A_614] {strides = array<i32>} : memref<96x1024xf32, #tpu.memory_space<vmem>>, vector<16xf32>,
      tpu.vector_store %arg9[%swap3A_613, %swap3A_614], %get3A_603 {add = true, strides = array<i32>} : memref<96x1024xf32, #tpu.memory_space<vmem>>, vector<16xf32>,
      %swap3A_616 = arith.constant 13 : i32
      %swap3A_617 = arith.index_cast %swap3A_616 : i32 to index
      %swap3A_618 = arith.index_cast %multiple_of3A : i32 to index
      %swap3A_619 = tpu.vector_load %arg9[%swap3A_617, %swap3A_618] {strides = array<i32>} : memref<96x1024xf32, #tpu.memory_space<vmem>>, vector<16xf32>,
      tpu.vector_store %arg9[%swap3A_617, %swap3A_618], %get3A_603 {add = true, strides = array<i32>} : memref<96x1024xf32, #tpu.memory_space<vmem>>, vector<16xf32>,
      %get3A_620 = arith.constant 2 : i32
      %get3A_621 = arith.index_cast %get3A_620 : i32 to index
      %get3A_622 = arith.index_cast %multiple_of3A : i32 to index
      %get3A_623 = tpu.vector_load %arg10[%get3A_621, %get3A_622] {strides = array<i32>} : memref<8x1024xf32, #tpu.memory_space<vmem>>, vector<16xf32>,
      %swap3A_624 = arith.constant 2 : i32
      %swap3A_625 = arith.index_cast %swap3A_624 : i32 to index
      %swap3A_626 = arith.index_cast %multiple_of3A : i32 to index
      %swap3A_627 = tpu.vector_load %arg9[%swap3A_625, %swap3A_626] {strides = array<i32>} : memref<96x1024xf32, #tpu.memory_space<vmem>>, vector<16xf32>,
      tpu.vector_store %arg9[%swap3A_625, %swap3A_626], %get3A_623 {add = true, strides = array<i32>} : memref<96x1024xf32, #tpu.memory_space<vmem>>, vector<16xf32>,
      %swap3A_628 = arith.constant 6 : i32
      %swap3A_629 = arith.index_cast %swap3A_628 : i32 to index
      %swap3A_630 = arith.index_cast %multiple_of3A : i32 to index
      %swap3A_631 = tpu.vector_load %arg9[%swap3A_629, %swap3A_630] {strides = array<i32>} : memref<96x1024xf32, #tpu.memory_space<vmem>>, vector<16xf32>,
      tpu.vector_store %arg9[%swap3A_629, %swap3A_630], %get3A_623 {add = true, strides = array<i32>} : memref<96x1024xf32, #tpu.memory_space<vmem>>, vector<16xf32>,
      %swap3A_632 = arith.constant 10 : i32
      %swap3A_633 = arith.index_cast %swap3A_632 : i32 to index
      %swap3A_634 = arith.index_cast %multiple_of3A : i32 to index
      %swap3A_635 = tpu.vector_load %arg9[%swap3A_633, %swap3A_634] {strides = array<i32>} : memref<96x1024xf32, #tpu.memory_space<vmem>>, vector<16xf32>,
      tpu.vector_store %arg9[%swap3A_633, %swap3A_634], %get3A_623 {add = true, strides = array<i32>} : memref<96x1024xf32, #tpu.memory_space<vmem>>, vector<16xf32>,
      %swap3A_636 = arith.constant 14 : i32
      %swap3A_637 = arith.index_cast %swap3A_636 : i32 to index
      %swap3A_638 = arith.index_cast %multiple_of3A : i32 to index
      %swap3A_639 = tpu.vector_load %arg9[%swap3A_637, %swap3A_638] {strides = array<i32>} : memref<96x1024xf32, #tpu.memory_space<vmem>>, vector<16xf32>,
      tpu.vector_store %arg9[%swap3A_637, %swap3A_638], %get3A_623 {add = true, strides = array<i32>} : memref<96x1024xf32, #tpu.memory_space<vmem>>, vector<16xf32>,
      %get3A_640 = arith.constant 3 : i32
      %get3A_641 = arith.index_cast %get3A_640 : i32 to index
      %get3A_642 = arith.index_cast %multiple_of3A : i32 to index
      %get3A_643 = tpu.vector_load %arg10[%get3A_641, %get3A_642] {strides = array<i32>} : memref<8x1024xf32, #tpu.memory_space<vmem>>, vector<16xf32>,
      %swap3A_644 = arith.constant 3 : i32
      %swap3A_645 = arith.index_cast %swap3A_644 : i32 to index
      %swap3A_646 = arith.index_cast %multiple_of3A : i32 to index
      %swap3A_647 = tpu.vector_load %arg9[%swap3A_645, %swap3A_646] {strides = array<i32>} : memref<96x1024xf32, #tpu.memory_space<vmem>>, vector<16xf32>,
      tpu.vector_store %arg9[%swap3A_645, %swap3A_646], %get3A_643 {add = true, strides = array<i32>} : memref<96x1024xf32, #tpu.memory_space<vmem>>, vector<16xf32>,
      %swap3A_648 = arith.constant 7 : i32
      %swap3A_649 = arith.index_cast %swap3A_648 : i32 to index
      %swap3A_650 = arith.index_cast %multiple_of3A : i32 to index
      %swap3A_651 = tpu.vector_load %arg9[%swap3A_649, %swap3A_650] {strides = array<i32>} : memref<96x1024xf32, #tpu.memory_space<vmem>>, vector<16xf32>,
      tpu.vector_store %arg9[%swap3A_649, %swap3A_650], %get3A_643 {add = true, strides = array<i32>} : memref<96x1024xf32, #tpu.memory_space<vmem>>, vector<16xf32>,
      %swap3A_652 = arith.constant 11 : i32
      %swap3A_653 = arith.index_cast %swap3A_652 : i32 to index
      %swap3A_654 = arith.index_cast %multiple_of3A : i32 to index
      %swap3A_655 = tpu.vector_load %arg9[%swap3A_653, %swap3A_654] {strides = array<i32>} : memref<96x1024xf32, #tpu.memory_space<vmem>>, vector<16xf32>,
      tpu.vector_store %arg9[%swap3A_653, %swap3A_654], %get3A_643 {add = true, strides = array<i32>} : memref<96x1024xf32, #tpu.memory_space<vmem>>, vector<16xf32>,
      %swap3A_656 = arith.constant 15 : i32
      %swap3A_657 = arith.index_cast %swap3A_656 : i32 to index
      %swap3A_658 = arith.index_cast %multiple_of3A : i32 to index
      %swap3A_659 = tpu.vector_load %arg9[%swap3A_657, %swap3A_658] {strides = array<i32>} : memref<96x1024xf32, #tpu.memory_space<vmem>>, vector<16xf32>,
      tpu.vector_store %arg9[%swap3A_657, %swap3A_658], %get3A_643 {add = true, strides = array<i32>} : memref<96x1024xf32, #tpu.memory_space<vmem>>, vector<16xf32>,
      %get3A_660 = arith.constant 4 : i32
      %get3A_661 = arith.index_cast %get3A_660 : i32 to index
      %get3A_662 = arith.index_cast %multiple_of3A : i32 to index
      %get3A_663 = tpu.vector_load %arg10[%get3A_661, %get3A_662] {strides = array<i32>} : memref<8x1024xf32, #tpu.memory_space<vmem>>, vector<16xf32>,
      %swap3A_664 = arith.constant 16 : i32
      %swap3A_665 = arith.index_cast %swap3A_664 : i32 to index
      %swap3A_666 = arith.index_cast %multiple_of3A : i32 to index
      %swap3A_667 = tpu.vector_load %arg9[%swap3A_665, %swap3A_666] {strides = array<i32>} : memref<96x1024xf32, #tpu.memory_space<vmem>>, vector<16xf32>,
      tpu.vector_store %arg9[%swap3A_665, %swap3A_666], %get3A_663 {add = true, strides = array<i32>} : memref<96x1024xf32, #tpu.memory_space<vmem>>, vector<16xf32>,
      %swap3A_668 = arith.constant 20 : i32
      %swap3A_669 = arith.index_cast %swap3A_668 : i32 to index
      %swap3A_670 = arith.index_cast %multiple_of3A : i32 to index
      %swap3A_671 = tpu.vector_load %arg9[%swap3A_669, %swap3A_670] {strides = array<i32>} : memref<96x1024xf32, #tpu.memory_space<vmem>>, vector<16xf32>,
      tpu.vector_store %arg9[%swap3A_669, %swap3A_670], %get3A_663 {add = true, strides = array<i32>} : memref<96x1024xf32, #tpu.memory_space<vmem>>, vector<16xf32>,
      %swap3A_672 = arith.constant 24 : i32
      %swap3A_673 = arith.index_cast %swap3A_672 : i32 to index
      %swap3A_674 = arith.index_cast %multiple_of3A : i32 to index
      %swap3A_675 = tpu.vector_load %arg9[%swap3A_673, %swap3A_674] {strides = array<i32>} : memref<96x1024xf32, #tpu.memory_space<vmem>>, vector<16xf32>,
      tpu.vector_store %arg9[%swap3A_673, %swap3A_674], %get3A_663 {add = true, strides = array<i32>} : memref<96x1024xf32, #tpu.memory_space<vmem>>, vector<16xf32>,
      %swap3A_676 = arith.constant 28 : i32
      %swap3A_677 = arith.index_cast %swap3A_676 : i32 to index
      %swap3A_678 = arith.index_cast %multiple_of3A : i32 to index
      %swap3A_679 = tpu.vector_load %arg9[%swap3A_677, %swap3A_678] {strides = array<i32>} : memref<96x1024xf32, #tpu.memory_space<vmem>>, vector<16xf32>,
      tpu.vector_store %arg9[%swap3A_677, %swap3A_678], %get3A_663 {add = true, strides = array<i32>} : memref<96x1024xf32, #tpu.memory_space<vmem>>, vector<16xf32>,
      %get3A_680 = arith.constant 5 : i32
      %get3A_681 = arith.index_cast %get3A_680 : i32 to index
      %get3A_682 = arith.index_cast %multiple_of3A : i32 to index
      %get3A_683 = tpu.vector_load %arg10[%get3A_681, %get3A_682] {strides = array<i32>} : memref<8x1024xf32, #tpu.memory_space<vmem>>, vector<16xf32>,
      %swap3A_684 = arith.constant 17 : i32
      %swap3A_685 = arith.index_cast %swap3A_684 : i32 to index
      %swap3A_686 = arith.index_cast %multiple_of3A : i32 to index
      %swap3A_687 = tpu.vector_load %arg9[%swap3A_685, %swap3A_686] {strides = array<i32>} : memref<96x1024xf32, #tpu.memory_space<vmem>>, vector<16xf32>,
      tpu.vector_store %arg9[%swap3A_685, %swap3A_686], %get3A_683 {add = true, strides = array<i32>} : memref<96x1024xf32, #tpu.memory_space<vmem>>, vector<16xf32>,
      %swap3A_688 = arith.constant 21 : i32
      %swap3A_689 = arith.index_cast %swap3A_688 : i32 to index
      %swap3A_690 = arith.index_cast %multiple_of3A : i32 to index
      %swap3A_691 = tpu.vector_load %arg9[%swap3A_689, %swap3A_690] {strides = array<i32>} : memref<96x1024xf32, #tpu.memory_space<vmem>>, vector<16xf32>,
      tpu.vector_store %arg9[%swap3A_689, %swap3A_690], %get3A_683 {add = true, strides = array<i32>} : memref<96x1024xf32, #tpu.memory_space<vmem>>, vector<16xf32>,
      %swap3A_692 = arith.constant 25 : i32
      %swap3A_693 = arith.index_cast %swap3A_692 : i32 to index
      %swap3A_694 = arith.index_cast %multiple_of3A : i32 to index
      %swap3A_695 = tpu.vector_load %arg9[%swap3A_693, %swap3A_694] {strides = array<i32>} : memref<96x1024xf32, #tpu.memory_space<vmem>>, vector<16xf32>,
      tpu.vector_store %arg9[%swap3A_693, %swap3A_694], %get3A_683 {add = true, strides = array<i32>} : memref<96x1024xf32, #tpu.memory_space<vmem>>, vector<16xf32>,
      %swap3A_696 = arith.constant 29 : i32
      %swap3A_697 = arith.index_cast %swap3A_696 : i32 to index
      %swap3A_698 = arith.index_cast %multiple_of3A : i32 to index
      %swap3A_699 = tpu.vector_load %arg9[%swap3A_697, %swap3A_698] {strides = array<i32>} : memref<96x1024xf32, #tpu.memory_space<vmem>>, vector<16xf32>,
      tpu.vector_store %arg9[%swap3A_697, %swap3A_698], %get3A_683 {add = true, strides = array<i32>} : memref<96x1024xf32, #tpu.memory_space<vmem>>, vector<16xf32>,
      %get3A_700 = arith.constant 6 : i32
      %get3A_701 = arith.index_cast %get3A_700 : i32 to index
      %get3A_702 = arith.index_cast %multiple_of3A : i32 to index
      %get3A_703 = tpu.vector_load %arg10[%get3A_701, %get3A_702] {strides = array<i32>} : memref<8x1024xf32, #tpu.memory_space<vmem>>, vector<16xf32>,
      %swap3A_704 = arith.constant 18 : i32
      %swap3A_705 = arith.index_cast %swap3A_704 : i32 to index
      %swap3A_706 = arith.index_cast %multiple_of3A : i32 to index
      %swap3A_707 = tpu.vector_load %arg9[%swap3A_705, %swap3A_706] {strides = array<i32>} : memref<96x1024xf32, #tpu.memory_space<vmem>>, vector<16xf32>,
      tpu.vector_store %arg9[%swap3A_705, %swap3A_706], %get3A_703 {add = true, strides = array<i32>} : memref<96x1024xf32, #tpu.memory_space<vmem>>, vector<16xf32>,
      %swap3A_708 = arith.constant 22 : i32
      %swap3A_709 = arith.index_cast %swap3A_708 : i32 to index
      %swap3A_710 = arith.index_cast %multiple_of3A : i32 to index
      %swap3A_711 = tpu.vector_load %arg9[%swap3A_709, %swap3A_710] {strides = array<i32>} : memref<96x1024xf32, #tpu.memory_space<vmem>>, vector<16xf32>,
      tpu.vector_store %arg9[%swap3A_709, %swap3A_710], %get3A_703 {add = true, strides = array<i32>} : memref<96x1024xf32, #tpu.memory_space<vmem>>, vector<16xf32>,
      %swap3A_712 = arith.constant 26 : i32
      %swap3A_713 = arith.index_cast %swap3A_712 : i32 to index
      %swap3A_714 = arith.index_cast %multiple_of3A : i32 to index
      %swap3A_715 = tpu.vector_load %arg9[%swap3A_713, %swap3A_714] {strides = array<i32>} : memref<96x1024xf32, #tpu.memory_space<vmem>>, vector<16xf32>,
      tpu.vector_store %arg9[%swap3A_713, %swap3A_714], %get3A_703 {add = true, strides = array<i32>} : memref<96x1024xf32, #tpu.memory_space<vmem>>, vector<16xf32>,
      %swap3A_716 = arith.constant 30 : i32
      %swap3A_717 = arith.index_cast %swap3A_716 : i32 to index
      %swap3A_718 = arith.index_cast %multiple_of3A : i32 to index
      %swap3A_719 = tpu.vector_load %arg9[%swap3A_717, %swap3A_718] {strides = array<i32>} : memref<96x1024xf32, #tpu.memory_space<vmem>>, vector<16xf32>,
      tpu.vector_store %arg9[%swap3A_717, %swap3A_718], %get3A_703 {add = true, strides = array<i32>} : memref<96x1024xf32, #tpu.memory_space<vmem>>, vector<16xf32>,
      %get3A_720 = arith.constant 7 : i32
      %get3A_721 = arith.index_cast %get3A_720 : i32 to index
      %get3A_722 = arith.index_cast %multiple_of3A : i32 to index
      %get3A_723 = tpu.vector_load %arg10[%get3A_721, %get3A_722] {strides = array<i32>} : memref<8x1024xf32, #tpu.memory_space<vmem>>, vector<16xf32>,
      %swap3A_724 = arith.constant 19 : i32
      %swap3A_725 = arith.index_cast %swap3A_724 : i32 to index
      %swap3A_726 = arith.index_cast %multiple_of3A : i32 to index
      %swap3A_727 = tpu.vector_load %arg9[%swap3A_725, %swap3A_726] {strides = array<i32>} : memref<96x1024xf32, #tpu.memory_space<vmem>>, vector<16xf32>,
      tpu.vector_store %arg9[%swap3A_725, %swap3A_726], %get3A_723 {add = true, strides = array<i32>} : memref<96x1024xf32, #tpu.memory_space<vmem>>, vector<16xf32>,
      %swap3A_728 = arith.constant 23 : i32
      %swap3A_729 = arith.index_cast %swap3A_728 : i32 to index
      %swap3A_730 = arith.index_cast %multiple_of3A : i32 to index
      %swap3A_731 = tpu.vector_load %arg9[%swap3A_729, %swap3A_730] {strides = array<i32>} : memref<96x1024xf32, #tpu.memory_space<vmem>>, vector<16xf32>,
      tpu.vector_store %arg9[%swap3A_729, %swap3A_730], %get3A_723 {add = true, strides = array<i32>} : memref<96x1024xf32, #tpu.memory_space<vmem>>, vector<16xf32>,
      %swap3A_732 = arith.constant 27 : i32
      %swap3A_733 = arith.index_cast %swap3A_732 : i32 to index
      %swap3A_734 = arith.index_cast %multiple_of3A : i32 to index
      %swap3A_735 = tpu.vector_load %arg9[%swap3A_733, %swap3A_734] {strides = array<i32>} : memref<96x1024xf32, #tpu.memory_space<vmem>>, vector<16xf32>,
      tpu.vector_store %arg9[%swap3A_733, %swap3A_734], %get3A_723 {add = true, strides = array<i32>} : memref<96x1024xf32, #tpu.memory_space<vmem>>, vector<16xf32>,
      %swap3A_736 = arith.constant 31 : i32
      %swap3A_737 = arith.index_cast %swap3A_736 : i32 to index
      %swap3A_738 = arith.index_cast %multiple_of3A : i32 to index
      %swap3A_739 = tpu.vector_load %arg9[%swap3A_737, %swap3A_738] {strides = array<i32>} : memref<96x1024xf32, #tpu.memory_space<vmem>>, vector<16xf32>,
      tpu.vector_store %arg9[%swap3A_737, %swap3A_738], %get3A_723 {add = true, strides = array<i32>} : memref<96x1024xf32, #tpu.memory_space<vmem>>, vector<16xf32>,
    }
    %scan3A_537 = arith.constant 64 : i32
    %dma_start3A_538 = arith.constant 15 : i32
    %dma_start3A_539 = arith.constant 0 : i32
    %dma_start3A_540 = arith.constant 0 : i32
    %dma_start3A_541 = tpu.memref_slice %arg9[%dma_start3A_539, %dma_start3A_540] : memref<96x1024xf32, #tpu.memory_space<vmem>> -> memref<32x1024xf32, #tpu.memory_space<vmem>>
    %dma_start3A_542 = arith.constant 0 : i32
    %dma_start3A_543 = tpu.memref_slice %arg8[%dma_start3A_538, %dma_start3A_542] : memref<16x32xi32, #tpu.memory_space<vmem>> -> memref<1x32xi32, #tpu.memory_space<vmem>>
    %dma_start3A_544 = tpu.memref_squeeze %dma_start3A_543 : memref<1x32xi32, #tpu.memory_space<vmem>> -> memref<32xi32, #tpu.memory_space<vmem>>
    %dma_start3A_545 = arith.constant 0 : i32
    %dma_start3A_546 = arith.constant 0 : i32
    %dma_start3A_547 = tpu.memref_slice %arg5[%dma_start3A_545, %dma_start3A_546] : memref<16384x1024xf32, #tpu.memory_space<hbm>> -> memref<16384x1024xf32, #tpu.memory_space<hbm>>
    tpu.enqueue_indirect_dma source(%dma_start3A_541 : memref<32x1024xf32, #tpu.memory_space<vmem>>) target(%dma_start3A_547 : memref<16384x1024xf32, #tpu.memory_space<hbm>>) offsets(%dma_start3A_544 : memref<32xi32, #tpu.memory_space<vmem>>) semaphore(%arg19 : memref<!tpu.dma_semaphore, #tpu.memory_space<semaphore_mem>>)
    %dma_wait3A_548 = arith.constant 0 : i32
    %dma_wait3A_549 = arith.constant 32 : i32
    %dma_wait3A_550 = arith.constant 0 : i32
    %dma_wait3A_551 = tpu.memref_slice %arg9[%dma_wait3A_549, %dma_wait3A_550] : memref<96x1024xf32, #tpu.memory_space<vmem>> -> memref<32x1024xf32, #tpu.memory_space<vmem>>
    %dma_wait3A_552 = arith.constant 0 : i32
    %dma_wait3A_553 = tpu.memref_slice %arg8[%dma_wait3A_548, %dma_wait3A_552] : memref<16x32xi32, #tpu.memory_space<vmem>> -> memref<1x32xi32, #tpu.memory_space<vmem>>
    %dma_wait3A_554 = tpu.memref_squeeze %dma_wait3A_553 : memref<1x32xi32, #tpu.memory_space<vmem>> -> memref<32xi32, #tpu.memory_space<vmem>>
    %dma_wait3A_555 = arith.constant 0 : i32
    %dma_wait3A_556 = arith.constant 0 : i32
    %dma_wait3A_557 = tpu.memref_slice %arg5[%dma_wait3A_555, %dma_wait3A_556] : memref<16384x1024xf32, #tpu.memory_space<hbm>> -> memref<16384x1024xf32, #tpu.memory_space<hbm>>
    tpu.wait_indirect_dma semaphore(%arg20 : memref<!tpu.dma_semaphore, #tpu.memory_space<semaphore_mem>>) src(%dma_wait3A_551 : memref<32x1024xf32, #tpu.memory_space<vmem>>) dst(%dma_wait3A_557 : memref<16384x1024xf32, #tpu.memory_space<hbm>>)
    %dma_wait3A_558 = arith.constant 0 : i32
    %dma_wait3A_559 = arith.constant 64 : i32
    %dma_wait3A_560 = arith.constant 0 : i32
    %dma_wait3A_561 = tpu.memref_slice %arg9[%dma_wait3A_559, %dma_wait3A_560] : memref<96x1024xf32, #tpu.memory_space<vmem>> -> memref<32x1024xf32, #tpu.memory_space<vmem>>
    %dma_wait3A_562 = arith.constant 0 : i32
    %dma_wait3A_563 = tpu.memref_slice %arg8[%dma_wait3A_558, %dma_wait3A_562] : memref<16x32xi32, #tpu.memory_space<vmem>> -> memref<1x32xi32, #tpu.memory_space<vmem>>
    %dma_wait3A_564 = tpu.memref_squeeze %dma_wait3A_563 : memref<1x32xi32, #tpu.memory_space<vmem>> -> memref<32xi32, #tpu.memory_space<vmem>>
    %dma_wait3A_565 = arith.constant 0 : i32
    %dma_wait3A_566 = arith.constant 0 : i32
    %dma_wait3A_567 = tpu.memref_slice %arg5[%dma_wait3A_565, %dma_wait3A_566] : memref<16384x1024xf32, #tpu.memory_space<hbm>> -> memref<16384x1024xf32, #tpu.memory_space<hbm>>
    tpu.wait_indirect_dma semaphore(%arg21 : memref<!tpu.dma_semaphore, #tpu.memory_space<semaphore_mem>>) src(%dma_wait3A_561 : memref<32x1024xf32, #tpu.memory_space<vmem>>) dst(%dma_wait3A_567 : memref<16384x1024xf32, #tpu.memory_space<hbm>>)
    %dma_wait3A_568 = arith.constant 0 : i32
    %dma_wait3A_569 = arith.constant 0 : i32
    %dma_wait3A_570 = arith.constant 0 : i32
    %dma_wait3A_571 = tpu.memref_slice %arg9[%dma_wait3A_569, %dma_wait3A_570] : memref<96x1024xf32, #tpu.memory_space<vmem>> -> memref<32x1024xf32, #tpu.memory_space<vmem>>
    %dma_wait3A_572 = arith.constant 0 : i32
    %dma_wait3A_573 = tpu.memref_slice %arg8[%dma_wait3A_568, %dma_wait3A_572] : memref<16x32xi32, #tpu.memory_space<vmem>> -> memref<1x32xi32, #tpu.memory_space<vmem>>
    %dma_wait3A_574 = tpu.memref_squeeze %dma_wait3A_573 : memref<1x32xi32, #tpu.memory_space<vmem>> -> memref<32xi32, #tpu.memory_space<vmem>>
    %dma_wait3A_575 = arith.constant 0 : i32
    %dma_wait3A_576 = arith.constant 0 : i32
    %dma_wait3A_577 = tpu.memref_slice %arg5[%dma_wait3A_575, %dma_wait3A_576] : memref<16384x1024xf32, #tpu.memory_space<hbm>> -> memref<16384x1024xf32, #tpu.memory_space<hbm>>
    tpu.wait_indirect_dma semaphore(%arg19 : memref<!tpu.dma_semaphore, #tpu.memory_space<semaphore_mem>>) src(%dma_wait3A_571 : memref<32x1024xf32, #tpu.memory_space<vmem>>) dst(%dma_wait3A_577 : memref<16384x1024xf32, #tpu.memory_space<hbm>>)
    return
  }
}

</mosaic_0001>

<sc_bundles>
// kernel: kernel.3.cloned.1.call-start
scs
__scs_entry_jumppad:
0x0: {  	(pc) =	sbr.rel $0x88, $3  }
0x1: {  	(tag) =	ssettag $0x0;
	lr =	simm.s32 $0x1  }
0x2: {  	[smem:$0x3F9E] =	sst lr;
	_ =	strace $0xD0000000  }
0x3: {  	_ = 	snop  }
0x4: {  	_ = 	snop  }
0x5: {  	_ = 	snop  }
0x6: {  	_ = 	snop  }
0x7: {  	_ = 	snop  }
__scs_overlays_trampoline_lowered:
0x8: {  	[smem:$0x3FAD] =	sst s0  }
0x9: {  	[smem:$0x3FAE] =	sst s1  }
0xa: {  	[smem:$0x3FAF] =	sst s2  }
0xb: {  	[smem:$0x3FB0] =	sst s3  }
0xc: {  	[smem:$0x3FB1] =	sst s4  }
0xd: {  	[smem:$0x3FB2] =	sst s5  }
0xe: {  	[smem:$0x3FB3] =	sst s6  }
0xf: {  	[smem:$0x3FB4] =	sst s7  }
0x10: {  	[smem:$0x3FB5] =	sst s8  }
0x11: {  	[smem:$0x3FB6] =	sst s9;
	s0 =	simm.s32 @!p0 $0x0  }
0x12: {  	s1 =	sld [smem:$0x3F9C];
	s0 =	simm.s32 @p0 $0x1  }
0x13: {  	[smem:$0x3FB7] =	sst s0;
	s0 =	simm.s32 @!p1 $0x0  }
0x14: {  	s2 =	sld [smem:$0x3F9B];
	s0 =	simm.s32 @p1 $0x1  }
0x15: {  	[smem:$0x3FB8] =	sst s0;
	s0 =	simm.s32 @!p2 $0x0  }
0x16: {  	s3 =	sld [smem:$0x3FDB];
	s0 =	simm.s32 @p2 $0x1  }
0x17: {  	s4 =	simm.s32 $0x1BF5;
	[smem:$0x3FBA] =	sst s0  }
0x18: {  	s0 =	sld [smem:$0x3F9D];
	_ =	swait.ge [sflag:s4], $0x0  }
0x19: {  	s7 =	sld [smem:$0x3F9E]  }
0x1a: {  	s8 =	sadd.s32 $0xFFFFE003, lr  }
0x1b: {  	s9 =	sadd.s32 $0xFFFFFEF7, lr;
	s5 =	simm.s32 $0xFFFFFFFF;
	p2 =	slt.u32 s8, $0xFFFFF086  }
0x1c: {  	p1 =	slt.u32 s9, $0xF7A;
	s5 =	simm.s32 @!p2 $0x0  }
0x1d: {  	s5 =	simm.s32 @p1 $0x1;
	p0 =	seq.s32 s7, s2  }
0x1e: {  	s7 =	smul.u32 @!p0 $0xF7A, s2;
	p2 =	seq.s32 @!p0 s5, $0x0  }
0x1f: {  	s9 =	smul.u32 $0xF7A, s1;
	s8 =	simm.s32 @!p0 $0x1BF5;
	p2 =	por !p2, p0  }
0x20: {  	[sflag:s8] =	ssyncset.s32 @!p0 $0xFFFFF086;
	s6 =	sadd.s32 @!p0 s3, s7;
	s7 =	simm.s32 @!p0 $0x108  }
0x21: {  	s3 =	sadd.s32 s3, s9;
	s6 =	sadd.s32 @!p0 $0x88, s6;
	s7 =	simm.s32 @p2 $0x1082  }
0x22: {  	[simem:s7], [sflag:s8] =	dma.local @!p0 [hbm:s6], $0xF7A  }
0x23: {  	s9 =	sor.u32 $0xD0000000, s2;
	s6 =	simm.s32 $0x108;
	_ =	swait.ge @!p0 [sflag:s8], $0x0  }
0x24: {  	s3 =	sadd.s32 $0x88, s3;
	s6 =	simm.s32 @!p1 $0x1082;
	[sflag:s4] =	ssyncset.s32 $0xFFFFF086  }
0x25: {  	[simem:s6], [sflag:s4] =	dma.local [hbm:s3], $0xF7A  }
0x26: {  	[smem:$0x3F9E] =	sst s1;
	(tag) =	ssettag s2;
	_ =	strace s9  }
0x27: {  	s1 =	sld [smem:$0x3FAE]  }
0x28: {  	s2 =	sld [smem:$0x3FAF]  }
0x29: {  	s4 =	sld [smem:$0x3FB1]  }
0x2a: {  	p0 =	seq.s32 s5, $0x0;
	s5 =	sld [smem:$0x3FB2]  }
0x2b: {  	s6 =	sld [smem:$0x3FB3]  }
0x2c: {  	s7 =	sld [smem:$0x3FB4]  }
0x2d: {  	s3 =	simm.s32 $0x108;
	s8 =	sld [smem:$0x3FB5]  }
0x2e: {  	s3 =	simm.s32 @!p0 $0x1082;
	s9 =	sld [smem:$0x3FB6]  }
0x2f: {  	lr =	sadd.s32 s0, s3;
	s0 =	sld [smem:$0x3FAD]  }
0x30: {  	s3 =	sld [smem:$0x3FB0]  }
0x31: {  	[smem:$0x3FB9] =	sst s10  }
0x32: {  	s10 =	sld [smem:$0x3FB7];
	_ =	sdelay $0x3  }
0x33: {  	p0 =	seq.s32 s10, $0x1;
	s10 =	sld [smem:$0x3FB9];
	_ =	sdelay $0x3  }
0x34: {  	[smem:$0x3FB9] =	sst s10  }
0x35: {  	s10 =	sld [smem:$0x3FB8];
	_ =	sdelay $0x3  }
0x36: {  	p1 =	seq.s32 s10, $0x1;
	s10 =	sld [smem:$0x3FB9];
	_ =	sdelay $0x3  }
0x37: {  	[smem:$0x3FB9] =	sst s10  }
0x38: {  	s10 =	sld [smem:$0x3FBA]  }
0x39: {  	_ = 	snop;
	(pc) =	sbr.ind lr, $3  }
0x3a: {  	_ = 	snop  }
0x3b: {  	_ = 	snop  }
0x3c: {  	p2 =	seq.s32 s10, $0x1;
	s10 =	sld [smem:$0x3FB9]  }
0x3d: {  	_ =	shalt  }
0x3e: {  	_ =	shalt  }
0x3f: {  	_ =	shalt  }
0x40: {  	_ =	shalt  }
0x41: {  	_ =	shalt  }
0x42: {  	_ =	shalt  }
0x43: {  	_ =	shalt  }
0x44: {  	_ =	shalt  }
0x45: {  	_ =	shalt  }
0x46: {  	_ =	shalt  }
0x47: {  	_ =	shalt  }
0x48: {  	_ =	shalt  }
0x49: {  	_ =	shalt  }
0x4a: {  	_ =	shalt  }
0x4b: {  	_ =	shalt  }
0x4c: {  	_ =	shalt  }
0x4d: {  	_ =	shalt  }
0x4e: {  	_ =	shalt  }
0x4f: {  	_ =	shalt  }
0x50: {  	_ =	shalt  }
0x51: {  	_ =	shalt  }
0x52: {  	_ =	shalt  }
0x53: {  	_ =	shalt  }
0x54: {  	_ =	shalt  }
0x55: {  	_ =	shalt  }
0x56: {  	_ =	shalt  }
0x57: {  	_ =	shalt  }
0x58: {  	_ =	shalt  }
0x59: {  	_ =	shalt  }
0x5a: {  	_ =	shalt  }
0x5b: {  	_ =	shalt  }
0x5c: {  	_ =	shalt  }
0x5d: {  	_ =	shalt  }
0x5e: {  	_ =	shalt  }
0x5f: {  	_ =	shalt  }
0x60: {  	_ =	shalt  }
0x61: {  	_ =	shalt  }
0x62: {  	_ =	shalt  }
0x63: {  	_ =	shalt  }
0x64: {  	_ =	shalt  }
0x65: {  	_ =	shalt  }
0x66: {  	_ =	shalt  }
0x67: {  	_ =	shalt  }
0x68: {  	_ =	shalt  }
0x69: {  	_ =	shalt  }
0x6a: {  	_ =	shalt  }
0x6b: {  	_ =	shalt  }
0x6c: {  	_ =	shalt  }
0x6d: {  	_ =	shalt  }
0x6e: {  	_ =	shalt  }
0x6f: {  	_ =	shalt  }
0x70: {  	_ =	shalt  }
0x71: {  	_ =	shalt  }
0x72: {  	_ =	shalt  }
0x73: {  	_ =	shalt  }
0x74: {  	_ =	shalt  }
0x75: {  	_ =	shalt  }
0x76: {  	_ =	shalt  }
0x77: {  	_ =	shalt  }
0x78: {  	_ =	shalt  }
0x79: {  	_ =	shalt  }
0x7a: {  	_ =	shalt  }
0x7b: {  	_ =	shalt  }
0x7c: {  	_ =	shalt  }
0x7d: {  	_ =	shalt  }
0x7e: {  	_ =	shalt  }
0x7f: {  	_ =	shalt  }
0x80: {  	_ =	shalt  }
0x81: {  	_ =	shalt  }
0x82: {  	_ =	shalt  }
0x83: {  	_ =	shalt  }
0x84: {  	_ =	shalt  }
0x85: {  	_ =	shalt  }
0x86: {  	_ =	shalt  }
0x87: {  	_ =	shalt  }
.Lfunc_end0:
.L_simem_size_0:
called_computation_lowered:
.L_overlay_start_0:
0x88: {  	s2 =	sld [smem:$0x3FD9]  }
0x89: {  	s3 =	sld [smem:$0x3FFE];
	_ =	sdelay $0x1  }
0x8a: {  	s1 =	srdreg.scid  }
0x8b: {  	s0 =	sand.u32 $0x1, s1  }
0x8c: {  	s17 =	sshll.u32 s0, $0xA;
	s2 =	sadd.s32 s3, s2  }
0x8d: {  	s2 =	sadd.s32 s2, s17  }
0x8e: {  	[smem:$0x3FC5] =	sst s2  }
0x8f: {  	_ = 	snop  }
0x90: {  	s2 =	sld [smem:$0x3FC8]  }
0x91: {  	s18 =	sld [smem:$0x3FC7]  }
0x92: {  	s4 =	sld [smem:$0x3FD0];
	(tm) =	ssettm $0x1  }
0x93: {  	s5 =	sld [smem:$0x3FFB];
	_ =	sdelay $0x3  }
0x94: {  	_ =	strace s5  }
0x95: {  	s5 =	sld [smem:$0x3FFC];
	_ =	sdelay $0x3  }
0x96: {  	_ =	strace s5  }
0x97: {  	s5 =	sld [smem:$0x3FFD];
	_ =	sdelay $0x3  }
0x98: {  	_ =	strace s5  }
0x99: {  	_ =	strace $0x8FFFFFFF  }
0x9a: {  	s19 =	sld [smem:$0x3FDB];
	_ =	sdelay $0x1  }
0x9b: {  	s6 =	simm.s32 $_scs_section_size  }
0x9c: {  	s7 =	simm.s32 $_size__tile_overlayer_lowered;
	s8 =	simm.s32 $_tile_overlayer_lowered  }
0x9d: {  	s22 =	simm.s32 $0x1BFF;
	s21 =	sshll.u32 s8, $0x1;
	s5 =	sadd.s32 s6, s19  }
0x9e: {  	s9 =	simm.s32 $0x0;
	s20 =	sshll.u32 s7, $0x1;
	s7 =	sadd.s32 s21, s5  }
0x9f: {  	[timem:s9], [sflag:s22] =	dma.local [hbm:s7], s20  }
0xa0: {  	_ =	swait.ge [sflag:s22], s20  }
0xa1: {  	s6 =	ssub.s32 $0x0, s20;
	[sflag:s22] =	ssyncset.done $0x0  }
0xa2: {  	[sflag:s22] =	ssyncadd.s32 s6;
	_ =	sdelay $0x1  }
0xa3: {  	s23 =	simm.s32 $0x1B8B  }
0xa4: {  	_ =	swait.ge [sflag:s23], $0x1  }
0xa5: {  	[sflag:s23] =	ssyncset.done $0x0  }
0xa6: {  	s25 =	simm.s32 $0x1B8E;
	s24 =	sld [smem:$0x3FFE];
	[sflag:s23] =	ssyncadd.s32 $0xFFFFFFFF  }
0xa7: {  	s26 =	simm.s32 $execute0_lowered;
	[smem:$0x3FD2] =	sst s25  }
0xa8: {  	s7 =	sshll.u32 s26, $0x1;
	_ =	strace $0x80000046;
	[dreg:$0x1] =	wrdreg $0xFFFFFFFF  }
0xa9: {  	s28 =	simm.s32 $_size_execute0_lowered;
	s5 =	sadd.s32 s5, s7;
	[dreg:$0x0] =	wrdreg $0x0  }
0xaa: {  	s7 =	sshll.u32 s28, $0x1;
	[dreg:$0x2] =	wrdreg s5  }
0xab: {  	[dreg:$0x3] =	wrdreg s7  }
0xac: {  	[dreg:$0x4] =	wrdreg $0xC0  }
0xad: {  	_ =	task [dreg:s9], $0x5FFFF  }
0xae: {  	[dreg:$0x1] =	wrdreg $0xFFFFFFFF  }
0xaf: {  	[dreg:$0x0] =	wrdreg $0x60  }
0xb0: {  	[dreg:$0x2] =	wrdreg s24  }
0xb1: {  	[dreg:$0x3] =	wrdreg s2  }
0xb2: {  	[dreg:$0x4] =	wrdreg s18  }
0xb3: {  	[dreg:$0x5] =	wrdreg s4  }
0xb4: {  	[dreg:$0x6] =	wrdreg $0x9  }
0xb5: {  	_ =	task.clear_ibuf [dreg:s9], $0x7FFFF;
	_ =	strace $0x90000046  }
0xb6: {  	s29 =	simm.s32 $0x9;
	_ =	strace $0x80000048  }
0xb7: {  	_ =	swait.ge [sflag:s29], $0x1  }
0xb8: {  	[sflag:s29] =	ssyncadd.s32 $0xFFFFFFFF  }
0xb9: {  	_ =	strace $0x90000048  }
0xba: {  	_ =	sfence  }
0xbb: {  	s30 =	sld [smem:$0x0];
	_ =	sdelay $0x2  }
0xbc: {  	s31 =	sshll.u32 s1, $0xD;
	s1 =	sshrl.u32 s1, $0x2  }
0xbd: {  	s3 =	sand.u32 $0x4000, s31;
	s1 =	sadd.s32 s1, s30  }
0xbe: {  	s0 =	sor.u32 s3, s0;
	s1 =	sshll.u32 s1, $0x11  }
0xbf: {  	s0 =	sor.u32 s1, s0  }
0xc0: {  	s0 =	sadd.s32 $0x8F2B, s0  }
0xc1: {  	[sflag:s0] =	ssyncadd.remote.s32 $0x1  }
0xc2: {  	_ =	sfence.sel $0xFFFF  }
0xc3: {  	[dreg:$0x0] =	wrdreg $0xFFFFFFFF;
	(pc) =	sbr.abs _section_cstart, $3  }
0xc4: {  	[dreg:$0x1] =	wrdreg $0xFFFFFFFF  }
0xc5: {  	_ =	task.clear_ibuf [dreg:s9], $0x2FFFF;
	_ =	strace $0x9FFFFFFF  }
0xc6: {  	(tm) =	ssettm $0x7FFFFFFF  }
0xc7: {  	_ =	shalt  }
tec
execute0_lowered:
.L_overlay_start_1:
0x0: {  	(tag) =	ssettag $0x1  }
0x1: {  	v0 =	vimm.s32 $0x3020100;
	vm11 =	vcmask $0xF00;
	vm10 =	vcmask $0x1310  }
0x2: {  	vm9 =	vcmask $0x1714;
	vm8 =	vcmask $0x1B18;
	v0 =	vunpack.c.0.s8.s32 v0  }
0x3: {  	vm0 =	vcmask $0x1F1C;
	vm2 =	vcmask $0x2320;
	vm1 =	vcmask $0x2724  }
0x4: {  	v1 =	vimm.s32 $0x17161514;
	v2 =	vimm.s32 $0x83828180;
	v0 =	vnsel vm11, $0x3003, v0  }
0x5: {  	v3 =	vimm.s32 $0x7654;
	v31 =	vimm.s32 $0x87868584;
	v0 =	vsel vm10, $0x1000, v0  }
0x6: {  	vm3 =	vcmask $0x1F10;
	v63 =	vimm.s32 $0xFFFEFDFC;
	v0 =	vsel vm9, $0x1001, v0  }
0x7: {  	vm7 =	vcmask $0x2B28;
	vm6 =	vcmask $0x2F2C;
	v0 =	vsel vm8, $0x1002, v0  }
0x8: {  	v7 =	vunpack.c.0.s8.s32 v1;
	v1 =	vimm.s32 $0x23222120;
	v0 =	vsel vm0, $0x1003, v0  }
0x9: {  	v2 =	vunpack.c.0.s8.s32 v2;
	v15 =	vsel vm2, $0x2000, v0;
	v0 =	vimm.s32 $0xB0A0908  }
0xa: {  	v3 =	vunpack.c.l.s4.s8 v3;
	v4 =	vunpack.c.0.s8.s32 v0;
	v0 =	vimm.s32 $0xF0E0D0C  }
0xb: {  	v32 =	vunpack.c.0.s8.s32 v31;
	v5 =	vunpack.c.0.s8.s32 v0;
	v0 =	vimm.s32 $0x13121110  }
0xc: {  	v10 =	vunpack.c.0.s8.s32 v1;
	v6 =	vunpack.c.0.s8.s32 v0;
	v0 =	vimm.s32 $0x1B1A1918  }
0xd: {  	v1 =	vimm.s32 $0x2F2E2D2C;
	v8 =	vunpack.c.0.s8.s32 v0;
	v0 =	vimm.s32 $0x1F1E1D1C  }
0xe: {  	v13 =	vunpack.c.0.s8.s32 v1;
	v9 =	vunpack.c.0.s8.s32 v0;
	v0 =	vimm.s32 $0x27262524  }
0xf: {  	v1 =	vimm.s32 $0x3B3A3938;
	v11 =	vunpack.c.0.s8.s32 v0;
	v0 =	vimm.s32 $0x2B2A2928  }
0x10: {  	v17 =	vunpack.c.0.s8.s32 v1;
	v12 =	vunpack.c.0.s8.s32 v0;
	v0 =	vimm.s32 $0x33323130  }
0x11: {  	v1 =	vimm.s32 $0x47464544;
	v14 =	vunpack.c.0.s8.s32 v0;
	v0 =	vimm.s32 $0x37363534  }
0x12: {  	v20 =	vunpack.c.0.s8.s32 v1;
	v16 =	vunpack.c.0.s8.s32 v0;
	v0 =	vimm.s32 $0x3F3E3D3C  }
0x13: {  	v1 =	vimm.s32 $0x53525150;
	v18 =	vunpack.c.0.s8.s32 v0;
	v0 =	vimm.s32 $0x43424140  }
0x14: {  	v23 =	vunpack.c.0.s8.s32 v1;
	v19 =	vunpack.c.0.s8.s32 v0;
	v0 =	vimm.s32 $0x4B4A4948  }
0x15: {  	v1 =	vimm.s32 $0x5F5E5D5C;
	v21 =	vunpack.c.0.s8.s32 v0;
	v0 =	vimm.s32 $0x4F4E4D4C  }
0x16: {  	v26 =	vunpack.c.0.s8.s32 v1;
	v22 =	vunpack.c.0.s8.s32 v0;
	v0 =	vimm.s32 $0x57565554  }
0x17: {  	v1 =	vimm.s32 $0x6B6A6968;
	v24 =	vunpack.c.0.s8.s32 v0;
	v0 =	vimm.s32 $0x5B5A5958  }
0x18: {  	v29 =	vunpack.c.0.s8.s32 v1;
	v25 =	vunpack.c.0.s8.s32 v0;
	v0 =	vimm.s32 $0x63626160  }
0x19: {  	v1 =	vimm.s32 $0x3210;
	v27 =	vunpack.c.0.s8.s32 v0;
	v0 =	vimm.s32 $0x67666564  }
0x1a: {  	v1 =	vunpack.c.l.s4.s8 v1;
	v28 =	vunpack.c.0.s8.s32 v0;
	v0 =	vimm.s32 $0x6F6E6D6C  }
0x1b: {  	v2 =	vand.u32 $0xFF, v2;
	v30 =	vunpack.c.0.s8.s32 v0;
	v0 =	vimm.s32 $0x73727170  }
0x1c: {  	v1 =	vunpack.c.0.s8.s32 v1;
	v33 =	vunpack.c.0.s8.s32 v0;
	v0 =	vimm.s32 $0x77767574  }
0x1d: {  	v3 =	vunpack.c.0.s8.s32 v3;
	v60 =	vunpack.c.0.s8.s32 v0;
	v0 =	vimm.s32 $0x7B7A7978  }
0x1e: {  	v1 =	vnsel vm11, $0x183, v1;
	v61 =	vunpack.c.0.s8.s32 v0;
	v0 =	vimm.s32 $0x7F7E7D7C  }
0x1f: {  	v31 =	vsel vm3, v2, v1;
	v62 =	vunpack.c.0.s8.s32 v0;
	v0 =	vimm.s32 $0x8B8A8988  }
0x20: {  	v1 =	vnsel vm11, $0x187, v3;
	v2 =	vand.u32 $0xFF, v32;
	v0 =	vunpack.c.0.s8.s32 v0  }
0x21: {  	v32 =	vsel vm3, v2, v1;
	v1 =	vand.u32 $0xFF, v4;
	v2 =	vimm.s32 $0x8F8E8D8C  }
0x22: {  	v1 =	vnsel vm11, $0x18B, v1;
	v2 =	vunpack.c.0.s8.s32 v2;
	v0 =	vand.u32 $0xFF, v0  }
0x23: {  	v34 =	vsel vm3, v0, v1;
	v0 =	vand.u32 $0xFF, v5;
	v1 =	vimm.s32 $0x93929190  }
0x24: {  	v2 =	vand.u32 $0xFF, v2;
	v0 =	vnsel vm11, $0x18F, v0;
	v1 =	vunpack.c.0.s8.s32 v1  }
0x25: {  	v35 =	vsel vm3, v2, v0;
	v0 =	vand.u32 $0xFF, v6;
	v2 =	vimm.s32 $0x97969594  }
0x26: {  	v0 =	vnsel vm11, $0x193, v0;
	v1 =	vand.u32 $0xFF, v1;
	v2 =	vunpack.c.0.s8.s32 v2  }
0x27: {  	v36 =	vsel vm3, v1, v0;
	v0 =	vand.u32 $0xFF, v7;
	v1 =	vimm.s32 $0x9B9A9998  }
0x28: {  	v0 =	vnsel vm11, $0x197, v0;
	v2 =	vand.u32 $0xFF, v2;
	v1 =	vunpack.c.0.s8.s32 v1  }
0x29: {  	v37 =	vsel vm3, v2, v0;
	v0 =	vand.u32 $0xFF, v8;
	v2 =	vimm.s32 $0x9F9E9D9C  }
0x2a: {  	v0 =	vnsel vm11, $0x19B, v0;
	v1 =	vand.u32 $0xFF, v1;
	v2 =	vunpack.c.0.s8.s32 v2  }
0x2b: {  	v38 =	vsel vm3, v1, v0;
	v0 =	vand.u32 $0xFF, v9;
	v1 =	vimm.s32 $0xA3A2A1A0  }
0x2c: {  	v0 =	vnsel vm11, $0x19F, v0;
	v2 =	vand.u32 $0xFF, v2;
	v1 =	vunpack.c.0.s8.s32 v1  }
0x2d: {  	v39 =	vsel vm3, v2, v0;
	v0 =	vand.u32 $0xFF, v10;
	v2 =	vimm.s32 $0xA7A6A5A4  }
0x2e: {  	v0 =	vnsel vm11, $0x1A3, v0;
	v1 =	vand.u32 $0xFF, v1;
	v2 =	vunpack.c.0.s8.s32 v2  }
0x2f: {  	v40 =	vsel vm3, v1, v0;
	v0 =	vand.u32 $0xFF, v11;
	v1 =	vimm.s32 $0xABAAA9A8  }
0x30: {  	v0 =	vnsel vm11, $0x1A7, v0;
	v2 =	vand.u32 $0xFF, v2;
	v1 =	vunpack.c.0.s8.s32 v1  }
0x31: {  	v41 =	vsel vm3, v2, v0;
	v0 =	vand.u32 $0xFF, v12;
	v2 =	vimm.s32 $0xAFAEADAC  }
0x32: {  	v0 =	vnsel vm11, $0x1AB, v0;
	v1 =	vand.u32 $0xFF, v1;
	v2 =	vunpack.c.0.s8.s32 v2  }
0x33: {  	v42 =	vsel vm3, v1, v0;
	v0 =	vand.u32 $0xFF, v13;
	v1 =	vimm.s32 $0xB3B2B1B0  }
0x34: {  	v0 =	vnsel vm11, $0x1AF, v0;
	v2 =	vand.u32 $0xFF, v2;
	v1 =	vunpack.c.0.s8.s32 v1  }
0x35: {  	v43 =	vsel vm3, v2, v0;
	v0 =	vand.u32 $0xFF, v14;
	v2 =	vimm.s32 $0xB7B6B5B4  }
0x36: {  	v0 =	vnsel vm11, $0x1B3, v0;
	v1 =	vand.u32 $0xFF, v1;
	v2 =	vunpack.c.0.s8.s32 v2  }
0x37: {  	v44 =	vsel vm3, v1, v0;
	v0 =	vand.u32 $0xFF, v16;
	v1 =	vimm.s32 $0xBBBAB9B8  }
0x38: {  	v0 =	vnsel vm11, $0x1B7, v0;
	v2 =	vand.u32 $0xFF, v2;
	v1 =	vunpack.c.0.s8.s32 v1  }
0x39: {  	v45 =	vsel vm3, v2, v0;
	v0 =	vand.u32 $0xFF, v17;
	v2 =	vimm.s32 $0xBFBEBDBC  }
0x3a: {  	v0 =	vnsel vm11, $0x1BB, v0;
	v1 =	vand.u32 $0xFF, v1;
	v2 =	vunpack.c.0.s8.s32 v2  }
0x3b: {  	v46 =	vsel vm3, v1, v0;
	v0 =	vand.u32 $0xFF, v18;
	v1 =	vimm.s32 $0xC3C2C1C0  }
0x3c: {  	v0 =	vnsel vm11, $0x1BF, v0;
	v2 =	vand.u32 $0xFF, v2;
	v1 =	vunpack.c.0.s8.s32 v1  }
0x3d: {  	v47 =	vsel vm3, v2, v0;
	v0 =	vand.u32 $0xFF, v19;
	v2 =	vimm.s32 $0xC7C6C5C4  }
0x3e: {  	v0 =	vnsel vm11, $0x1C3, v0;
	v1 =	vand.u32 $0xFF, v1;
	v2 =	vunpack.c.0.s8.s32 v2  }
0x3f: {  	v48 =	vsel vm3, v1, v0;
	v0 =	vand.u32 $0xFF, v20;
	v1 =	vimm.s32 $0xCBCAC9C8  }
0x40: {  	v0 =	vnsel vm11, $0x1C7, v0;
	v2 =	vand.u32 $0xFF, v2;
	v1 =	vunpack.c.0.s8.s32 v1  }
0x41: {  	v49 =	vsel vm3, v2, v0;
	v0 =	vand.u32 $0xFF, v21;
	v2 =	vimm.s32 $0xCFCECDCC  }
0x42: {  	v0 =	vnsel vm11, $0x1CB, v0;
	v1 =	vand.u32 $0xFF, v1;
	v2 =	vunpack.c.0.s8.s32 v2  }
0x43: {  	v50 =	vsel vm3, v1, v0;
	v0 =	vand.u32 $0xFF, v22;
	v1 =	vimm.s32 $0xD3D2D1D0  }
0x44: {  	v0 =	vnsel vm11, $0x1CF, v0;
	v2 =	vand.u32 $0xFF, v2;
	v1 =	vunpack.c.0.s8.s32 v1  }
0x45: {  	v51 =	vsel vm3, v2, v0;
	v0 =	vand.u32 $0xFF, v23;
	v2 =	vimm.s32 $0xD7D6D5D4  }
0x46: {  	v0 =	vnsel vm11, $0x1D3, v0;
	v1 =	vand.u32 $0xFF, v1;
	v2 =	vunpack.c.0.s8.s32 v2  }
0x47: {  	v52 =	vsel vm3, v1, v0;
	v0 =	vand.u32 $0xFF, v24;
	v1 =	vimm.s32 $0xDBDAD9D8  }
0x48: {  	v0 =	vnsel vm11, $0x1D7, v0;
	v2 =	vand.u32 $0xFF, v2;
	v1 =	vunpack.c.0.s8.s32 v1  }
0x49: {  	v53 =	vsel vm3, v2, v0;
	v0 =	vand.u32 $0xFF, v25;
	v2 =	vimm.s32 $0xDFDEDDDC  }
0x4a: {  	v0 =	vnsel vm11, $0x1DB, v0;
	v1 =	vand.u32 $0xFF, v1;
	v2 =	vunpack.c.0.s8.s32 v2  }
0x4b: {  	v54 =	vsel vm3, v1, v0;
	v0 =	vand.u32 $0xFF, v26;
	v1 =	vimm.s32 $0xE3E2E1E0  }
0x4c: {  	v0 =	vnsel vm11, $0x1DF, v0;
	v2 =	vand.u32 $0xFF, v2;
	v1 =	vunpack.c.0.s8.s32 v1  }
0x4d: {  	v55 =	vsel vm3, v2, v0;
	v0 =	vand.u32 $0xFF, v27;
	v2 =	vimm.s32 $0xE7E6E5E4  }
0x4e: {  	v0 =	vnsel vm11, $0x1E3, v0;
	v1 =	vand.u32 $0xFF, v1;
	v2 =	vunpack.c.0.s8.s32 v2  }
0x4f: {  	v56 =	vsel vm3, v1, v0;
	v0 =	vand.u32 $0xFF, v28;
	v1 =	vimm.s32 $0xEBEAE9E8  }
0x50: {  	v0 =	vnsel vm11, $0x1E7, v0;
	v2 =	vand.u32 $0xFF, v2;
	v1 =	vunpack.c.0.s8.s32 v1  }
0x51: {  	vm5 =	vcmask $0x3330;
	v57 =	vsel vm3, v2, v0;
	v0 =	vand.u32 $0xFF, v29  }
0x52: {  	v2 =	vimm.s32 $0xEFEEEDEC;
	v0 =	vnsel vm11, $0x1EB, v0;
	v1 =	vand.u32 $0xFF, v1  }
0x53: {  	vm4 =	vcmask $0x3734;
	v2 =	vunpack.c.0.s8.s32 v2;
	v0 =	vsel vm3, v1, v0  }
0x54: {  	v63 =	vunpack.c.0.s8.s32 v63;
	v1 =	vimm.s32 $0xF3F2F1F0;
	[tilespmem:$0x1FFC0] =	vst v0;
	v0 =	vand.u32 $0xFF, v30  }
0x55: {  	v2 =	vand.u32 $0xFF, v2;
	v1 =	vunpack.c.0.s8.s32 v1;
	v0 =	vnsel vm11, $0x1EF, v0  }
0x56: {  	v58 =	vsel vm3, v2, v0;
	v0 =	vand.u32 $0xFF, v33;
	v2 =	vimm.s32 $0xF7F6F5F4  }
0x57: {  	v1 =	vand.u32 $0xFF, v1;
	v0 =	vnsel vm11, $0x1F3, v0;
	v2 =	vunpack.c.0.s8.s32 v2  }
0x58: {  	v59 =	vsel vm3, v1, v0;
	v0 =	vand.u32 $0xFF, v60;
	v1 =	vimm.s32 $0xFBFAF9F8  }
0x59: {  	v0 =	vnsel vm11, $0x1F7, v0;
	v2 =	vand.u32 $0xFF, v2;
	v1 =	vunpack.c.0.s8.s32 v1  }
0x5a: {  	v4 =	vnsel vm11, $0x300B, v4;
	v0 =	vsel vm3, v2, v0;
	v2 =	vand.u32 $0xFF, v61  }
0x5b: {  	v3 =	vnsel vm11, $0x302B, v12;
	v2 =	vnsel vm11, $0x1FB, v2;
	v1 =	vand.u32 $0xFF, v1  }
0x5c: {  	v5 =	vnsel vm11, $0x300F, v5;
	v6 =	vnsel vm11, $0x3013, v6;
	[tilespmem:$0x1FFD0] =	vst v0;
	v0 =	vsel vm3, v1, v2  }
0x5d: {  	v7 =	vnsel vm11, $0x3017, v7;
	v2 =	vimm.s32 $0x7060504;
	[tilespmem:$0x1FFE0] =	vst v0;
	v0 =	vand.u32 $0xFF, v62  }
0x5e: {  	v1 =	vunpack.c.0.s8.s32 v2;
	v2 =	vand.u32 $0xFF, v63;
	v0 =	vnsel vm11, $0x1FF, v0  }
0x5f: {  	v8 =	vnsel vm11, $0x301B, v8;
	v9 =	vnsel vm11, $0x301F, v9;
	v0 =	vsel vm3, v2, v0  }
0x60: {  	v12 =	vnsel vm11, $0x302F, v13;
	v13 =	vnsel vm11, $0x303F, v18;
	[tilespmem:$0x1FFF0] =	vst v0;
	v0 =	vsel vm1, $0x2001, v15  }
0x61: {  	v18 =	vnsel vm11, $0x3047, v20;
	v1 =	vnsel vm11, $0x3007, v1;
	v0 =	vsel vm7, $0x2002, v0  }
0x62: {  	s0 =	srdreg.scid;
	v20 =	vnsel vm11, $0x305B, v25;
	v1 =	vsel vm10, $0x1004, v1;
	v0 =	vsel vm6, $0x2003, v0  }
0x63: {  	s1 =	stileid.u32;
	s0 =	sand.u32 $0x1, s0;
	v25 =	vnsel vm11, $0x306F, v30;
	v1 =	vsel vm9, $0x1005, v1;
	v0 =	vsel vm5, $0x3000, v0  }
0x64: {  	s1 =	sshll.u32 s1, $0x8;
	s2 =	sshll.u32 s0, $0x7;
	vm3 =	vcmask $0x3B38;
	v1 =	vsel vm8, $0x1006, v1;
	v0 =	vsel vm4, $0x3001, v0  }
0x65: {  	s3 =	sor.u32 s2, s1;
	v63 =	vnsel vm11, $0x3023, v10;
	v1 =	vsel vm0, $0x1007, v1;
	v0 =	vsel vm3, $0x3002, v0  }
0x66: {  	v10 =	vnsel vm11, $0x3033, v14;
	v1 =	vsel vm2, $0x2004, v1;
	v0 =	vor.u32 s3, v0  }
0x67: {  	v14 =	vnsel vm11, $0x3043, v19;
	v19 =	vnsel vm11, $0x3057, v24;
	[tilespmem:$0x1FF30] =	vst v0;
	v0 =	vsel vm1, $0x2005, v1  }
0x68: {  	v24 =	vnsel vm11, $0x305F, v26;
	v1 =	vsel vm10, $0x1008, v4;
	v0 =	vsel vm7, $0x2006, v0  }
0x69: {  	v26 =	vnsel vm11, $0x3073, v33;
	v1 =	vsel vm9, $0x1009, v1;
	v0 =	vsel vm6, $0x2007, v0  }
0x6a: {  	v33 =	vsel vm10, $0x100C, v5;
	v1 =	vsel vm8, $0x100A, v1;
	v0 =	vsel vm5, $0x3004, v0  }
0x6b: {  	v4 =	vsel vm9, $0x100D, v33;
	v1 =	vsel vm0, $0x100B, v1;
	v0 =	vsel vm4, $0x3005, v0  }
0x6c: {  	v4 =	vsel vm8, $0x100E, v4;
	v1 =	vsel vm2, $0x2008, v1;
	v0 =	vsel vm3, $0x3006, v0  }
0x6d: {  	v4 =	vsel vm0, $0x100F, v4;
	v1 =	vsel vm1, $0x2009, v1;
	v0 =	vor.u32 s3, v0  }
0x6e: {  	v30 =	vnsel vm11, $0x3077, v60;
	v4 =	vsel vm2, $0x200C, v4;
	[tilespmem:$0x1FF40] =	vst v0;
	v0 =	vsel vm7, $0x200A, v1  }
0x6f: {  	v60 =	vsel vm10, $0x1010, v6;
	v1 =	vsel vm1, $0x200D, v4;
	v0 =	vsel vm6, $0x200B, v0  }
0x70: {  	v2 =	vnsel vm11, $0x3027, v11;
	v1 =	vsel vm7, $0x200E, v1;
	v0 =	vsel vm5, $0x3008, v0  }
0x71: {  	v11 =	vnsel vm11, $0x3037, v16;
	v1 =	vsel vm6, $0x200F, v1;
	v0 =	vsel vm4, $0x3009, v0  }
0x72: {  	v4 =	vsel vm9, $0x1011, v60;
	v1 =	vsel vm5, $0x300C, v1;
	v0 =	vsel vm3, $0x300A, v0  }
0x73: {  	v4 =	vsel vm8, $0x1012, v4;
	v1 =	vsel vm4, $0x300D, v1;
	v0 =	vor.u32 s3, v0  }
0x74: {  	v16 =	vnsel vm11, $0x304B, v21;
	v4 =	vsel vm0, $0x1013, v4;
	[tilespmem:$0x1FF50] =	vst v0;
	v0 =	vsel vm3, $0x300E, v1  }
0x75: {  	v21 =	vnsel vm11, $0x3053, v23;
	v1 =	vsel vm2, $0x2010, v4;
	v0 =	vor.u32 s3, v0  }
0x76: {  	v23 =	vnsel vm11, $0x3067, v28;
	v28 =	vnsel vm11, $0x307B, v61;
	[tilespmem:$0x1FF60] =	vst v0;
	v0 =	vsel vm1, $0x2011, v1  }
0x77: {  	v61 =	vsel vm10, $0x1018, v8;
	v1 =	vsel vm10, $0x1014, v7;
	v0 =	vsel vm7, $0x2012, v0  }
0x78: {  	v15 =	vnsel vm11, $0x303B, v17;
	v1 =	vsel vm9, $0x1015, v1;
	v0 =	vsel vm6, $0x2013, v0  }
0x79: {  	v17 =	vnsel vm11, $0x304F, v22;
	v1 =	vsel vm8, $0x1016, v1;
	v0 =	vsel vm5, $0x3010, v0  }
0x7a: {  	v4 =	vsel vm9, $0x1019, v61;
	v1 =	vsel vm0, $0x1017, v1;
	v0 =	vsel vm4, $0x3011, v0  }
0x7b: {  	v4 =	vsel vm8, $0x101A, v4;
	v1 =	vsel vm2, $0x2014, v1;
	v0 =	vsel vm3, $0x3012, v0  }
0x7c: {  	v4 =	vsel vm0, $0x101B, v4;
	v1 =	vsel vm1, $0x2015, v1;
	v0 =	vor.u32 s3, v0  }
0x7d: {  	v22 =	vnsel vm11, $0x3063, v27;
	v4 =	vsel vm2, $0x2018, v4;
	[tilespmem:$0x1FF70] =	vst v0;
	v0 =	vsel vm7, $0x2016, v1  }
0x7e: {  	v27 =	vnsel vm11, $0x306B, v29;
	v1 =	vsel vm1, $0x2019, v4;
	v0 =	vsel vm6, $0x2017, v0  }
0x7f: {  	v29 =	vnsel vm11, $0x307F, v62;
	v1 =	vsel vm7, $0x201A, v1;
	v0 =	vsel vm5, $0x3014, v0  }
0x80: {  	v62 =	vsel vm10, $0x101C, v9;
	v1 =	vsel vm6, $0x201B, v1;
	v0 =	vsel vm4, $0x3015, v0  }
0x81: {  	v4 =	vsel vm9, $0x101D, v62;
	v1 =	vsel vm5, $0x3018, v1;
	v0 =	vsel vm3, $0x3016, v0  }
0x82: {  	v4 =	vsel vm8, $0x101E, v4;
	v1 =	vsel vm4, $0x3019, v1;
	v0 =	vor.u32 s3, v0  }
0x83: {  	v4 =	vsel vm0, $0x101F, v4;
	[tilespmem:$0x1FF80] =	vst v0;
	v0 =	vsel vm3, $0x301A, v1  }
0x84: {  	v1 =	vsel vm2, $0x201C, v4;
	v0 =	vor.u32 s3, v0  }
0x85: {  	[tilespmem:$0x1FF90] =	vst v0;
	v0 =	vsel vm1, $0x201D, v1  }
0x86: {  	v1 =	vsel vm10, $0x1020, v63;
	v0 =	vsel vm7, $0x201E, v0  }
0x87: {  	v1 =	vsel vm9, $0x1021, v1;
	v0 =	vsel vm6, $0x201F, v0  }
0x88: {  	v2 =	vsel vm10, $0x1024, v2;
	v1 =	vsel vm8, $0x1022, v1;
	v0 =	vsel vm5, $0x301C, v0  }
0x89: {  	v2 =	vsel vm9, $0x1025, v2;
	v1 =	vsel vm0, $0x1023, v1;
	v0 =	vsel vm4, $0x301D, v0  }
0x8a: {  	v2 =	vsel vm8, $0x1026, v2;
	v1 =	vsel vm2, $0x2020, v1;
	v0 =	vsel vm3, $0x301E, v0  }
0x8b: {  	v2 =	vsel vm0, $0x1027, v2;
	v1 =	vsel vm1, $0x2021, v1;
	v0 =	vor.u32 s3, v0  }
0x8c: {  	v2 =	vsel vm2, $0x2024, v2;
	[tilespmem:$0x1FFA0] =	vst v0;
	v0 =	vsel vm7, $0x2022, v1  }
0x8d: {  	v1 =	vsel vm1, $0x2025, v2;
	v0 =	vsel vm6, $0x2023, v0  }
0x8e: {  	v2 =	vsel vm10, $0x1028, v3;
	v1 =	vsel vm7, $0x2026, v1;
	v0 =	vsel vm5, $0x3020, v0  }
0x8f: {  	v2 =	vsel vm9, $0x1029, v2;
	v1 =	vsel vm6, $0x2027, v1;
	v0 =	vsel vm4, $0x3021, v0  }
0x90: {  	v2 =	vsel vm8, $0x102A, v2;
	v1 =	vsel vm5, $0x3024, v1;
	v0 =	vsel vm3, $0x3022, v0  }
0x91: {  	v2 =	vsel vm0, $0x102B, v2;
	v1 =	vsel vm4, $0x3025, v1;
	v0 =	vor.u32 s3, v0  }
0x92: {  	[tilespmem:$0x1FFB0] =	vst v0;
	v0 =	vsel vm3, $0x3026, v1;
	v1 =	vsel vm2, $0x2028, v2  }
0x93: {  	v9 =	vor.u32 s3, v0;
	v0 =	vsel vm1, $0x2029, v1;
	v1 =	vsel vm10, $0x102C, v12  }
0x94: {  	v2 =	vsel vm10, $0x1030, v10;
	v0 =	vsel vm7, $0x202A, v0;
	v1 =	vsel vm9, $0x102D, v1  }
0x95: {  	v2 =	vsel vm9, $0x1031, v2;
	v0 =	vsel vm6, $0x202B, v0;
	v1 =	vsel vm8, $0x102E, v1  }
0x96: {  	v2 =	vsel vm8, $0x1032, v2;
	v0 =	vsel vm5, $0x3028, v0;
	v1 =	vsel vm0, $0x102F, v1  }
0x97: {  	v2 =	vsel vm0, $0x1033, v2;
	v0 =	vsel vm4, $0x3029, v0;
	v1 =	vsel vm2, $0x202C, v1  }
0x98: {  	v2 =	vsel vm2, $0x2030, v2;
	v0 =	vsel vm3, $0x302A, v0;
	v1 =	vsel vm1, $0x202D, v1  }
0x99: {  	v10 =	vor.u32 s3, v0;
	v0 =	vsel vm7, $0x202E, v1;
	v1 =	vsel vm1, $0x2031, v2  }
0x9a: {  	v2 =	vsel vm10, $0x1034, v11;
	v0 =	vsel vm6, $0x202F, v0;
	v1 =	vsel vm7, $0x2032, v1  }
0x9b: {  	v2 =	vsel vm9, $0x1035, v2;
	v0 =	vsel vm5, $0x302C, v0;
	v1 =	vsel vm6, $0x2033, v1  }
0x9c: {  	v2 =	vsel vm8, $0x1036, v2;
	v0 =	vsel vm4, $0x302D, v0;
	v1 =	vsel vm5, $0x3030, v1  }
0x9d: {  	v2 =	vsel vm0, $0x1037, v2;
	v0 =	vsel vm3, $0x302E, v0;
	v1 =	vsel vm4, $0x3031, v1  }
0x9e: {  	v11 =	vor.u32 s3, v0;
	v0 =	vsel vm3, $0x3032, v1;
	v1 =	vsel vm2, $0x2034, v2  }
0x9f: {  	v12 =	vor.u32 s3, v0;
	v0 =	vsel vm1, $0x2035, v1;
	v1 =	vsel vm10, $0x1038, v15  }
0xa0: {  	v2 =	vsel vm10, $0x103C, v13;
	v0 =	vsel vm7, $0x2036, v0;
	v1 =	vsel vm9, $0x1039, v1  }
0xa1: {  	v2 =	vsel vm9, $0x103D, v2;
	v0 =	vsel vm6, $0x2037, v0;
	v1 =	vsel vm8, $0x103A, v1  }
0xa2: {  	v2 =	vsel vm8, $0x103E, v2;
	v0 =	vsel vm5, $0x3034, v0;
	v1 =	vsel vm0, $0x103B, v1  }
0xa3: {  	v2 =	vsel vm0, $0x103F, v2;
	v0 =	vsel vm4, $0x3035, v0;
	v1 =	vsel vm2, $0x2038, v1  }
0xa4: {  	v2 =	vsel vm2, $0x203C, v2;
	v0 =	vsel vm3, $0x3036, v0;
	v1 =	vsel vm1, $0x2039, v1  }
0xa5: {  	v13 =	vor.u32 s3, v0;
	v0 =	vsel vm7, $0x203A, v1;
	v1 =	vsel vm1, $0x203D, v2  }
0xa6: {  	v2 =	vsel vm10, $0x1040, v14;
	v0 =	vsel vm6, $0x203B, v0;
	v1 =	vsel vm7, $0x203E, v1  }
0xa7: {  	v2 =	vsel vm9, $0x1041, v2;
	v0 =	vsel vm5, $0x3038, v0;
	v1 =	vsel vm6, $0x203F, v1  }
0xa8: {  	v2 =	vsel vm8, $0x1042, v2;
	v0 =	vsel vm4, $0x3039, v0;
	v1 =	vsel vm5, $0x303C, v1  }
0xa9: {  	v2 =	vsel vm0, $0x1043, v2;
	v0 =	vsel vm3, $0x303A, v0;
	v1 =	vsel vm4, $0x303D, v1  }
0xaa: {  	v14 =	vor.u32 s3, v0;
	v0 =	vsel vm3, $0x303E, v1;
	v1 =	vsel vm2, $0x2040, v2  }
0xab: {  	v15 =	vor.u32 s3, v0;
	v0 =	vsel vm1, $0x2041, v1;
	v1 =	vsel vm10, $0x1044, v18  }
0xac: {  	v2 =	vsel vm10, $0x1048, v16;
	v0 =	vsel vm7, $0x2042, v0;
	v1 =	vsel vm9, $0x1045, v1  }
0xad: {  	v2 =	vsel vm9, $0x1049, v2;
	v0 =	vsel vm6, $0x2043, v0;
	v1 =	vsel vm8, $0x1046, v1  }
0xae: {  	v2 =	vsel vm8, $0x104A, v2;
	v0 =	vsel vm5, $0x3040, v0;
	v1 =	vsel vm0, $0x1047, v1  }
0xaf: {  	v2 =	vsel vm0, $0x104B, v2;
	v0 =	vsel vm4, $0x3041, v0;
	v1 =	vsel vm2, $0x2044, v1  }
0xb0: {  	v2 =	vsel vm2, $0x2048, v2;
	v0 =	vsel vm3, $0x3042, v0;
	v1 =	vsel vm1, $0x2045, v1  }
0xb1: {  	v16 =	vor.u32 s3, v0;
	v0 =	vsel vm7, $0x2046, v1;
	v1 =	vsel vm1, $0x2049, v2  }
0xb2: {  	v2 =	vsel vm10, $0x104C, v17;
	v0 =	vsel vm6, $0x2047, v0;
	v1 =	vsel vm7, $0x204A, v1  }
0xb3: {  	v2 =	vsel vm9, $0x104D, v2;
	v0 =	vsel vm5, $0x3044, v0;
	v1 =	vsel vm6, $0x204B, v1  }
0xb4: {  	v2 =	vsel vm8, $0x104E, v2;
	v0 =	vsel vm4, $0x3045, v0;
	v1 =	vsel vm5, $0x3048, v1  }
0xb5: {  	v2 =	vsel vm0, $0x104F, v2;
	v0 =	vsel vm3, $0x3046, v0;
	v1 =	vsel vm4, $0x3049, v1  }
0xb6: {  	v17 =	vor.u32 s3, v0;
	v0 =	vsel vm3, $0x304A, v1;
	v1 =	vsel vm2, $0x204C, v2  }
0xb7: {  	v18 =	vor.u32 s3, v0;
	v0 =	vsel vm1, $0x204D, v1;
	v1 =	vsel vm10, $0x1050, v21  }
0xb8: {  	v2 =	vsel vm10, $0x1054, v19;
	v0 =	vsel vm7, $0x204E, v0;
	v1 =	vsel vm9, $0x1051, v1  }
0xb9: {  	v2 =	vsel vm9, $0x1055, v2;
	v0 =	vsel vm6, $0x204F, v0;
	v1 =	vsel vm8, $0x1052, v1  }
0xba: {  	v2 =	vsel vm8, $0x1056, v2;
	v0 =	vsel vm5, $0x304C, v0;
	v1 =	vsel vm0, $0x1053, v1  }
0xbb: {  	v2 =	vsel vm0, $0x1057, v2;
	v0 =	vsel vm4, $0x304D, v0;
	v1 =	vsel vm2, $0x2050, v1  }
0xbc: {  	v2 =	vsel vm2, $0x2054, v2;
	v0 =	vsel vm3, $0x304E, v0;
	v1 =	vsel vm1, $0x2051, v1  }
0xbd: {  	v19 =	vor.u32 s3, v0;
	v0 =	vsel vm7, $0x2052, v1;
	v1 =	vsel vm1, $0x2055, v2  }
0xbe: {  	v2 =	vsel vm10, $0x1058, v20;
	v0 =	vsel vm6, $0x2053, v0;
	v1 =	vsel vm7, $0x2056, v1  }
0xbf: {  	v2 =	vsel vm9, $0x1059, v2;
	v0 =	vsel vm5, $0x3050, v0;
	v1 =	vsel vm6, $0x2057, v1  }
0xc0: {  	v2 =	vsel vm8, $0x105A, v2;
	v0 =	vsel vm4, $0x3051, v0;
	v1 =	vsel vm5, $0x3054, v1  }
0xc1: {  	v2 =	vsel vm0, $0x105B, v2;
	v0 =	vsel vm3, $0x3052, v0;
	v1 =	vsel vm4, $0x3055, v1  }
0xc2: {  	v20 =	vor.u32 s3, v0;
	v0 =	vsel vm3, $0x3056, v1;
	v1 =	vsel vm2, $0x2058, v2  }
0xc3: {  	v21 =	vor.u32 s3, v0;
	v0 =	vsel vm1, $0x2059, v1;
	v1 =	vsel vm10, $0x105C, v24  }
0xc4: {  	v2 =	vsel vm10, $0x1060, v22;
	v0 =	vsel vm7, $0x205A, v0;
	v1 =	vsel vm9, $0x105D, v1  }
0xc5: {  	v2 =	vsel vm9, $0x1061, v2;
	v0 =	vsel vm6, $0x205B, v0;
	v1 =	vsel vm8, $0x105E, v1  }
0xc6: {  	v2 =	vsel vm8, $0x1062, v2;
	v0 =	vsel vm5, $0x3058, v0;
	v1 =	vsel vm0, $0x105F, v1  }
0xc7: {  	v2 =	vsel vm0, $0x1063, v2;
	v0 =	vsel vm4, $0x3059, v0;
	v1 =	vsel vm2, $0x205C, v1  }
0xc8: {  	v2 =	vsel vm2, $0x2060, v2;
	v0 =	vsel vm3, $0x305A, v0;
	v1 =	vsel vm1, $0x205D, v1  }
0xc9: {  	v22 =	vor.u32 s3, v0;
	v0 =	vsel vm7, $0x205E, v1;
	v1 =	vsel vm1, $0x2061, v2  }
0xca: {  	v2 =	vsel vm10, $0x1064, v23;
	v0 =	vsel vm6, $0x205F, v0;
	v1 =	vsel vm7, $0x2062, v1  }
0xcb: {  	v2 =	vsel vm9, $0x1065, v2;
	v0 =	vsel vm5, $0x305C, v0;
	v1 =	vsel vm6, $0x2063, v1  }
0xcc: {  	v2 =	vsel vm8, $0x1066, v2;
	v0 =	vsel vm4, $0x305D, v0;
	v1 =	vsel vm5, $0x3060, v1  }
0xcd: {  	v2 =	vsel vm0, $0x1067, v2;
	v0 =	vsel vm3, $0x305E, v0;
	v1 =	vsel vm4, $0x3061, v1  }
0xce: {  	v23 =	vor.u32 s3, v0;
	v0 =	vsel vm3, $0x3062, v1;
	v1 =	vsel vm2, $0x2064, v2  }
0xcf: {  	v24 =	vor.u32 s3, v0;
	v0 =	vsel vm1, $0x2065, v1;
	v1 =	vsel vm10, $0x1068, v27  }
0xd0: {  	v2 =	vsel vm10, $0x106C, v25;
	v0 =	vsel vm7, $0x2066, v0;
	v1 =	vsel vm9, $0x1069, v1  }
0xd1: {  	v2 =	vsel vm9, $0x106D, v2;
	v0 =	vsel vm6, $0x2067, v0;
	v1 =	vsel vm8, $0x106A, v1  }
0xd2: {  	v2 =	vsel vm8, $0x106E, v2;
	v0 =	vsel vm5, $0x3064, v0;
	v1 =	vsel vm0, $0x106B, v1  }
0xd3: {  	v2 =	vsel vm0, $0x106F, v2;
	v0 =	vsel vm4, $0x3065, v0;
	v1 =	vsel vm2, $0x2068, v1  }
0xd4: {  	v2 =	vsel vm2, $0x206C, v2;
	v0 =	vsel vm3, $0x3066, v0;
	v1 =	vsel vm1, $0x2069, v1  }
0xd5: {  	v25 =	vor.u32 s3, v0;
	v0 =	vsel vm7, $0x206A, v1;
	v1 =	vsel vm1, $0x206D, v2  }
0xd6: {  	v2 =	vsel vm10, $0x1070, v26;
	v0 =	vsel vm6, $0x206B, v0;
	v1 =	vsel vm7, $0x206E, v1  }
0xd7: {  	v2 =	vsel vm9, $0x1071, v2;
	v0 =	vsel vm5, $0x3068, v0;
	v1 =	vsel vm6, $0x206F, v1  }
0xd8: {  	v2 =	vsel vm8, $0x1072, v2;
	v0 =	vsel vm4, $0x3069, v0;
	v1 =	vsel vm5, $0x306C, v1  }
0xd9: {  	v2 =	vsel vm0, $0x1073, v2;
	v0 =	vsel vm3, $0x306A, v0;
	v1 =	vsel vm4, $0x306D, v1  }
0xda: {  	v26 =	vor.u32 s3, v0;
	v0 =	vsel vm3, $0x306E, v1;
	v1 =	vsel vm2, $0x2070, v2  }
0xdb: {  	v27 =	vor.u32 s3, v0;
	v0 =	vsel vm1, $0x2071, v1;
	v1 =	vsel vm10, $0x1074, v30  }
0xdc: {  	v2 =	vsel vm10, $0x1078, v28;
	v0 =	vsel vm7, $0x2072, v0;
	v1 =	vsel vm9, $0x1075, v1  }
0xdd: {  	v2 =	vsel vm9, $0x1079, v2;
	v0 =	vsel vm6, $0x2073, v0;
	v1 =	vsel vm8, $0x1076, v1  }
0xde: {  	v2 =	vsel vm8, $0x107A, v2;
	v0 =	vsel vm5, $0x3070, v0;
	v1 =	vsel vm0, $0x1077, v1  }
0xdf: {  	v2 =	vsel vm0, $0x107B, v2;
	v0 =	vsel vm4, $0x3071, v0;
	v1 =	vsel vm2, $0x2074, v1  }
0xe0: {  	v2 =	vsel vm2, $0x2078, v2;
	v0 =	vsel vm3, $0x3072, v0;
	v1 =	vsel vm1, $0x2075, v1  }
0xe1: {  	v28 =	vor.u32 s3, v0;
	v0 =	vsel vm7, $0x2076, v1;
	v1 =	vsel vm1, $0x2079, v2  }
0xe2: {  	v2 =	vsel vm10, $0x107C, v29;
	v0 =	vsel vm6, $0x2077, v0;
	v1 =	vsel vm7, $0x207A, v1  }
0xe3: {  	v2 =	vsel vm9, $0x107D, v2;
	v0 =	vsel vm5, $0x3074, v0;
	v1 =	vsel vm6, $0x207B, v1  }
0xe4: {  	v2 =	vsel vm8, $0x107E, v2;
	v0 =	vsel vm4, $0x3075, v0;
	v1 =	vsel vm5, $0x3078, v1  }
0xe5: {  	v2 =	vsel vm0, $0x107F, v2;
	v0 =	vsel vm3, $0x3076, v0;
	v1 =	vsel vm4, $0x3079, v1  }
0xe6: {  	v29 =	vor.u32 s3, v0;
	v0 =	vsel vm3, $0x307A, v1;
	v1 =	vsel vm2, $0x207C, v2  }
0xe7: {  	v30 =	vor.u32 s3, v0;
	v0 =	vsel vm1, $0x207D, v1  }
0xe8: {  	v2 =	vsel vm2, $0x104, v32;
	v0 =	vsel vm7, $0x207E, v0  }
0xe9: {  	v1 =	vsel vm2, $0x100, v31;
	v2 =	vsel vm1, $0x105, v2;
	v0 =	vsel vm6, $0x207F, v0  }
0xea: {  	v1 =	vsel vm1, $0x101, v1;
	v2 =	vsel vm7, $0x106, v2;
	v0 =	vsel vm5, $0x307C, v0  }
0xeb: {  	v1 =	vsel vm7, $0x102, v1;
	v2 =	vsel vm6, $0x107, v2;
	v0 =	vsel vm4, $0x307D, v0  }
0xec: {  	v1 =	vsel vm6, $0x103, v1;
	v2 =	vsel vm5, $0x184, v2;
	v0 =	vsel vm3, $0x307E, v0  }
0xed: {  	v1 =	vsel vm5, $0x180, v1;
	v31 =	vor.u32 s3, v0;
	v0 =	vsel vm4, $0x185, v2  }
0xee: {  	v1 =	vsel vm4, $0x181, v1;
	v33 =	vsel vm3, $0x186, v0;
	v0 =	vsel vm2, $0x108, v34  }
0xef: {  	v32 =	vsel vm3, $0x182, v1;
	v1 =	vsel vm2, $0x10C, v35;
	v0 =	vsel vm1, $0x109, v0  }
0xf0: {  	v2 =	vsel vm2, $0x110, v36;
	v1 =	vsel vm1, $0x10D, v1;
	v0 =	vsel vm7, $0x10A, v0  }
0xf1: {  	v2 =	vsel vm1, $0x111, v2;
	v1 =	vsel vm7, $0x10E, v1;
	v0 =	vsel vm6, $0x10B, v0  }
0xf2: {  	v2 =	vsel vm7, $0x112, v2;
	v1 =	vsel vm6, $0x10F, v1;
	v0 =	vsel vm5, $0x188, v0  }
0xf3: {  	v2 =	vsel vm6, $0x113, v2;
	v1 =	vsel vm5, $0x18C, v1;
	v0 =	vsel vm4, $0x189, v0  }
0xf4: {  	v2 =	vsel vm5, $0x190, v2;
	v34 =	vsel vm3, $0x18A, v0;
	v0 =	vsel vm4, $0x18D, v1  }
0xf5: {  	v1 =	vsel vm4, $0x191, v2;
	v35 =	vsel vm3, $0x18E, v0;
	v0 =	vsel vm2, $0x114, v37  }
0xf6: {  	v36 =	vsel vm3, $0x192, v1;
	v1 =	vsel vm2, $0x118, v38;
	v0 =	vsel vm1, $0x115, v0  }
0xf7: {  	v2 =	vsel vm2, $0x11C, v39;
	v1 =	vsel vm1, $0x119, v1;
	v0 =	vsel vm7, $0x116, v0  }
0xf8: {  	v2 =	vsel vm1, $0x11D, v2;
	v1 =	vsel vm7, $0x11A, v1;
	v0 =	vsel vm6, $0x117, v0  }
0xf9: {  	v2 =	vsel vm7, $0x11E, v2;
	v1 =	vsel vm6, $0x11B, v1;
	v0 =	vsel vm5, $0x194, v0  }
0xfa: {  	v2 =	vsel vm6, $0x11F, v2;
	v1 =	vsel vm5, $0x198, v1;
	v0 =	vsel vm4, $0x195, v0  }
0xfb: {  	v2 =	vsel vm5, $0x19C, v2;
	v37 =	vsel vm3, $0x196, v0;
	v0 =	vsel vm4, $0x199, v1  }
0xfc: {  	v1 =	vsel vm4, $0x19D, v2;
	v38 =	vsel vm3, $0x19A, v0;
	v0 =	vsel vm2, $0x120, v40  }
0xfd: {  	v39 =	vsel vm3, $0x19E, v1;
	v1 =	vsel vm2, $0x124, v41;
	v0 =	vsel vm1, $0x121, v0  }
0xfe: {  	v2 =	vsel vm2, $0x128, v42;
	v1 =	vsel vm1, $0x125, v1;
	v0 =	vsel vm7, $0x122, v0  }
0xff: {  	v2 =	vsel vm1, $0x129, v2;
	v1 =	vsel vm7, $0x126, v1;
	v0 =	vsel vm6, $0x123, v0  }
0x100: {  	v2 =	vsel vm7, $0x12A, v2;
	v1 =	vsel vm6, $0x127, v1;
	v0 =	vsel vm5, $0x1A0, v0  }
0x101: {  	v2 =	vsel vm6, $0x12B, v2;
	v1 =	vsel vm5, $0x1A4, v1;
	v0 =	vsel vm4, $0x1A1, v0  }
0x102: {  	v2 =	vsel vm5, $0x1A8, v2;
	v40 =	vsel vm3, $0x1A2, v0;
	v0 =	vsel vm4, $0x1A5, v1  }
0x103: {  	v1 =	vsel vm4, $0x1A9, v2;
	v41 =	vsel vm3, $0x1A6, v0;
	v0 =	vsel vm2, $0x12C, v43  }
0x104: {  	v42 =	vsel vm3, $0x1AA, v1;
	v1 =	vsel vm2, $0x130, v44;
	v0 =	vsel vm1, $0x12D, v0  }
0x105: {  	v2 =	vsel vm2, $0x134, v45;
	v1 =	vsel vm1, $0x131, v1;
	v0 =	vsel vm7, $0x12E, v0  }
0x106: {  	v2 =	vsel vm1, $0x135, v2;
	v1 =	vsel vm7, $0x132, v1;
	v0 =	vsel vm6, $0x12F, v0  }
0x107: {  	v2 =	vsel vm7, $0x136, v2;
	v1 =	vsel vm6, $0x133, v1;
	v0 =	vsel vm5, $0x1AC, v0  }
0x108: {  	v2 =	vsel vm6, $0x137, v2;
	v1 =	vsel vm5, $0x1B0, v1;
	v0 =	vsel vm4, $0x1AD, v0  }
0x109: {  	v2 =	vsel vm5, $0x1B4, v2;
	v43 =	vsel vm3, $0x1AE, v0;
	v0 =	vsel vm4, $0x1B1, v1  }
0x10a: {  	v1 =	vsel vm4, $0x1B5, v2;
	v44 =	vsel vm3, $0x1B2, v0;
	v0 =	vsel vm2, $0x138, v46  }
0x10b: {  	v45 =	vsel vm3, $0x1B6, v1;
	v1 =	vsel vm2, $0x13C, v47;
	v0 =	vsel vm1, $0x139, v0  }
0x10c: {  	v2 =	vsel vm2, $0x140, v48;
	v1 =	vsel vm1, $0x13D, v1;
	v0 =	vsel vm7, $0x13A, v0  }
0x10d: {  	v2 =	vsel vm1, $0x141, v2;
	v1 =	vsel vm7, $0x13E, v1;
	v0 =	vsel vm6, $0x13B, v0  }
0x10e: {  	v2 =	vsel vm7, $0x142, v2;
	v1 =	vsel vm6, $0x13F, v1;
	v0 =	vsel vm5, $0x1B8, v0  }
0x10f: {  	v2 =	vsel vm6, $0x143, v2;
	v1 =	vsel vm5, $0x1BC, v1;
	v0 =	vsel vm4, $0x1B9, v0  }
0x110: {  	v2 =	vsel vm5, $0x1C0, v2;
	v46 =	vsel vm3, $0x1BA, v0;
	v0 =	vsel vm4, $0x1BD, v1  }
0x111: {  	v1 =	vsel vm4, $0x1C1, v2;
	v47 =	vsel vm3, $0x1BE, v0;
	v0 =	vsel vm2, $0x144, v49  }
0x112: {  	v48 =	vsel vm3, $0x1C2, v1;
	v1 =	vsel vm2, $0x148, v50;
	v0 =	vsel vm1, $0x145, v0  }
0x113: {  	v2 =	vsel vm2, $0x14C, v51;
	v1 =	vsel vm1, $0x149, v1;
	v0 =	vsel vm7, $0x146, v0  }
0x114: {  	v2 =	vsel vm1, $0x14D, v2;
	v1 =	vsel vm7, $0x14A, v1;
	v0 =	vsel vm6, $0x147, v0  }
0x115: {  	v2 =	vsel vm7, $0x14E, v2;
	v1 =	vsel vm6, $0x14B, v1;
	v0 =	vsel vm5, $0x1C4, v0  }
0x116: {  	v2 =	vsel vm6, $0x14F, v2;
	v1 =	vsel vm5, $0x1C8, v1;
	v0 =	vsel vm4, $0x1C5, v0  }
0x117: {  	v2 =	vsel vm5, $0x1CC, v2;
	v49 =	vsel vm3, $0x1C6, v0;
	v0 =	vsel vm4, $0x1C9, v1  }
0x118: {  	v1 =	vsel vm4, $0x1CD, v2;
	v50 =	vsel vm3, $0x1CA, v0;
	v0 =	vsel vm2, $0x150, v52  }
0x119: {  	v51 =	vsel vm3, $0x1CE, v1;
	v1 =	vsel vm2, $0x154, v53;
	v0 =	vsel vm1, $0x151, v0  }
0x11a: {  	v2 =	vsel vm2, $0x158, v54;
	v1 =	vsel vm1, $0x155, v1;
	v0 =	vsel vm7, $0x152, v0  }
0x11b: {  	v2 =	vsel vm1, $0x159, v2;
	v1 =	vsel vm7, $0x156, v1;
	v0 =	vsel vm6, $0x153, v0  }
0x11c: {  	v2 =	vsel vm7, $0x15A, v2;
	v1 =	vsel vm6, $0x157, v1;
	v0 =	vsel vm5, $0x1D0, v0  }
0x11d: {  	v2 =	vsel vm6, $0x15B, v2;
	v1 =	vsel vm5, $0x1D4, v1;
	v0 =	vsel vm4, $0x1D1, v0  }
0x11e: {  	v2 =	vsel vm5, $0x1D8, v2;
	v52 =	vsel vm3, $0x1D2, v0;
	v0 =	vsel vm4, $0x1D5, v1  }
0x11f: {  	v1 =	vsel vm4, $0x1D9, v2;
	v53 =	vsel vm3, $0x1D6, v0;
	v0 =	vsel vm2, $0x15C, v55  }
0x120: {  	v54 =	vsel vm3, $0x1DA, v1;
	v1 =	vsel vm2, $0x160, v56;
	v0 =	vsel vm1, $0x15D, v0  }
0x121: {  	s7 =	rddreg [dreg:$0x0];
	v1 =	vsel vm1, $0x161, v1;
	v0 =	vsel vm7, $0x15E, v0  }
0x122: {  	s30 =	rddreg [dreg:$0x2];
	v1 =	vsel vm7, $0x162, v1;
	v0 =	vsel vm6, $0x15F, v0  }
0x123: {  	s4 =	rddreg [dreg:$0x3];
	s5 =	simm.s32 $0x0;
	v1 =	vsel vm6, $0x163, v1;
	v0 =	vsel vm5, $0x1DC, v0  }
0x124: {  	[smem:$0x7FF] =	sst s5;
	v1 =	vsel vm5, $0x1E0, v1;
	v0 =	vsel vm4, $0x1DD, v0  }
0x125: {  	s1 =	rddreg [dreg:$0x1];
	_ =	strace $0x80000047;
	v55 =	vsel vm3, $0x1DE, v0;
	v0 =	vsel vm4, $0x1E1, v1  }
0x126: {  	v2 =	vsel vm2, $0x164, v57;
	v56 =	vsel vm3, $0x1E2, v0;
	v0 =	vld [tilespmem:$0x1FFC0]  }
0x127: {  	v2 =	vsel vm1, $0x165, v2  }
0x128: {  	v2 =	vsel vm7, $0x166, v2  }
0x129: {  	v2 =	vsel vm6, $0x167, v2  }
0x12a: {  	v2 =	vsel vm5, $0x1E4, v2  }
0x12b: {  	v1 =	vsel vm4, $0x1E5, v2;
	v2 =	vsel vm2, $0x170, v59;
	v0 =	vsel vm2, $0x168, v0  }
0x12c: {  	v57 =	vsel vm3, $0x1E6, v1;
	v1 =	vsel vm2, $0x16C, v58;
	v0 =	vsel vm1, $0x169, v0  }
0x12d: {  	v2 =	vsel vm1, $0x171, v2;
	v1 =	vsel vm1, $0x16D, v1;
	v0 =	vsel vm7, $0x16A, v0  }
0x12e: {  	v2 =	vsel vm7, $0x172, v2;
	v1 =	vsel vm7, $0x16E, v1;
	v0 =	vsel vm6, $0x16B, v0  }
0x12f: {  	s31 =	simm.s32 $0xC00;
	v2 =	vsel vm6, $0x173, v2;
	v1 =	vsel vm6, $0x16F, v1;
	v0 =	vsel vm5, $0x1E8, v0  }
0x130: {  	s12 =	simm.s32 $0x1400;
	s20 =	simm.s32 $0x2400;
	s28 =	simm.s32 $0x2C00;
	v2 =	vsel vm5, $0x1F0, v2;
	v1 =	vsel vm5, $0x1EC, v1;
	v0 =	vsel vm4, $0x1E9, v0  }
0x131: {  	s9 =	simm.s32 $0x4400;
	s10 =	simm.s32 $0x4C00;
	v58 =	vsel vm3, $0x1EA, v0;
	v0 =	vsel vm4, $0x1ED, v1;
	v1 =	vsel vm4, $0x1F1, v2;
	v2 =	vld [tilespmem:$0x1FFF0]  }
0x132: {  	s11 =	simm.s32 $0x5400;
	s29 =	simm.s32 $0x8400;
	s19 =	simm.s32 $0x8;
	v59 =	vsel vm3, $0x1EE, v0;
	v0 =	vld [tilespmem:$0x1FFD0]  }
0x133: {  	s16 =	sadd.s32 $0x100, s4;
	s17 =	sadd.s32 $0x200, s4;
	s0 =	ssub.s32 $0x2, s0;
	v60 =	vsel vm3, $0x1F2, v1;
	v1 =	vld [tilespmem:$0x1FFE0]  }
0x134: {  	s18 =	sadd.s32 $0x300, s4;
	s21 =	sshrl.u32 s0, $0x1;
	s8 =	sshll.u32 s3, $0x7  }
0x135: {  	s6 =	sshrl.u32 s3, $0x3;
	s0 =	ssub.s32 s0, s21;
	s22 =	sadd.s32 s30, s8  }
0x136: {  	s7 =	sadd.s32 s6, s7;
	s2 =	sadd.s32 $0x400, s22;
	[dreg:$0x5] =	wrdreg s22  }
0x137: {  	s13 =	sadd.s32 $0x100, s1;
	s23 =	sadd.s32 $0x400, s7;
	[dreg:$0x6] =	wrdreg s2;
	vm0 =	vmmov $0xffff;
	v0 =	vsel vm2, $0x174, v0  }
0x138: {  	s14 =	sadd.s32 $0x200, s1;
	s24 =	sadd.s32 $0x600, s7;
	[dreg:$0x7] =	wrdreg s23;
	v2 =	vsel vm2, $0x17C, v2;
	v1 =	vsel vm2, $0x178, v1;
	v0 =	vsel vm1, $0x175, v0  }
0x139: {  	s15 =	sadd.s32 $0x300, s1;
	s25 =	sadd.s32 $0x800, s7;
	[dreg:$0x8] =	wrdreg s24;
	v2 =	vsel vm1, $0x17D, v2;
	v1 =	vsel vm1, $0x179, v1;
	v0 =	vsel vm7, $0x176, v0  }
0x13a: {  	s21 =	simm.s32 $0x5C00;
	s26 =	sadd.s32 $0xA00, s7;
	[dreg:$0x9] =	wrdreg s25;
	v2 =	vsel vm7, $0x17E, v2;
	v1 =	vsel vm7, $0x17A, v1;
	v0 =	vsel vm6, $0x177, v0  }
0x13b: {  	s0 =	smax.u32 s0, $0x1;
	s8 =	simm.s32 $0x3C00;
	[dreg:$0xa] =	wrdreg s26;
	v2 =	vsel vm6, $0x17F, v2;
	v1 =	vsel vm6, $0x17B, v1;
	v0 =	vsel vm5, $0x1F4, v0  }
0x13c: {  	s7 =	simm.s32 $0x0;
	[dreg:$0xb] =	wrdreg s0;
	s25 =	simm.s32 $0x7;
	v2 =	vsel vm5, $0x1FC, v2;
	v1 =	vsel vm5, $0x1F8, v1;
	v0 =	vsel vm4, $0x1F5, v0  }
0x13d: {  	s0 =	simm.s32 $0x3400;
	s22 =	simm.s32 $0x6400;
	s23 =	simm.s32 $0x6C00;
	v61 =	vsel vm3, $0x1F6, v0;
	v0 =	vsel vm4, $0x1F9, v1;
	v1 =	vsel vm4, $0x1FD, v2  }
0x13e: {  	s24 =	simm.s32 $0x7400;
	s26 =	simm.s32 $0x7C00;
	s3 =	simm.s32 $0x1C00;
	v62 =	vsel vm3, $0x1FA, v0;
	v63 =	vsel vm3, $0x1FE, v1;
	v0 =	vlaneseq.u32  }
.LBB2_1:
0x13f: {  	[dreg:$0xc] =	wrdreg s7  }
0x140: {  	s2 =	rddreg [dreg:$0x5];
	s7 =	simm.s32 $0x18C00  }
0x141: {  	[tilespmem:s7], [sflag:$0x4] =	stream.linear.gather [hbm4b:s2+s5], $0x2000, $0x38;
	[tilespmem:$0x1EC00] =	vst v63  }
0x142: {  	s2 =	rddreg [dreg:$0x6];
	s7 =	simm.s32 $0x1AC00  }
0x143: {  	[tilespmem:s7], [sflag:$0x5] =	stream.linear.gather [hbm4b:s2+s5], $0x2000, $0x38;
	[tilespmem:$0x1EC00] =	vst v63  }
0x144: {  	s7 =	rddreg [dreg:$0x7]  }
0x145: {  	[tilespmem:s5], [sflag:$0x7] =	stream.linear.gather [hbm4b:s7+s5], $0x80, $0x38;
	[tilespmem:$0x1EC00] =	vst v63  }
0x146: {  	s2 =	rddreg [dreg:$0x8];
	s7 =	simm.s32 $0x80  }
0x147: {  	[tilespmem:s7], [sflag:$0x7] =	stream.linear.gather [hbm4b:s2+s5], $0x80, $0x38;
	[tilespmem:$0x1EC00] =	vst v63  }
0x148: {  	s2 =	rddreg [dreg:$0x9];
	s7 =	simm.s32 $0x100  }
0x149: {  	[tilespmem:s7], [sflag:$0x7] =	stream.linear.gather [hbm4b:s2+s5], $0x80, $0x38;
	[tilespmem:$0x1EC00] =	vst v63  }
0x14a: {  	s2 =	rddreg [dreg:$0xa];
	s7 =	simm.s32 $0x180  }
0x14b: {  	[tilespmem:s7], [sflag:$0x7] =	stream.linear.gather [hbm4b:s2+s5], $0x80, $0x38;
	[tilespmem:$0x1EC00] =	vst v63  }
0x14c: {  	_ =	swait.ge [sflag:s25], $0x80  }
0x14d: {  	[sflag:s25] =	ssyncset.done $0x0  }
0x14e: {  	[sflag:s25] =	ssyncadd.s32 $0xFFFFFF80  }
0x14f: {  	_ =	swait.ge [sflag:s25], $0x80  }
0x150: {  	[sflag:s25] =	ssyncset.done $0x0  }
0x151: {  	[sflag:s25] =	ssyncadd.s32 $0xFFFFFF80  }
0x152: {  	_ =	swait.ge [sflag:s25], $0x80  }
0x153: {  	[sflag:s25] =	ssyncset.done $0x0  }
0x154: {  	[sflag:s25] =	ssyncadd.s32 $0xFFFFFF80  }
0x155: {  	_ =	swait.ge [sflag:s25], $0x80  }
0x156: {  	[sflag:s25] =	ssyncset.done $0x0  }
0x157: {  	[sflag:s25] =	ssyncadd.s32 $0xFFFFFF80  }
0x158: {  	v1 =	vld.idx.msk [tilespmem:v32+s5+$0x0], $0xffff;
	_ =	sdelay $0x4  }
0x159: {  	[tilespmem:$0x200] =	vst v1;
	v1 =	vld [tilespmem:$0x1FF30];
	_ =	sdelay $0x4  }
0x15a: {  	[tilespmem:$0x400] =	vst v1  }
0x15b: {  	v1 =	vld.idx.msk [tilespmem:v33+s5+$0x0], $0xffff;
	_ =	sdelay $0x4  }
0x15c: {  	[tilespmem:$0x210] =	vst v1;
	v1 =	vld [tilespmem:$0x1FF40];
	_ =	sdelay $0x4  }
0x15d: {  	[tilespmem:$0x410] =	vst v1  }
0x15e: {  	v1 =	vld.idx.msk [tilespmem:v34+s5+$0x0], $0xffff;
	_ =	sdelay $0x4  }
0x15f: {  	[tilespmem:$0x220] =	vst v1;
	v1 =	vld [tilespmem:$0x1FF50];
	_ =	sdelay $0x4  }
0x160: {  	[tilespmem:$0x480] =	vst v1  }
0x161: {  	v1 =	vld.idx.msk [tilespmem:v35+s5+$0x0], $0xffff;
	_ =	sdelay $0x4  }
0x162: {  	[tilespmem:$0x230] =	vst v1;
	v1 =	vld [tilespmem:$0x1FF60];
	_ =	sdelay $0x4  }
0x163: {  	[tilespmem:$0x490] =	vst v1  }
0x164: {  	v1 =	vld.idx.msk [tilespmem:v36+s5+$0x0], $0xffff;
	_ =	sdelay $0x4  }
0x165: {  	[tilespmem:$0x240] =	vst v1;
	v1 =	vld [tilespmem:$0x1FF70];
	_ =	sdelay $0x4  }
0x166: {  	[tilespmem:$0x500] =	vst v1  }
0x167: {  	v1 =	vld.idx.msk [tilespmem:v37+s5+$0x0], $0xffff;
	_ =	sdelay $0x4  }
0x168: {  	[tilespmem:$0x250] =	vst v1;
	v1 =	vld [tilespmem:$0x1FF80];
	_ =	sdelay $0x4  }
0x169: {  	[tilespmem:$0x510] =	vst v1  }
0x16a: {  	v1 =	vld.idx.msk [tilespmem:v38+s5+$0x0], $0xffff;
	_ =	sdelay $0x4  }
0x16b: {  	[tilespmem:$0x260] =	vst v1;
	v1 =	vld [tilespmem:$0x1FF90];
	_ =	sdelay $0x4  }
0x16c: {  	[tilespmem:$0x580] =	vst v1  }
0x16d: {  	v1 =	vld.idx.msk [tilespmem:v39+s5+$0x0], $0xffff;
	_ =	sdelay $0x4  }
0x16e: {  	[tilespmem:$0x270] =	vst v1;
	v1 =	vld [tilespmem:$0x1FFA0];
	_ =	sdelay $0x4  }
0x16f: {  	[tilespmem:$0x590] =	vst v1  }
0x170: {  	v1 =	vld.idx.msk [tilespmem:v40+s5+$0x0], $0xffff;
	_ =	sdelay $0x4  }
0x171: {  	[tilespmem:$0x280] =	vst v1;
	v1 =	vld [tilespmem:$0x1FFB0];
	_ =	sdelay $0x4  }
0x172: {  	[tilespmem:$0x600] =	vst v1  }
0x173: {  	v1 =	vld.idx.msk [tilespmem:v41+s5+$0x0], $0xffff;
	_ =	sdelay $0x3  }
0x174: {  	[tilespmem:$0x610] =	vst v9  }
0x175: {  	[tilespmem:$0x290] =	vst v1  }
0x176: {  	v1 =	vld.idx.msk [tilespmem:v42+s5+$0x0], $0xffff;
	_ =	sdelay $0x3  }
0x177: {  	[tilespmem:$0x680] =	vst v10  }
0x178: {  	[tilespmem:$0x2A0] =	vst v1  }
0x179: {  	v1 =	vld.idx.msk [tilespmem:v43+s5+$0x0], $0xffff;
	_ =	sdelay $0x3  }
0x17a: {  	[tilespmem:$0x690] =	vst v11  }
0x17b: {  	[tilespmem:$0x2B0] =	vst v1  }
0x17c: {  	v1 =	vld.idx.msk [tilespmem:v44+s5+$0x0], $0xffff;
	_ =	sdelay $0x3  }
0x17d: {  	[tilespmem:$0x700] =	vst v12  }
0x17e: {  	[tilespmem:$0x2C0] =	vst v1  }
0x17f: {  	v1 =	vld.idx.msk [tilespmem:v45+s5+$0x0], $0xffff;
	_ =	sdelay $0x3  }
0x180: {  	[tilespmem:$0x710] =	vst v13  }
0x181: {  	[tilespmem:$0x2D0] =	vst v1  }
0x182: {  	v1 =	vld.idx.msk [tilespmem:v46+s5+$0x0], $0xffff;
	_ =	sdelay $0x3  }
0x183: {  	[tilespmem:$0x780] =	vst v14  }
0x184: {  	[tilespmem:$0x2E0] =	vst v1  }
0x185: {  	v1 =	vld.idx.msk [tilespmem:v47+s5+$0x0], $0xffff;
	_ =	sdelay $0x3  }
0x186: {  	[tilespmem:$0x790] =	vst v15  }
0x187: {  	[tilespmem:$0x2F0] =	vst v1  }
0x188: {  	v1 =	vld.idx.msk [tilespmem:v48+s5+$0x0], $0xffff;
	_ =	sdelay $0x3  }
0x189: {  	[tilespmem:$0x800] =	vst v16  }
0x18a: {  	[tilespmem:$0x300] =	vst v1  }
0x18b: {  	v1 =	vld.idx.msk [tilespmem:v49+s5+$0x0], $0xffff;
	_ =	sdelay $0x3  }
0x18c: {  	[tilespmem:$0x810] =	vst v17  }
0x18d: {  	[tilespmem:$0x310] =	vst v1  }
0x18e: {  	v1 =	vld.idx.msk [tilespmem:v50+s5+$0x0], $0xffff;
	_ =	sdelay $0x3  }
0x18f: {  	[tilespmem:$0x880] =	vst v18  }
0x190: {  	[tilespmem:$0x320] =	vst v1  }
0x191: {  	v1 =	vld.idx.msk [tilespmem:v51+s5+$0x0], $0xffff;
	_ =	sdelay $0x3  }
0x192: {  	[tilespmem:$0x890] =	vst v19  }
0x193: {  	[tilespmem:$0x330] =	vst v1  }
0x194: {  	v1 =	vld.idx.msk [tilespmem:v52+s5+$0x0], $0xffff;
	_ =	sdelay $0x3  }
0x195: {  	[tilespmem:$0x900] =	vst v20  }
0x196: {  	[tilespmem:$0x340] =	vst v1  }
0x197: {  	v1 =	vld.idx.msk [tilespmem:v53+s5+$0x0], $0xffff;
	_ =	sdelay $0x3  }
0x198: {  	[tilespmem:$0x910] =	vst v21  }
0x199: {  	[tilespmem:$0x350] =	vst v1  }
0x19a: {  	v1 =	vld.idx.msk [tilespmem:v54+s5+$0x0], $0xffff;
	_ =	sdelay $0x3  }
0x19b: {  	[tilespmem:$0x980] =	vst v22  }
0x19c: {  	[tilespmem:$0x360] =	vst v1  }
0x19d: {  	v1 =	vld.idx.msk [tilespmem:v55+s5+$0x0], $0xffff;
	_ =	sdelay $0x3  }
0x19e: {  	[tilespmem:$0x990] =	vst v23  }
0x19f: {  	[tilespmem:$0x370] =	vst v1  }
0x1a0: {  	v1 =	vld.idx.msk [tilespmem:v56+s5+$0x0], $0xffff;
	_ =	sdelay $0x3  }
0x1a1: {  	[tilespmem:$0xA00] =	vst v24  }
0x1a2: {  	[tilespmem:$0x380] =	vst v1  }
0x1a3: {  	v1 =	vld.idx.msk [tilespmem:v57+s5+$0x0], $0xffff;
	_ =	sdelay $0x3  }
0x1a4: {  	[tilespmem:$0xA10] =	vst v25  }
0x1a5: {  	[tilespmem:$0x390] =	vst v1  }
0x1a6: {  	v1 =	vld.idx.msk [tilespmem:v58+s5+$0x0], $0xffff;
	_ =	sdelay $0x3  }
0x1a7: {  	[tilespmem:$0xA80] =	vst v26  }
0x1a8: {  	[tilespmem:$0x3A0] =	vst v1  }
0x1a9: {  	v1 =	vld.idx.msk [tilespmem:v59+s5+$0x0], $0xffff;
	_ =	sdelay $0x3  }
0x1aa: {  	[tilespmem:$0xA90] =	vst v27  }
0x1ab: {  	[tilespmem:$0x3B0] =	vst v1  }
0x1ac: {  	v1 =	vld.idx.msk [tilespmem:v60+s5+$0x0], $0xffff;
	_ =	sdelay $0x3  }
0x1ad: {  	[tilespmem:$0xB00] =	vst v28  }
0x1ae: {  	[tilespmem:$0x3C0] =	vst v1  }
0x1af: {  	v1 =	vld.idx.msk [tilespmem:v61+s5+$0x0], $0xffff;
	_ =	sdelay $0x3  }
0x1b0: {  	[tilespmem:$0xB10] =	vst v29  }
0x1b1: {  	[tilespmem:$0x3D0] =	vst v1;
	v1 =	vld [tilespmem:$0x200]  }
0x1b2: {  	v2 =	vld.idx.msk [tilespmem:v62+s5+$0x0], $0xffff;
	_ =	sdelay $0x3  }
0x1b3: {  	v3 =	vshll.u32 v1, $0x3  }
0x1b4: {  	v1 =	vand.u32 $0x7, v1;
	[tilespmem:$0x3E0] =	vst v2;
	v2 =	vand.u32 $0xFFFFFFC0, v3  }
0x1b5: {  	v4 =	vor.u32 v1, v2;
	v2 =	vand.u32 $0x7, v0;
	v1 =	vshrl.u32 v0, $0x3  }
0x1b6: {  	[tilespmem:$0xB80] =	vst v30;
	v5 =	vperm.xlane v4, v2;
	v1 =	vmul.u32 $0x8, v1  }
0x1b7: {  	v3 =	vld.idx.msk [tilespmem:v63+s5+$0x0], $0xffff  }
0x1b8: {  	v5 =	vadd.s32 v1, v5;
	_ =	sdelay $0x2  }
0x1b9: {  	[tilespmem:$0xB90] =	vst v31  }
0x1ba: {  	[tilespmem:$0x3F0] =	vst v3  }
0x1bb: {  	v3 =	vor.u32 $0x8, v0;
	[tilespmem:s31], [sflag:$0x1] =	stream.indirect_vreg.gather [hbm4b:s1+s5], $0x80, v5, vm0, $0xb8;
	[tilespmem:$0x1EC00] =	vst v63  }
0x1bc: {  	v4 =	vperm.xlane v4, v3  }
0x1bd: {  	[tilespmem:s12], [sflag:$0x1] =	stream.indirect_vreg.gather [hbm4b:s13+s5], $0x80, v5, vm0, $0xb8;
	[tilespmem:$0x1EC00] =	vst v63  }
0x1be: {  	v4 =	vadd.s32 v1, v4  }
0x1bf: {  	[tilespmem:s3], [sflag:$0x1] =	stream.indirect_vreg.gather [hbm4b:s14+s5], $0x80, v5, vm0, $0xb8;
	[tilespmem:$0x1EC00] =	vst v63  }
0x1c0: {  	_ = 	snop  }
0x1c1: {  	[tilespmem:s20], [sflag:$0x1] =	stream.indirect_vreg.gather [hbm4b:s15+s5], $0x80, v5, vm0, $0xb8;
	[tilespmem:$0x1EC00] =	vst v63  }
0x1c2: {  	_ = 	snop  }
0x1c3: {  	[tilespmem:s28], [sflag:$0x1] =	stream.indirect_vreg.gather [hbm4b:s1+s5], $0x80, v4, vm0, $0xb8;
	[tilespmem:$0x1EC00] =	vst v63  }
0x1c4: {  	_ = 	snop  }
0x1c5: {  	[tilespmem:s0], [sflag:$0x1] =	stream.indirect_vreg.gather [hbm4b:s13+s5], $0x80, v4, vm0, $0xb8;
	[tilespmem:$0x1EC00] =	vst v63  }
0x1c6: {  	_ = 	snop  }
0x1c7: {  	[tilespmem:s8], [sflag:$0x1] =	stream.indirect_vreg.gather [hbm4b:s14+s5], $0x80, v4, vm0, $0xb8;
	[tilespmem:$0x1EC00] =	vst v63  }
0x1c8: {  	_ = 	snop  }
0x1c9: {  	[tilespmem:s9], [sflag:$0x1] =	stream.indirect_vreg.gather [hbm4b:s15+s5], $0x80, v4, vm0, $0xb8;
	[tilespmem:$0x1EC00] =	vst v63  }
0x1ca: {  	v4 =	vld [tilespmem:$0x210];
	_ =	sdelay $0x4  }
0x1cb: {  	v5 =	vshll.u32 v4, $0x3  }
0x1cc: {  	v4 =	vand.u32 $0x7, v4;
	v5 =	vand.u32 $0xFFFFFFC0, v5  }
0x1cd: {  	v4 =	vor.u32 v4, v5  }
0x1ce: {  	v5 =	vperm.xlane v4, v2;
	_ =	sdelay $0x1  }
0x1cf: {  	v5 =	vadd.s32 v1, v5;
	_ =	sdelay $0x4  }
0x1d0: {  	[tilespmem:s10], [sflag:$0x1] =	stream.indirect_vreg.gather [hbm4b:s1+s5], $0x80, v5, vm0, $0xb8;
	[tilespmem:$0x1EC00] =	vst v63  }
0x1d1: {  	v4 =	vperm.xlane v4, v3  }
0x1d2: {  	[tilespmem:s11], [sflag:$0x1] =	stream.indirect_vreg.gather [hbm4b:s13+s5], $0x80, v5, vm0, $0xb8;
	[tilespmem:$0x1EC00] =	vst v63  }
0x1d3: {  	v4 =	vadd.s32 v1, v4  }
0x1d4: {  	[tilespmem:s21], [sflag:$0x1] =	stream.indirect_vreg.gather [hbm4b:s14+s5], $0x80, v5, vm0, $0xb8;
	[tilespmem:$0x1EC00] =	vst v63  }
0x1d5: {  	_ = 	snop  }
0x1d6: {  	[tilespmem:s22], [sflag:$0x1] =	stream.indirect_vreg.gather [hbm4b:s15+s5], $0x80, v5, vm0, $0xb8;
	[tilespmem:$0x1EC00] =	vst v63  }
0x1d7: {  	_ = 	snop  }
0x1d8: {  	[tilespmem:s23], [sflag:$0x1] =	stream.indirect_vreg.gather [hbm4b:s1+s5], $0x80, v4, vm0, $0xb8;
	[tilespmem:$0x1EC00] =	vst v63  }
0x1d9: {  	_ = 	snop  }
0x1da: {  	[tilespmem:s24], [sflag:$0x1] =	stream.indirect_vreg.gather [hbm4b:s13+s5], $0x80, v4, vm0, $0xb8;
	[tilespmem:$0x1EC00] =	vst v63  }
0x1db: {  	_ = 	snop  }
0x1dc: {  	[tilespmem:s26], [sflag:$0x1] =	stream.indirect_vreg.gather [hbm4b:s14+s5], $0x80, v4, vm0, $0xb8;
	[tilespmem:$0x1EC00] =	vst v63  }
0x1dd: {  	_ = 	snop  }
0x1de: {  	[tilespmem:s29], [sflag:$0x1] =	stream.indirect_vreg.gather [hbm4b:s15+s5], $0x80, v4, vm0, $0xb8;
	[tilespmem:$0x1EC00] =	vst v63  }
0x1df: {  	v4 =	vld [tilespmem:$0x220];
	_ =	sdelay $0x4  }
0x1e0: {  	v5 =	vshll.u32 v4, $0x3  }
0x1e1: {  	v4 =	vand.u32 $0x7, v4;
	v5 =	vand.u32 $0xFFFFFFC0, v5  }
0x1e2: {  	v4 =	vor.u32 v4, v5  }
0x1e3: {  	v5 =	vperm.xlane v4, v2;
	_ =	sdelay $0x1  }
0x1e4: {  	v5 =	vadd.s32 v1, v5;
	_ =	sdelay $0x3  }
0x1e5: {  	s28 =	simm.s32 $0x8C00  }
0x1e6: {  	[tilespmem:s28], [sflag:$0x2] =	stream.indirect_vreg.gather [hbm4b:s1+s5], $0x80, v5, vm0, $0xb8;
	[tilespmem:$0x1EC00] =	vst v63  }
0x1e7: {  	s29 =	simm.s32 $0x9400;
	v4 =	vperm.xlane v4, v3  }
0x1e8: {  	[tilespmem:s29], [sflag:$0x2] =	stream.indirect_vreg.gather [hbm4b:s13+s5], $0x80, v5, vm0, $0xb8;
	[tilespmem:$0x1EC00] =	vst v63  }
0x1e9: {  	s2 =	simm.s32 $0x9C00;
	v4 =	vadd.s32 v1, v4  }
0x1ea: {  	[tilespmem:s2], [sflag:$0x2] =	stream.indirect_vreg.gather [hbm4b:s14+s5], $0x80, v5, vm0, $0xb8;
	[tilespmem:$0x1EC00] =	vst v63  }
0x1eb: {  	s3 =	simm.s32 $0xA400  }
0x1ec: {  	[tilespmem:s3], [sflag:$0x2] =	stream.indirect_vreg.gather [hbm4b:s15+s5], $0x80, v5, vm0, $0xb8;
	[tilespmem:$0x1EC00] =	vst v63  }
0x1ed: {  	s7 =	simm.s32 $0xAC00  }
0x1ee: {  	[tilespmem:s7], [sflag:$0x2] =	stream.indirect_vreg.gather [hbm4b:s1+s5], $0x80, v4, vm0, $0xb8;
	[tilespmem:$0x1EC00] =	vst v63  }
0x1ef: {  	s8 =	simm.s32 $0xB400  }
0x1f0: {  	[tilespmem:s8], [sflag:$0x2] =	stream.indirect_vreg.gather [hbm4b:s13+s5], $0x80, v4, vm0, $0xb8;
	[tilespmem:$0x1EC00] =	vst v63  }
0x1f1: {  	s9 =	simm.s32 $0xBC00  }
0x1f2: {  	[tilespmem:s9], [sflag:$0x2] =	stream.indirect_vreg.gather [hbm4b:s14+s5], $0x80, v4, vm0, $0xb8;
	[tilespmem:$0x1EC00] =	vst v63  }
0x1f3: {  	s10 =	simm.s32 $0xC400  }
0x1f4: {  	[tilespmem:s10], [sflag:$0x2] =	stream.indirect_vreg.gather [hbm4b:s15+s5], $0x80, v4, vm0, $0xb8;
	[tilespmem:$0x1EC00] =	vst v63  }
0x1f5: {  	v4 =	vld [tilespmem:$0x230];
	_ =	sdelay $0x4  }
0x1f6: {  	v5 =	vshll.u32 v4, $0x3  }
0x1f7: {  	v4 =	vand.u32 $0x7, v4;
	v5 =	vand.u32 $0xFFFFFFC0, v5  }
0x1f8: {  	v4 =	vor.u32 v4, v5  }
0x1f9: {  	v5 =	vperm.xlane v4, v2;
	_ =	sdelay $0x1  }
0x1fa: {  	v5 =	vadd.s32 v1, v5;
	_ =	sdelay $0x3  }
0x1fb: {  	s11 =	simm.s32 $0xCC00  }
0x1fc: {  	[tilespmem:s11], [sflag:$0x2] =	stream.indirect_vreg.gather [hbm4b:s1+s5], $0x80, v5, vm0, $0xb8;
	[tilespmem:$0x1EC00] =	vst v63  }
0x1fd: {  	s21 =	simm.s32 $0xD400;
	v4 =	vperm.xlane v4, v3  }
0x1fe: {  	[tilespmem:s21], [sflag:$0x2] =	stream.indirect_vreg.gather [hbm4b:s13+s5], $0x80, v5, vm0, $0xb8;
	[tilespmem:$0x1EC00] =	vst v63  }
0x1ff: {  	s22 =	simm.s32 $0xDC00;
	v4 =	vadd.s32 v1, v4  }
0x200: {  	[tilespmem:s22], [sflag:$0x2] =	stream.indirect_vreg.gather [hbm4b:s14+s5], $0x80, v5, vm0, $0xb8;
	[tilespmem:$0x1EC00] =	vst v63  }
0x201: {  	s23 =	simm.s32 $0xE400  }
0x202: {  	[tilespmem:s23], [sflag:$0x2] =	stream.indirect_vreg.gather [hbm4b:s15+s5], $0x80, v5, vm0, $0xb8;
	[tilespmem:$0x1EC00] =	vst v63  }
0x203: {  	s24 =	simm.s32 $0xEC00  }
0x204: {  	[tilespmem:s24], [sflag:$0x2] =	stream.indirect_vreg.gather [hbm4b:s1+s5], $0x80, v4, vm0, $0xb8;
	[tilespmem:$0x1EC00] =	vst v63  }
0x205: {  	s26 =	simm.s32 $0xF400  }
0x206: {  	[tilespmem:s26], [sflag:$0x2] =	stream.indirect_vreg.gather [hbm4b:s13+s5], $0x80, v4, vm0, $0xb8;
	[tilespmem:$0x1EC00] =	vst v63  }
0x207: {  	s28 =	simm.s32 $0xFC00  }
0x208: {  	[tilespmem:s28], [sflag:$0x2] =	stream.indirect_vreg.gather [hbm4b:s14+s5], $0x80, v4, vm0, $0xb8;
	[tilespmem:$0x1EC00] =	vst v63  }
0x209: {  	s29 =	simm.s32 $0x10400;
	s21 =	simm.s32 $0x0  }
0x20a: {  	[tilespmem:s29], [sflag:$0x2] =	stream.indirect_vreg.gather [hbm4b:s15+s5], $0x80, v4, vm0, $0xb8;
	[tilespmem:$0x1EC00] =	vst v63  }
.LBB2_2:
0x20b: {  	s3 =	simm.s32 $0x1  }
0x20c: {  	s29 =	smul.u32 $0x3, s21;
	_ =	swait.ge [sflag:s3], $0x8000  }
0x20d: {  	s24 =	simm.s32 $0x4;
	[sflag:s3] =	ssyncset.done $0x0  }
0x20e: {  	s8 =	simm.s32 $0x0;
	s22 =	sadd.s32 $0x2, s29;
	[sflag:s3] =	ssyncadd.s32 $0xFFFF8000  }
0x20f: {  	s26 =	simm.s32 $0x1CC00;
	s7 =	sadd.s32 s6, s22;
	_ =	swait.ge [sflag:s24], $0x2000  }
0x210: {  	s28 =	sand.u32 $0x70, s8;
	s7 =	sshll.u32 s7, $0xA;
	[sflag:s24] =	ssyncset.done $0x0  }
0x211: {  	s9 =	sand.u32 $0x1C00, s8;
	s7 =	sadd.s32 s30, s7;
	[sflag:s24] =	ssyncadd.s32 $0xFFFFE000  }
0x212: {  	[tilespmem:s26], [sflag:$0x6] =	stream.linear.gather [hbm4b:s7+s8], $0x2000, $0x38;
	[tilespmem:$0x1EC00] =	vst v63  }
0x213: {  	s7 =	sor.u32 s28, s9  }
0x214: {  	v5 =	vld [tilespmem:s7+$0x18D80]  }
0x215: {  	v4 =	vld [tilespmem:s7+$0x18C00];
	_ =	sdelay $0x1  }
0x216: {  	v6 =	vld [tilespmem:s7+$0x18C80]  }
0x217: {  	v7 =	vld [tilespmem:s7+$0x18D00]  }
0x218: {  	[tilespmem:s7+$0xD80] =	vst.add.f32.msk $0xffff, v5  }
0x219: {  	[tilespmem:s7+$0x2C00] =	vst.add.f32.msk $0xffff, v4  }
0x21a: {  	[tilespmem:s7+$0x2E00] =	vst.add.f32.msk $0xffff, v4  }
0x21b: {  	[tilespmem:s7+$0x2E80] =	vst.add.f32.msk $0xffff, v6  }
0x21c: {  	[tilespmem:s7+$0x2C80] =	vst.add.f32.msk $0xffff, v6  }
0x21d: {  	[tilespmem:s7+$0xE80] =	vst.add.f32.msk $0xffff, v6  }
0x21e: {  	[tilespmem:s7+$0xC80] =	vst.add.f32.msk $0xffff, v6  }
0x21f: {  	[tilespmem:s7+$0xE00] =	vst.add.f32.msk $0xffff, v4  }
0x220: {  	[tilespmem:s7+$0x2F00] =	vst.add.f32.msk $0xffff, v7  }
0x221: {  	[tilespmem:s7+$0xC00] =	vst.add.f32.msk $0xffff, v4  }
0x222: {  	[tilespmem:s7+$0x2D00] =	vst.add.f32.msk $0xffff, v7  }
0x223: {  	s8 =	sor.u32 s8, s8;
	[tilespmem:s7+$0xF00] =	vst.add.f32.msk $0xffff, v7  }
0x224: {  	s10 =	sor.u32 $0x380, s8;
	[tilespmem:s7+$0xD00] =	vst.add.f32.msk $0xffff, v7  }
0x225: {  	[tilespmem:s10+$0xC00] =	vst.add.f32.msk $0xffff, v5  }
0x226: {  	v6 =	vld [tilespmem:s7+$0x18E00]  }
0x227: {  	v4 =	vld [tilespmem:s7+$0x18E80]  }
0x228: {  	v7 =	vld [tilespmem:s7+$0x18F00]  }
0x229: {  	[tilespmem:s7+$0x2D80] =	vst.add.f32.msk $0xffff, v5  }
0x22a: {  	[tilespmem:s7+$0x2F80] =	vst.add.f32.msk $0xffff, v5  }
0x22b: {  	[tilespmem:s7+$0x4C00] =	vst.add.f32.msk $0xffff, v6  }
0x22c: {  	[tilespmem:s7+$0x6E80] =	vst.add.f32.msk $0xffff, v4  }
0x22d: {  	[tilespmem:s7+$0x6C00] =	vst.add.f32.msk $0xffff, v6  }
0x22e: {  	[tilespmem:s7+$0x4D00] =	vst.add.f32.msk $0xffff, v7  }
0x22f: {  	[tilespmem:s7+$0x4F00] =	vst.add.f32.msk $0xffff, v7  }
0x230: {  	[tilespmem:s7+$0x6D00] =	vst.add.f32.msk $0xffff, v7  }
0x231: {  	[tilespmem:s7+$0x6F00] =	vst.add.f32.msk $0xffff, v7  }
0x232: {  	s0 =	simm.s32 $0x2C00;
	[tilespmem:s7+$0x6E00] =	vst.add.f32.msk $0xffff, v6  }
0x233: {  	s2 =	simm.s32 $0x1C00;
	s11 =	simm.s32 $0x10;
	s8 =	simm.s32 $0x80;
	[tilespmem:s7+$0x4E00] =	vst.add.f32.msk $0xffff, v6  }
.LBB2_3:
0x234: {  	s23 =	sand.u32 $0x70, s11  }
0x235: {  	s24 =	sand.u32 $0x1C00, s8;
	[tilespmem:s7+$0x4C80] =	vst.add.f32.msk $0xffff, v4;
	s26 =	smov.u32 s11;
	s9 =	sadd.s32 $0x10, s11  }
0x236: {  	p0 =	sne.s32 s11, $0x3F0;
	s23 =	sor.u32 s23, s24;
	[tilespmem:s7+$0x4E80] =	vst.add.f32.msk $0xffff, v4  }
0x237: {  	v5 =	vld [tilespmem:s23+$0x18C00]  }
0x238: {  	v6 =	vld [tilespmem:s23+$0x18D80]  }
0x239: {  	[tilespmem:s7+$0x6C80] =	vst.add.f32.msk $0xffff, v4  }
0x23a: {  	v4 =	vld [tilespmem:s23+$0x18D00]  }
0x23b: {  	v7 =	vld [tilespmem:s10+$0x18C00]  }
0x23c: {  	v8 =	vld [tilespmem:s23+$0x18C80]  }
0x23d: {  	[tilespmem:s23+$0xD80] =	vst.add.f32.msk $0xffff, v6  }
0x23e: {  	[tilespmem:s23+$0x2C00] =	vst.add.f32.msk $0xffff, v5  }
0x23f: {  	[tilespmem:s23+$0x2E00] =	vst.add.f32.msk $0xffff, v5  }
0x240: {  	[tilespmem:s7+$0x4D80] =	vst.add.f32.msk $0xffff, v7  }
0x241: {  	[tilespmem:s23+$0x2E80] =	vst.add.f32.msk $0xffff, v8  }
0x242: {  	[tilespmem:s7+$0x4F80] =	vst.add.f32.msk $0xffff, v7  }
0x243: {  	[tilespmem:s23+$0x2C80] =	vst.add.f32.msk $0xffff, v8  }
0x244: {  	[tilespmem:s7+$0x6D80] =	vst.add.f32.msk $0xffff, v7  }
0x245: {  	[tilespmem:s7+$0x6F80] =	vst.add.f32.msk $0xffff, v7;
	s7 =	smov.u32 s23  }
0x246: {  	[tilespmem:s7+$0xE80] =	vst.add.f32.msk $0xffff, v8  }
0x247: {  	[tilespmem:s7+$0xC80] =	vst.add.f32.msk $0xffff, v8  }
0x248: {  	[tilespmem:s7+$0xE00] =	vst.add.f32.msk $0xffff, v5  }
0x249: {  	[tilespmem:s7+$0x2F00] =	vst.add.f32.msk $0xffff, v4  }
0x24a: {  	[tilespmem:s7+$0xC00] =	vst.add.f32.msk $0xffff, v5  }
0x24b: {  	[tilespmem:s7+$0x2D00] =	vst.add.f32.msk $0xffff, v4  }
0x24c: {  	s10 =	sor.u32 s8, s26;
	[tilespmem:s7+$0xF00] =	vst.add.f32.msk $0xffff, v4  }
0x24d: {  	s10 =	sor.u32 $0x380, s10;
	[tilespmem:s7+$0xD00] =	vst.add.f32.msk $0xffff, v4  }
0x24e: {  	[tilespmem:s10+$0xC00] =	vst.add.f32.msk $0xffff, v6  }
0x24f: {  	v5 =	vld [tilespmem:s7+$0x18E00]  }
0x250: {  	v4 =	vld [tilespmem:s7+$0x18E80]  }
0x251: {  	v7 =	vld [tilespmem:s7+$0x18F00]  }
0x252: {  	[tilespmem:s7+$0x2D80] =	vst.add.f32.msk $0xffff, v6  }
0x253: {  	[tilespmem:s7+$0x2F80] =	vst.add.f32.msk $0xffff, v6  }
0x254: {  	[tilespmem:s7+$0x4C00] =	vst.add.f32.msk $0xffff, v5  }
0x255: {  	[tilespmem:s7+$0x6E80] =	vst.add.f32.msk $0xffff, v4  }
0x256: {  	[tilespmem:s7+$0x6C00] =	vst.add.f32.msk $0xffff, v5  }
0x257: {  	[tilespmem:s7+$0x4D00] =	vst.add.f32.msk $0xffff, v7  }
.Ltmp0:
0x258: {  	[tilespmem:s7+$0x4F00] =	vst.add.f32.msk $0xffff, v7;
	(pc) =	sbr.rel @p0 .LBB2_3-.Ltmp0, $4  }
0x259: {  	[tilespmem:s7+$0x6D00] =	vst.add.f32.msk $0xffff, v7  }
0x25a: {  	[tilespmem:s7+$0x6F00] =	vst.add.f32.msk $0xffff, v7  }
0x25b: {  	[tilespmem:s7+$0x6E00] =	vst.add.f32.msk $0xffff, v5  }
0x25c: {  	s11 =	smov.u32 s9;
	s8 =	sadd.s32 $0x80, s8;
	[tilespmem:s7+$0x4E00] =	vst.add.f32.msk $0xffff, v5  }
0x25d: {  	[tilespmem:s7+$0x4C80] =	vst.add.f32.msk $0xffff, v4  }
0x25e: {  	[tilespmem:s7+$0x4E80] =	vst.add.f32.msk $0xffff, v4  }
0x25f: {  	[tilespmem:s7+$0x6C80] =	vst.add.f32.msk $0xffff, v4  }
0x260: {  	v4 =	vld [tilespmem:s10+$0x18C00];
	_ =	sdelay $0x4  }
0x261: {  	[tilespmem:s7+$0x4D80] =	vst.add.f32.msk $0xffff, v4  }
0x262: {  	s8 =	smul.u32 $0x600, s21;
	[tilespmem:s7+$0x4F80] =	vst.add.f32.msk $0xffff, v4  }
0x263: {  	[tilespmem:s7+$0x6D80] =	vst.add.f32.msk $0xffff, v4  }
0x264: {  	s23 =	sshra.s32 s8, $0x2;
	[tilespmem:s7+$0x6F80] =	vst.add.f32.msk $0xffff, v4  }
0x265: {  	v4 =	vld [tilespmem:s23+$0x400];
	_ =	sdelay $0x4  }
0x266: {  	v5 =	vshll.u32 v4, $0x3  }
0x267: {  	v4 =	vand.u32 $0x7, v4;
	v5 =	vand.u32 $0xFFFFFFC0, v5  }
0x268: {  	v4 =	vor.u32 v4, v5  }
0x269: {  	v5 =	vperm.xlane v4, v2;
	_ =	sdelay $0x1  }
0x26a: {  	v5 =	vadd.s32 v1, v5;
	_ =	sdelay $0x4  }
0x26b: {  	[hbm4b:s4+s5] =	stream.indirect_vreg.scatter [tilespmem:s31], [sflag:$0x7], $0x80, v5, vm0, $0xb8;
	[tilespmem:$0x1EC00] =	vst v63  }
0x26c: {  	v4 =	vperm.xlane v4, v3  }
0x26d: {  	[hbm4b:s16+s5] =	stream.indirect_vreg.scatter [tilespmem:s12], [sflag:$0x7], $0x80, v5, vm0, $0xb8;
	[tilespmem:$0x1EC00] =	vst v63  }
0x26e: {  	v4 =	vadd.s32 v1, v4  }
0x26f: {  	[hbm4b:s17+s5] =	stream.indirect_vreg.scatter [tilespmem:s2], [sflag:$0x7], $0x80, v5, vm0, $0xb8;
	[tilespmem:$0x1EC00] =	vst v63  }
0x270: {  	_ = 	snop  }
0x271: {  	[hbm4b:s18+s5] =	stream.indirect_vreg.scatter [tilespmem:s20], [sflag:$0x7], $0x80, v5, vm0, $0xb8;
	[tilespmem:$0x1EC00] =	vst v63  }
0x272: {  	_ = 	snop  }
0x273: {  	[hbm4b:s4+s5] =	stream.indirect_vreg.scatter [tilespmem:s0], [sflag:$0x7], $0x80, v4, vm0, $0xb8;
	[tilespmem:$0x1EC00] =	vst v63  }
0x274: {  	s0 =	simm.s32 $0x3400  }
0x275: {  	[hbm4b:s16+s5] =	stream.indirect_vreg.scatter [tilespmem:s0], [sflag:$0x7], $0x80, v4, vm0, $0xb8;
	[tilespmem:$0x1EC00] =	vst v63  }
0x276: {  	s10 =	simm.s32 $0x3C00  }
0x277: {  	[hbm4b:s17+s5] =	stream.indirect_vreg.scatter [tilespmem:s10], [sflag:$0x7], $0x80, v4, vm0, $0xb8;
	[tilespmem:$0x1EC00] =	vst v63  }
0x278: {  	s11 =	simm.s32 $0x4400  }
0x279: {  	[hbm4b:s18+s5] =	stream.indirect_vreg.scatter [tilespmem:s11], [sflag:$0x7], $0x80, v4, vm0, $0xb8;
	[tilespmem:$0x1EC00] =	vst v63  }
0x27a: {  	v4 =	vld [tilespmem:s23+$0x410];
	_ =	sdelay $0x4  }
0x27b: {  	v5 =	vshll.u32 v4, $0x3  }
0x27c: {  	v4 =	vand.u32 $0x7, v4;
	v5 =	vand.u32 $0xFFFFFFC0, v5  }
0x27d: {  	v4 =	vor.u32 v4, v5  }
0x27e: {  	v5 =	vperm.xlane v4, v2;
	_ =	sdelay $0x1  }
0x27f: {  	v5 =	vadd.s32 v1, v5;
	_ =	sdelay $0x3  }
0x280: {  	s12 =	simm.s32 $0x4C00  }
0x281: {  	[hbm4b:s4+s5] =	stream.indirect_vreg.scatter [tilespmem:s12], [sflag:$0x7], $0x80, v5, vm0, $0xb8;
	[tilespmem:$0x1EC00] =	vst v63  }
0x282: {  	s20 =	simm.s32 $0x5400;
	v4 =	vperm.xlane v4, v3  }
0x283: {  	[hbm4b:s16+s5] =	stream.indirect_vreg.scatter [tilespmem:s20], [sflag:$0x7], $0x80, v5, vm0, $0xb8;
	[tilespmem:$0x1EC00] =	vst v63  }
0x284: {  	s24 =	simm.s32 $0x5C00;
	v4 =	vadd.s32 v1, v4  }
0x285: {  	[hbm4b:s17+s5] =	stream.indirect_vreg.scatter [tilespmem:s24], [sflag:$0x7], $0x80, v5, vm0, $0xb8;
	[tilespmem:$0x1EC00] =	vst v63  }
0x286: {  	s26 =	simm.s32 $0x6400  }
0x287: {  	[hbm4b:s18+s5] =	stream.indirect_vreg.scatter [tilespmem:s26], [sflag:$0x7], $0x80, v5, vm0, $0xb8;
	[tilespmem:$0x1EC00] =	vst v63  }
0x288: {  	s31 =	simm.s32 $0x6C00  }
0x289: {  	[hbm4b:s4+s5] =	stream.indirect_vreg.scatter [tilespmem:s31], [sflag:$0x7], $0x80, v4, vm0, $0xb8;
	[tilespmem:$0x1EC00] =	vst v63  }
0x28a: {  	s7 =	simm.s32 $0x7400  }
0x28b: {  	[hbm4b:s16+s5] =	stream.indirect_vreg.scatter [tilespmem:s7], [sflag:$0x7], $0x80, v4, vm0, $0xb8;
	[tilespmem:$0x1EC00] =	vst v63  }
0x28c: {  	p0 =	seq.s32 s21, $0x0;
	s8 =	simm.s32 $0x7C00  }
0x28d: {  	[hbm4b:s17+s5] =	stream.indirect_vreg.scatter [tilespmem:s8], [sflag:$0x7], $0x80, v4, vm0, $0xb8;
	[tilespmem:$0x1EC00] =	vst v63  }
0x28e: {  	s9 =	simm.s32 $0x8400;
	s7 =	simm.s32 @!p0 $0x9  }
0x28f: {  	[hbm4b:s18+s5] =	stream.indirect_vreg.scatter [tilespmem:s9], [sflag:$0x7], $0x80, v4, vm0, $0xb8;
	[tilespmem:$0x1EC00] =	vst v63  }
0x290: {  	_ =	swait.ge @!p0 [sflag:s7], $0x8000  }
0x291: {  	s10 =	sshll.u32 s22, $0x5;
	[sflag:s7] =	ssyncset.done @!p0 $0x0  }
0x292: {  	[sflag:s7] =	ssyncadd.s32 @!p0 $0xFFFF8000;
	s7 =	sand.u32 $0x3FFFFFE0, s10  }
0x293: {  	v4 =	vld [tilespmem:s7+$0x200];
	_ =	sdelay $0x4  }
0x294: {  	v5 =	vshll.u32 v4, $0x3  }
0x295: {  	v4 =	vand.u32 $0x7, v4;
	v5 =	vand.u32 $0xFFFFFFC0, v5  }
0x296: {  	v4 =	vor.u32 v4, v5  }
0x297: {  	v5 =	vperm.xlane v4, v2;
	_ =	sdelay $0x1  }
0x298: {  	v5 =	vadd.s32 v1, v5;
	_ =	sdelay $0x3  }
0x299: {  	s11 =	simm.s32 $0x10C00;
	s8 =	simm.s32 $0x0  }
0x29a: {  	[tilespmem:s11], [sflag:$0x3] =	stream.indirect_vreg.gather [hbm4b:s1+s8], $0x80, v5, vm0, $0xb8;
	[tilespmem:$0x1EC00] =	vst v63  }
0x29b: {  	s12 =	simm.s32 $0x11400;
	v4 =	vperm.xlane v4, v3  }
0x29c: {  	[tilespmem:s12], [sflag:$0x3] =	stream.indirect_vreg.gather [hbm4b:s13+s8], $0x80, v5, vm0, $0xb8;
	[tilespmem:$0x1EC00] =	vst v63  }
0x29d: {  	s20 =	simm.s32 $0x11C00;
	v4 =	vadd.s32 v1, v4  }
0x29e: {  	[tilespmem:s20], [sflag:$0x3] =	stream.indirect_vreg.gather [hbm4b:s14+s8], $0x80, v5, vm0, $0xb8;
	[tilespmem:$0x1EC00] =	vst v63  }
0x29f: {  	s24 =	simm.s32 $0x12400  }
0x2a0: {  	[tilespmem:s24], [sflag:$0x3] =	stream.indirect_vreg.gather [hbm4b:s15+s8], $0x80, v5, vm0, $0xb8;
	[tilespmem:$0x1EC00] =	vst v63  }
0x2a1: {  	s26 =	simm.s32 $0x12C00  }
0x2a2: {  	[tilespmem:s26], [sflag:$0x3] =	stream.indirect_vreg.gather [hbm4b:s1+s8], $0x80, v4, vm0, $0xb8;
	[tilespmem:$0x1EC00] =	vst v63  }
0x2a3: {  	s31 =	simm.s32 $0x13400  }
0x2a4: {  	[tilespmem:s31], [sflag:$0x3] =	stream.indirect_vreg.gather [hbm4b:s13+s8], $0x80, v4, vm0, $0xb8;
	[tilespmem:$0x1EC00] =	vst v63  }
0x2a5: {  	s9 =	simm.s32 $0x13C00  }
0x2a6: {  	[tilespmem:s9], [sflag:$0x3] =	stream.indirect_vreg.gather [hbm4b:s14+s8], $0x80, v4, vm0, $0xb8;
	[tilespmem:$0x1EC00] =	vst v63  }
0x2a7: {  	s10 =	simm.s32 $0x14400  }
0x2a8: {  	[tilespmem:s10], [sflag:$0x3] =	stream.indirect_vreg.gather [hbm4b:s15+s8], $0x80, v4, vm0, $0xb8;
	[tilespmem:$0x1EC00] =	vst v63  }
0x2a9: {  	v4 =	vld [tilespmem:s7+$0x210];
	_ =	sdelay $0x4  }
0x2aa: {  	v5 =	vshll.u32 v4, $0x3  }
0x2ab: {  	v4 =	vand.u32 $0x7, v4;
	v5 =	vand.u32 $0xFFFFFFC0, v5  }
0x2ac: {  	v4 =	vor.u32 v4, v5  }
0x2ad: {  	v5 =	vperm.xlane v4, v2;
	_ =	sdelay $0x1  }
0x2ae: {  	v5 =	vadd.s32 v1, v5;
	_ =	sdelay $0x3  }
0x2af: {  	s11 =	simm.s32 $0x14C00  }
0x2b0: {  	[tilespmem:s11], [sflag:$0x3] =	stream.indirect_vreg.gather [hbm4b:s1+s8], $0x80, v5, vm0, $0xb8;
	[tilespmem:$0x1EC00] =	vst v63  }
0x2b1: {  	s12 =	simm.s32 $0x15400;
	v4 =	vperm.xlane v4, v3  }
0x2b2: {  	[tilespmem:s12], [sflag:$0x3] =	stream.indirect_vreg.gather [hbm4b:s13+s8], $0x80, v5, vm0, $0xb8;
	[tilespmem:$0x1EC00] =	vst v63  }
0x2b3: {  	s20 =	simm.s32 $0x15C00;
	v4 =	vadd.s32 v1, v4  }
0x2b4: {  	[tilespmem:s20], [sflag:$0x3] =	stream.indirect_vreg.gather [hbm4b:s14+s8], $0x80, v5, vm0, $0xb8;
	[tilespmem:$0x1EC00] =	vst v63  }
0x2b5: {  	s24 =	simm.s32 $0x16400  }
0x2b6: {  	[tilespmem:s24], [sflag:$0x3] =	stream.indirect_vreg.gather [hbm4b:s15+s8], $0x80, v5, vm0, $0xb8;
	[tilespmem:$0x1EC00] =	vst v63  }
0x2b7: {  	s26 =	simm.s32 $0x16C00  }
0x2b8: {  	[tilespmem:s26], [sflag:$0x3] =	stream.indirect_vreg.gather [hbm4b:s1+s8], $0x80, v4, vm0, $0xb8;
	[tilespmem:$0x1EC00] =	vst v63  }
0x2b9: {  	s31 =	simm.s32 $0x17400  }
0x2ba: {  	[tilespmem:s31], [sflag:$0x3] =	stream.indirect_vreg.gather [hbm4b:s13+s8], $0x80, v4, vm0, $0xb8;
	[tilespmem:$0x1EC00] =	vst v63  }
0x2bb: {  	s7 =	simm.s32 $0x17C00  }
0x2bc: {  	[tilespmem:s7], [sflag:$0x3] =	stream.indirect_vreg.gather [hbm4b:s14+s8], $0x80, v4, vm0, $0xb8;
	[tilespmem:$0x1EC00] =	vst v63  }
0x2bd: {  	s9 =	simm.s32 $0x18400;
	s10 =	simm.s32 $0x2  }
0x2be: {  	[tilespmem:s9], [sflag:$0x3] =	stream.indirect_vreg.gather [hbm4b:s15+s8], $0x80, v4, vm0, $0xb8;
	[tilespmem:$0x1EC00] =	vst v63  }
0x2bf: {  	_ =	swait.ge [sflag:s10], $0x8000  }
0x2c0: {  	s11 =	simm.s32 $0x5;
	s12 =	simm.s32 $0x18C00;
	[sflag:s10] =	ssyncset.done $0x0  }
0x2c1: {  	s20 =	smov.u32 s30;
	s7 =	sadd.s32 $0x3, s29;
	[sflag:s10] =	ssyncadd.s32 $0xFFFF8000  }
0x2c2: {  	s24 =	sand.u32 $0x70, s8;
	s9 =	sadd.s32 s6, s7;
	_ =	swait.ge [sflag:s11], $0x2000  }
0x2c3: {  	s26 =	sand.u32 $0x1C00, s8;
	s9 =	sshll.u32 s9, $0xA;
	[sflag:s11] =	ssyncset.done $0x0  }
0x2c4: {  	s9 =	sadd.s32 s30, s9;
	s30 =	sor.u32 s24, s26;
	[sflag:s11] =	ssyncadd.s32 $0xFFFFE000  }
0x2c5: {  	[tilespmem:s12], [sflag:$0x4] =	stream.linear.gather [hbm4b:s9+s8], $0x2000, $0x38;
	[tilespmem:$0x1EC00] =	vst v63  }
0x2c6: {  	v4 =	vld [tilespmem:s30+$0x1AC00];
	_ =	sdelay $0x4  }
0x2c7: {  	[tilespmem:s30+$0xAE00] =	vst.add.f32.msk $0xffff, v4  }
0x2c8: {  	[tilespmem:s30+$0xAC00] =	vst.add.f32.msk $0xffff, v4  }
0x2c9: {  	[tilespmem:s30+$0x8E00] =	vst.add.f32.msk $0xffff, v4  }
0x2ca: {  	s9 =	sadd.s32 $0x1AC00, s30;
	[tilespmem:s30+$0x8C00] =	vst.add.f32.msk $0xffff, v4  }
0x2cb: {  	v4 =	vld [tilespmem:s9+$0x80];
	_ =	sdelay $0x4  }
0x2cc: {  	[tilespmem:s30+$0xAE80] =	vst.add.f32.msk $0xffff, v4  }
0x2cd: {  	[tilespmem:s30+$0xAC80] =	vst.add.f32.msk $0xffff, v4  }
0x2ce: {  	[tilespmem:s30+$0x8C80] =	vst.add.f32.msk $0xffff, v4  }
0x2cf: {  	[tilespmem:s30+$0x8E80] =	vst.add.f32.msk $0xffff, v4  }
0x2d0: {  	v4 =	vld [tilespmem:s9+$0x100];
	_ =	sdelay $0x4  }
0x2d1: {  	[tilespmem:s30+$0xAD00] =	vst.add.f32.msk $0xffff, v4  }
0x2d2: {  	[tilespmem:s30+$0xAF00] =	vst.add.f32.msk $0xffff, v4  }
0x2d3: {  	[tilespmem:s30+$0x8D00] =	vst.add.f32.msk $0xffff, v4  }
0x2d4: {  	[tilespmem:s30+$0x8F00] =	vst.add.f32.msk $0xffff, v4  }
0x2d5: {  	v4 =	vld [tilespmem:s9+$0x180];
	_ =	sdelay $0x4  }
0x2d6: {  	[tilespmem:s30+$0x8F80] =	vst.add.f32.msk $0xffff, v4  }
0x2d7: {  	[tilespmem:s30+$0xAD80] =	vst.add.f32.msk $0xffff, v4  }
0x2d8: {  	[tilespmem:s30+$0x8D80] =	vst.add.f32.msk $0xffff, v4  }
0x2d9: {  	[tilespmem:s30+$0xAF80] =	vst.add.f32.msk $0xffff, v4  }
0x2da: {  	v4 =	vld [tilespmem:s9+$0x200];
	_ =	sdelay $0x4  }
0x2db: {  	[tilespmem:s30+$0xCE00] =	vst.add.f32.msk $0xffff, v4  }
0x2dc: {  	[tilespmem:s30+$0xEC00] =	vst.add.f32.msk $0xffff, v4  }
0x2dd: {  	[tilespmem:s30+$0xCC00] =	vst.add.f32.msk $0xffff, v4  }
0x2de: {  	[tilespmem:s30+$0xEE00] =	vst.add.f32.msk $0xffff, v4  }
0x2df: {  	v4 =	vld [tilespmem:s9+$0x280];
	_ =	sdelay $0x4  }
0x2e0: {  	[tilespmem:s30+$0xCE80] =	vst.add.f32.msk $0xffff, v4  }
0x2e1: {  	[tilespmem:s30+$0xEC80] =	vst.add.f32.msk $0xffff, v4  }
0x2e2: {  	[tilespmem:s30+$0xCC80] =	vst.add.f32.msk $0xffff, v4  }
0x2e3: {  	[tilespmem:s30+$0xEE80] =	vst.add.f32.msk $0xffff, v4  }
0x2e4: {  	v5 =	vld [tilespmem:s9+$0x300]  }
0x2e5: {  	s26 =	simm.s32 $0x10;
	s9 =	simm.s32 $0x80  }
0x2e6: {  	s31 =	sand.u32 $0x70, s26;
	s11 =	sand.u32 $0x1C00, s9  }
0x2e7: {  	s24 =	sor.u32 s31, s11  }
0x2e8: {  	s3 =	simm.s32 $0x1400;
	s28 =	simm.s32 $0x2400;
	s10 =	sor.u32 s8, s8;
	v4 =	vld [tilespmem:s24+$0x1AC00]  }
0x2e9: {  	s8 =	sor.u32 s9, s26;
	s11 =	simm.s32 $0x20;
	s26 =	sadd.s32 $0x1AC00, s24;
	[tilespmem:s30+$0xCF00] =	vst.add.f32.msk $0xffff, v5  }
.LBB2_5:
0x2ea: {  	p0 =	sne.s32 s11, $0x3F0  }
0x2eb: {  	s9 =	sadd.s32 $0x80, s9;
	[tilespmem:s30+$0xED00] =	vst.add.f32.msk $0xffff, v5;
	s2 =	smov.u32 s11;
	s11 =	sadd.s32 $0x10, s11  }
0x2ec: {  	s12 =	sor.u32 s9, s2;
	[tilespmem:s30+$0xCD00] =	vst.add.f32.msk $0xffff, v5  }
0x2ed: {  	s31 =	sor.u32 $0x380, s10;
	s10 =	smov.u32 s8;
	[tilespmem:s30+$0xEF00] =	vst.add.f32.msk $0xffff, v5;
	s8 =	smov.u32 s12  }
0x2ee: {  	v5 =	vld [tilespmem:s31+$0x1AC00]  }
0x2ef: {  	[tilespmem:s24+$0xAE00] =	vst.add.f32.msk $0xffff, v4  }
0x2f0: {  	[tilespmem:s24+$0xAC00] =	vst.add.f32.msk $0xffff, v4  }
0x2f1: {  	[tilespmem:s24+$0x8E00] =	vst.add.f32.msk $0xffff, v4  }
0x2f2: {  	[tilespmem:s24+$0x8C00] =	vst.add.f32.msk $0xffff, v4  }
0x2f3: {  	[tilespmem:s30+$0xEF80] =	vst.add.f32.msk $0xffff, v5  }
0x2f4: {  	[tilespmem:s30+$0xCD80] =	vst.add.f32.msk $0xffff, v5  }
0x2f5: {  	[tilespmem:s30+$0xED80] =	vst.add.f32.msk $0xffff, v5  }
0x2f6: {  	[tilespmem:s30+$0xCF80] =	vst.add.f32.msk $0xffff, v5;
	s30 =	smov.u32 s24  }
0x2f7: {  	v4 =	vld [tilespmem:s26+$0x80];
	_ =	sdelay $0x1  }
0x2f8: {  	s2 =	sand.u32 $0x70, s2;
	s12 =	sand.u32 $0x1C00, s9  }
0x2f9: {  	s24 =	sor.u32 s2, s12;
	_ =	sdelay $0x1  }
0x2fa: {  	[tilespmem:s30+$0xAE80] =	vst.add.f32.msk $0xffff, v4  }
0x2fb: {  	[tilespmem:s30+$0xAC80] =	vst.add.f32.msk $0xffff, v4  }
0x2fc: {  	[tilespmem:s30+$0x8C80] =	vst.add.f32.msk $0xffff, v4  }
0x2fd: {  	[tilespmem:s30+$0x8E80] =	vst.add.f32.msk $0xffff, v4  }
0x2fe: {  	v4 =	vld [tilespmem:s26+$0x100];
	_ =	sdelay $0x3  }
0x2ff: {  	s2 =	sadd.s32 $0x1AC00, s24  }
0x300: {  	[tilespmem:s30+$0xAD00] =	vst.add.f32.msk $0xffff, v4  }
0x301: {  	[tilespmem:s30+$0xAF00] =	vst.add.f32.msk $0xffff, v4  }
0x302: {  	[tilespmem:s30+$0x8D00] =	vst.add.f32.msk $0xffff, v4  }
0x303: {  	[tilespmem:s30+$0x8F00] =	vst.add.f32.msk $0xffff, v4  }
0x304: {  	v4 =	vld [tilespmem:s26+$0x180];
	_ =	sdelay $0x4  }
0x305: {  	[tilespmem:s30+$0x8F80] =	vst.add.f32.msk $0xffff, v4  }
0x306: {  	[tilespmem:s30+$0xAD80] =	vst.add.f32.msk $0xffff, v4  }
0x307: {  	[tilespmem:s30+$0x8D80] =	vst.add.f32.msk $0xffff, v4  }
0x308: {  	[tilespmem:s30+$0xAF80] =	vst.add.f32.msk $0xffff, v4  }
0x309: {  	v4 =	vld [tilespmem:s26+$0x200];
	_ =	sdelay $0x4  }
0x30a: {  	[tilespmem:s30+$0xCE00] =	vst.add.f32.msk $0xffff, v4  }
0x30b: {  	[tilespmem:s30+$0xEC00] =	vst.add.f32.msk $0xffff, v4  }
0x30c: {  	[tilespmem:s30+$0xCC00] =	vst.add.f32.msk $0xffff, v4  }
0x30d: {  	[tilespmem:s30+$0xEE00] =	vst.add.f32.msk $0xffff, v4  }
0x30e: {  	v4 =	vld [tilespmem:s26+$0x280];
	_ =	sdelay $0x4  }
0x30f: {  	[tilespmem:s30+$0xCE80] =	vst.add.f32.msk $0xffff, v4  }
0x310: {  	[tilespmem:s30+$0xEC80] =	vst.add.f32.msk $0xffff, v4  }
0x311: {  	[tilespmem:s30+$0xCC80] =	vst.add.f32.msk $0xffff, v4  }
0x312: {  	[tilespmem:s30+$0xEE80] =	vst.add.f32.msk $0xffff, v4  }
0x313: {  	v5 =	vld [tilespmem:s26+$0x300];
	s26 =	smov.u32 s2  }
.Ltmp1:
0x314: {  	(pc) =	sbr.rel @p0 .LBB2_5-.Ltmp1, $3  }
0x315: {  	_ =	sdelay $0x1  }
0x316: {  	v4 =	vld [tilespmem:s24+$0x1AC00]  }
0x317: {  	[tilespmem:s30+$0xCF00] =	vst.add.f32.msk $0xffff, v5  }
0x318: {  	[tilespmem:s30+$0xED00] =	vst.add.f32.msk $0xffff, v5  }
0x319: {  	[tilespmem:s30+$0xCD00] =	vst.add.f32.msk $0xffff, v5  }
0x31a: {  	[tilespmem:s30+$0xEF00] =	vst.add.f32.msk $0xffff, v5;
	s2 =	sor.u32 $0x380, s10  }
0x31b: {  	v5 =	vld [tilespmem:s2+$0x1AC00]  }
0x31c: {  	[tilespmem:s24+$0xAE00] =	vst.add.f32.msk $0xffff, v4  }
0x31d: {  	[tilespmem:s24+$0xAC00] =	vst.add.f32.msk $0xffff, v4  }
0x31e: {  	[tilespmem:s24+$0x8E00] =	vst.add.f32.msk $0xffff, v4  }
0x31f: {  	[tilespmem:s24+$0x8C00] =	vst.add.f32.msk $0xffff, v4  }
0x320: {  	[tilespmem:s30+$0xEF80] =	vst.add.f32.msk $0xffff, v5  }
0x321: {  	[tilespmem:s30+$0xCD80] =	vst.add.f32.msk $0xffff, v5  }
0x322: {  	[tilespmem:s30+$0xED80] =	vst.add.f32.msk $0xffff, v5  }
0x323: {  	[tilespmem:s30+$0xCF80] =	vst.add.f32.msk $0xffff, v5  }
0x324: {  	v4 =	vld [tilespmem:s26+$0x80];
	_ =	sdelay $0x4  }
0x325: {  	[tilespmem:s24+$0xAE80] =	vst.add.f32.msk $0xffff, v4  }
0x326: {  	[tilespmem:s24+$0xAC80] =	vst.add.f32.msk $0xffff, v4  }
0x327: {  	[tilespmem:s24+$0x8C80] =	vst.add.f32.msk $0xffff, v4  }
0x328: {  	[tilespmem:s24+$0x8E80] =	vst.add.f32.msk $0xffff, v4  }
0x329: {  	v4 =	vld [tilespmem:s26+$0x100];
	_ =	sdelay $0x4  }
0x32a: {  	[tilespmem:s24+$0xAD00] =	vst.add.f32.msk $0xffff, v4  }
0x32b: {  	[tilespmem:s24+$0xAF00] =	vst.add.f32.msk $0xffff, v4  }
0x32c: {  	[tilespmem:s24+$0x8D00] =	vst.add.f32.msk $0xffff, v4  }
0x32d: {  	[tilespmem:s24+$0x8F00] =	vst.add.f32.msk $0xffff, v4  }
0x32e: {  	v4 =	vld [tilespmem:s26+$0x180];
	_ =	sdelay $0x4  }
0x32f: {  	[tilespmem:s24+$0x8F80] =	vst.add.f32.msk $0xffff, v4  }
0x330: {  	[tilespmem:s24+$0xAD80] =	vst.add.f32.msk $0xffff, v4  }
0x331: {  	[tilespmem:s24+$0x8D80] =	vst.add.f32.msk $0xffff, v4  }
0x332: {  	[tilespmem:s24+$0xAF80] =	vst.add.f32.msk $0xffff, v4  }
0x333: {  	v4 =	vld [tilespmem:s26+$0x200];
	_ =	sdelay $0x4  }
0x334: {  	[tilespmem:s24+$0xCE00] =	vst.add.f32.msk $0xffff, v4  }
0x335: {  	[tilespmem:s24+$0xEC00] =	vst.add.f32.msk $0xffff, v4  }
0x336: {  	[tilespmem:s24+$0xCC00] =	vst.add.f32.msk $0xffff, v4  }
0x337: {  	[tilespmem:s24+$0xEE00] =	vst.add.f32.msk $0xffff, v4  }
0x338: {  	v4 =	vld [tilespmem:s26+$0x280];
	_ =	sdelay $0x4  }
0x339: {  	[tilespmem:s24+$0xCE80] =	vst.add.f32.msk $0xffff, v4  }
0x33a: {  	[tilespmem:s24+$0xEC80] =	vst.add.f32.msk $0xffff, v4  }
0x33b: {  	[tilespmem:s24+$0xCC80] =	vst.add.f32.msk $0xffff, v4  }
0x33c: {  	[tilespmem:s24+$0xEE80] =	vst.add.f32.msk $0xffff, v4  }
0x33d: {  	v4 =	vld [tilespmem:s26+$0x300];
	_ =	sdelay $0x4  }
0x33e: {  	[tilespmem:s24+$0xCF00] =	vst.add.f32.msk $0xffff, v4  }
0x33f: {  	[tilespmem:s24+$0xED00] =	vst.add.f32.msk $0xffff, v4  }
0x340: {  	[tilespmem:s24+$0xCD00] =	vst.add.f32.msk $0xffff, v4  }
0x341: {  	s12 =	sor.u32 $0x380, s8;
	[tilespmem:s24+$0xEF00] =	vst.add.f32.msk $0xffff, v4  }
0x342: {  	v4 =	vld [tilespmem:s12+$0x1AC00];
	_ =	sdelay $0x4  }
0x343: {  	[tilespmem:s24+$0xEF80] =	vst.add.f32.msk $0xffff, v4  }
0x344: {  	[tilespmem:s24+$0xCD80] =	vst.add.f32.msk $0xffff, v4  }
0x345: {  	[tilespmem:s24+$0xED80] =	vst.add.f32.msk $0xffff, v4  }
0x346: {  	[tilespmem:s24+$0xCF80] =	vst.add.f32.msk $0xffff, v4  }
0x347: {  	v4 =	vld [tilespmem:s23+$0x480];
	_ =	sdelay $0x4  }
0x348: {  	v5 =	vshll.u32 v4, $0x3  }
0x349: {  	v4 =	vand.u32 $0x7, v4;
	v5 =	vand.u32 $0xFFFFFFC0, v5  }
0x34a: {  	v4 =	vor.u32 v4, v5  }
0x34b: {  	v5 =	vperm.xlane v4, v2;
	_ =	sdelay $0x1  }
0x34c: {  	v5 =	vadd.s32 v1, v5;
	_ =	sdelay $0x3  }
0x34d: {  	s26 =	simm.s32 $0x8C00  }
0x34e: {  	[hbm4b:s4+s5] =	stream.indirect_vreg.scatter [tilespmem:s26], [sflag:$0x8], $0x80, v5, vm0, $0xb8;
	[tilespmem:$0x1EC00] =	vst v63  }
0x34f: {  	s8 =	simm.s32 $0x9400;
	v4 =	vperm.xlane v4, v3  }
0x350: {  	[hbm4b:s16+s5] =	stream.indirect_vreg.scatter [tilespmem:s8], [sflag:$0x8], $0x80, v5, vm0, $0xb8;
	[tilespmem:$0x1EC00] =	vst v63  }
0x351: {  	s9 =	simm.s32 $0x9C00;
	v4 =	vadd.s32 v1, v4  }
0x352: {  	[hbm4b:s17+s5] =	stream.indirect_vreg.scatter [tilespmem:s9], [sflag:$0x8], $0x80, v5, vm0, $0xb8;
	[tilespmem:$0x1EC00] =	vst v63  }
0x353: {  	s10 =	simm.s32 $0xA400  }
0x354: {  	[hbm4b:s18+s5] =	stream.indirect_vreg.scatter [tilespmem:s10], [sflag:$0x8], $0x80, v5, vm0, $0xb8;
	[tilespmem:$0x1EC00] =	vst v63  }
0x355: {  	s11 =	simm.s32 $0xAC00  }
0x356: {  	[hbm4b:s4+s5] =	stream.indirect_vreg.scatter [tilespmem:s11], [sflag:$0x8], $0x80, v4, vm0, $0xb8;
	[tilespmem:$0x1EC00] =	vst v63  }
0x357: {  	s12 =	simm.s32 $0xB400  }
0x358: {  	[hbm4b:s16+s5] =	stream.indirect_vreg.scatter [tilespmem:s12], [sflag:$0x8], $0x80, v4, vm0, $0xb8;
	[tilespmem:$0x1EC00] =	vst v63  }
0x359: {  	s24 =	simm.s32 $0xBC00  }
0x35a: {  	[hbm4b:s17+s5] =	stream.indirect_vreg.scatter [tilespmem:s24], [sflag:$0x8], $0x80, v4, vm0, $0xb8;
	[tilespmem:$0x1EC00] =	vst v63  }
0x35b: {  	s26 =	simm.s32 $0xC400  }
0x35c: {  	[hbm4b:s18+s5] =	stream.indirect_vreg.scatter [tilespmem:s26], [sflag:$0x8], $0x80, v4, vm0, $0xb8;
	[tilespmem:$0x1EC00] =	vst v63  }
0x35d: {  	v4 =	vld [tilespmem:s23+$0x490];
	_ =	sdelay $0x4  }
0x35e: {  	v5 =	vshll.u32 v4, $0x3  }
0x35f: {  	v4 =	vand.u32 $0x7, v4;
	v5 =	vand.u32 $0xFFFFFFC0, v5  }
0x360: {  	v4 =	vor.u32 v4, v5  }
0x361: {  	v5 =	vperm.xlane v4, v2;
	_ =	sdelay $0x1  }
0x362: {  	v5 =	vadd.s32 v1, v5;
	_ =	sdelay $0x3  }
0x363: {  	s8 =	simm.s32 $0xCC00  }
0x364: {  	[hbm4b:s4+s5] =	stream.indirect_vreg.scatter [tilespmem:s8], [sflag:$0x8], $0x80, v5, vm0, $0xb8;
	[tilespmem:$0x1EC00] =	vst v63  }
0x365: {  	s9 =	simm.s32 $0xD400;
	v4 =	vperm.xlane v4, v3  }
0x366: {  	[hbm4b:s16+s5] =	stream.indirect_vreg.scatter [tilespmem:s9], [sflag:$0x8], $0x80, v5, vm0, $0xb8;
	[tilespmem:$0x1EC00] =	vst v63  }
0x367: {  	s10 =	simm.s32 $0xDC00;
	v4 =	vadd.s32 v1, v4  }
0x368: {  	[hbm4b:s17+s5] =	stream.indirect_vreg.scatter [tilespmem:s10], [sflag:$0x8], $0x80, v5, vm0, $0xb8;
	[tilespmem:$0x1EC00] =	vst v63  }
0x369: {  	s11 =	simm.s32 $0xE400  }
0x36a: {  	[hbm4b:s18+s5] =	stream.indirect_vreg.scatter [tilespmem:s11], [sflag:$0x8], $0x80, v5, vm0, $0xb8;
	[tilespmem:$0x1EC00] =	vst v63  }
0x36b: {  	s12 =	simm.s32 $0xEC00  }
0x36c: {  	[hbm4b:s4+s5] =	stream.indirect_vreg.scatter [tilespmem:s12], [sflag:$0x8], $0x80, v4, vm0, $0xb8;
	[tilespmem:$0x1EC00] =	vst v63  }
0x36d: {  	s23 =	simm.s32 $0xF400  }
0x36e: {  	[hbm4b:s16+s5] =	stream.indirect_vreg.scatter [tilespmem:s23], [sflag:$0x8], $0x80, v4, vm0, $0xb8;
	[tilespmem:$0x1EC00] =	vst v63  }
0x36f: {  	s24 =	simm.s32 $0xFC00  }
0x370: {  	[hbm4b:s17+s5] =	stream.indirect_vreg.scatter [tilespmem:s24], [sflag:$0x8], $0x80, v4, vm0, $0xb8;
	[tilespmem:$0x1EC00] =	vst v63  }
0x371: {  	s26 =	simm.s32 $0x10400  }
0x372: {  	[hbm4b:s18+s5] =	stream.indirect_vreg.scatter [tilespmem:s26], [sflag:$0x8], $0x80, v4, vm0, $0xb8;
	[tilespmem:$0x1EC00] =	vst v63  }
0x373: {  	_ =	swait.ge [sflag:s25], $0x8000  }
0x374: {  	s8 =	sshll.u32 s7, $0x5;
	[sflag:s25] =	ssyncset.done $0x0  }
0x375: {  	s2 =	sand.u32 $0x3FFFFFE0, s8;
	[sflag:s25] =	ssyncadd.s32 $0xFFFF8000  }
0x376: {  	v4 =	vld [tilespmem:s2+$0x200];
	_ =	sdelay $0x4  }
0x377: {  	v5 =	vshll.u32 v4, $0x3  }
0x378: {  	v4 =	vand.u32 $0x7, v4;
	v5 =	vand.u32 $0xFFFFFFC0, v5  }
0x379: {  	v4 =	vor.u32 v4, v5  }
0x37a: {  	v5 =	vperm.xlane v4, v2;
	_ =	sdelay $0x1  }
0x37b: {  	v5 =	vadd.s32 v1, v5;
	_ =	sdelay $0x3  }
0x37c: {  	s31 =	simm.s32 $0xC00  }
0x37d: {  	[tilespmem:s31], [sflag:$0x1] =	stream.indirect_vreg.gather [hbm4b:s1+s5], $0x80, v5, vm0, $0xb8;
	[tilespmem:$0x1EC00] =	vst v63  }
0x37e: {  	v4 =	vperm.xlane v4, v3  }
0x37f: {  	[tilespmem:s3], [sflag:$0x1] =	stream.indirect_vreg.gather [hbm4b:s13+s5], $0x80, v5, vm0, $0xb8;
	[tilespmem:$0x1EC00] =	vst v63  }
0x380: {  	v4 =	vadd.s32 v1, v4;
	s3 =	simm.s32 $0x1C00  }
0x381: {  	[tilespmem:s3], [sflag:$0x1] =	stream.indirect_vreg.gather [hbm4b:s14+s5], $0x80, v5, vm0, $0xb8;
	[tilespmem:$0x1EC00] =	vst v63  }
0x382: {  	_ = 	snop  }
0x383: {  	[tilespmem:s28], [sflag:$0x1] =	stream.indirect_vreg.gather [hbm4b:s15+s5], $0x80, v5, vm0, $0xb8;
	[tilespmem:$0x1EC00] =	vst v63  }
0x384: {  	s28 =	simm.s32 $0x2C00  }
0x385: {  	[tilespmem:s28], [sflag:$0x1] =	stream.indirect_vreg.gather [hbm4b:s1+s5], $0x80, v4, vm0, $0xb8;
	[tilespmem:$0x1EC00] =	vst v63  }
0x386: {  	_ = 	snop  }
0x387: {  	[tilespmem:s0], [sflag:$0x1] =	stream.indirect_vreg.gather [hbm4b:s13+s5], $0x80, v4, vm0, $0xb8;
	[tilespmem:$0x1EC00] =	vst v63  }
0x388: {  	s9 =	simm.s32 $0x3C00  }
0x389: {  	[tilespmem:s9], [sflag:$0x1] =	stream.indirect_vreg.gather [hbm4b:s14+s5], $0x80, v4, vm0, $0xb8;
	[tilespmem:$0x1EC00] =	vst v63  }
0x38a: {  	s10 =	simm.s32 $0x4400  }
0x38b: {  	[tilespmem:s10], [sflag:$0x1] =	stream.indirect_vreg.gather [hbm4b:s15+s5], $0x80, v4, vm0, $0xb8;
	[tilespmem:$0x1EC00] =	vst v63  }
0x38c: {  	v4 =	vld [tilespmem:s2+$0x210];
	_ =	sdelay $0x4  }
0x38d: {  	v5 =	vshll.u32 v4, $0x3  }
0x38e: {  	v4 =	vand.u32 $0x7, v4;
	v5 =	vand.u32 $0xFFFFFFC0, v5  }
0x38f: {  	v4 =	vor.u32 v4, v5  }
0x390: {  	v5 =	vperm.xlane v4, v2;
	_ =	sdelay $0x1  }
0x391: {  	v5 =	vadd.s32 v1, v5;
	_ =	sdelay $0x3  }
0x392: {  	s11 =	simm.s32 $0x4C00  }
0x393: {  	[tilespmem:s11], [sflag:$0x1] =	stream.indirect_vreg.gather [hbm4b:s1+s5], $0x80, v5, vm0, $0xb8;
	[tilespmem:$0x1EC00] =	vst v63  }
0x394: {  	s12 =	simm.s32 $0x5400;
	v4 =	vperm.xlane v4, v3  }
0x395: {  	[tilespmem:s12], [sflag:$0x1] =	stream.indirect_vreg.gather [hbm4b:s13+s5], $0x80, v5, vm0, $0xb8;
	[tilespmem:$0x1EC00] =	vst v63  }
0x396: {  	s23 =	simm.s32 $0x5C00;
	v4 =	vadd.s32 v1, v4  }
0x397: {  	[tilespmem:s23], [sflag:$0x1] =	stream.indirect_vreg.gather [hbm4b:s14+s5], $0x80, v5, vm0, $0xb8;
	[tilespmem:$0x1EC00] =	vst v63  }
0x398: {  	s24 =	simm.s32 $0x6400  }
0x399: {  	[tilespmem:s24], [sflag:$0x1] =	stream.indirect_vreg.gather [hbm4b:s15+s5], $0x80, v5, vm0, $0xb8;
	[tilespmem:$0x1EC00] =	vst v63  }
0x39a: {  	s26 =	simm.s32 $0x6C00  }
0x39b: {  	[tilespmem:s26], [sflag:$0x1] =	stream.indirect_vreg.gather [hbm4b:s1+s5], $0x80, v4, vm0, $0xb8;
	[tilespmem:$0x1EC00] =	vst v63  }
0x39c: {  	s7 =	simm.s32 $0x7400  }
0x39d: {  	[tilespmem:s7], [sflag:$0x1] =	stream.indirect_vreg.gather [hbm4b:s13+s5], $0x80, v4, vm0, $0xb8;
	[tilespmem:$0x1EC00] =	vst v63  }
0x39e: {  	s8 =	simm.s32 $0x7C00  }
0x39f: {  	[tilespmem:s8], [sflag:$0x1] =	stream.indirect_vreg.gather [hbm4b:s14+s5], $0x80, v4, vm0, $0xb8;
	[tilespmem:$0x1EC00] =	vst v63  }
0x3a0: {  	s9 =	simm.s32 $0x8400;
	s10 =	simm.s32 $0x3  }
0x3a1: {  	[tilespmem:s9], [sflag:$0x1] =	stream.indirect_vreg.gather [hbm4b:s15+s5], $0x80, v4, vm0, $0xb8;
	[tilespmem:$0x1EC00] =	vst v63  }
0x3a2: {  	_ =	swait.ge [sflag:s10], $0x8000  }
0x3a3: {  	p0 =	seq.s32 s21, $0x4;
	s23 =	sadd.s32 $0x4, s29;
	[sflag:s10] =	ssyncset.done $0x0  }
0x3a4: {  	s11 =	simm.s32 $0x6;
	s2 =	sadd.s32 @!p0 s6, s23;
	[sflag:s10] =	ssyncadd.s32 $0xFFFF8000  }
0x3a5: {  	s2 =	sshll.u32 @!p0 s2, $0xA;
	_ =	swait.ge [sflag:s11], $0x2000  }
0x3a6: {  	s2 =	sadd.s32 @!p0 s20, s2;
	[sflag:s11] =	ssyncset.done $0x0  }
0x3a7: {  	s7 =	simm.s32 @!p0 $0x0;
	s8 =	simm.s32 @!p0 $0x1AC00;
	[sflag:s11] =	ssyncadd.s32 $0xFFFFE000  }
0x3a8: {  	[tilespmem:s8], [sflag:$0x5] =	stream.linear.gather @!p0 [hbm4b:s2+s7], $0x2000, $0x38;
	[tilespmem:$0x1EC00] =	vst v63  }
0x3a9: {  	s2 =	simm.s32 $0x0  }
0x3aa: {  	s30 =	smov.u32 s20;
	s12 =	sand.u32 $0x70, s2;
	s20 =	sand.u32 $0x1C00, s2  }
0x3ab: {  	s7 =	sor.u32 s12, s20  }
0x3ac: {  	v4 =	vld [tilespmem:s7+$0x1CC00];
	_ =	sdelay $0x4  }
0x3ad: {  	[tilespmem:s7+$0x12E00] =	vst.add.f32.msk $0xffff, v4  }
0x3ae: {  	[tilespmem:s7+$0x12C00] =	vst.add.f32.msk $0xffff, v4  }
0x3af: {  	[tilespmem:s7+$0x10E00] =	vst.add.f32.msk $0xffff, v4  }
0x3b0: {  	s8 =	sadd.s32 $0x1CC00, s7;
	[tilespmem:s7+$0x10C00] =	vst.add.f32.msk $0xffff, v4  }
0x3b1: {  	v4 =	vld [tilespmem:s8+$0x80];
	_ =	sdelay $0x4  }
0x3b2: {  	[tilespmem:s7+$0x12E80] =	vst.add.f32.msk $0xffff, v4  }
0x3b3: {  	[tilespmem:s7+$0x12C80] =	vst.add.f32.msk $0xffff, v4  }
0x3b4: {  	[tilespmem:s7+$0x10C80] =	vst.add.f32.msk $0xffff, v4  }
0x3b5: {  	[tilespmem:s7+$0x10E80] =	vst.add.f32.msk $0xffff, v4  }
0x3b6: {  	v4 =	vld [tilespmem:s8+$0x100];
	_ =	sdelay $0x4  }
0x3b7: {  	[tilespmem:s7+$0x12D00] =	vst.add.f32.msk $0xffff, v4  }
0x3b8: {  	[tilespmem:s7+$0x12F00] =	vst.add.f32.msk $0xffff, v4  }
0x3b9: {  	[tilespmem:s7+$0x10D00] =	vst.add.f32.msk $0xffff, v4  }
0x3ba: {  	[tilespmem:s7+$0x10F00] =	vst.add.f32.msk $0xffff, v4  }
0x3bb: {  	v4 =	vld [tilespmem:s8+$0x180];
	_ =	sdelay $0x4  }
0x3bc: {  	[tilespmem:s7+$0x10F80] =	vst.add.f32.msk $0xffff, v4  }
0x3bd: {  	[tilespmem:s7+$0x12D80] =	vst.add.f32.msk $0xffff, v4  }
0x3be: {  	[tilespmem:s7+$0x10D80] =	vst.add.f32.msk $0xffff, v4  }
0x3bf: {  	[tilespmem:s7+$0x12F80] =	vst.add.f32.msk $0xffff, v4  }
0x3c0: {  	v4 =	vld [tilespmem:s8+$0x200];
	_ =	sdelay $0x4  }
0x3c1: {  	[tilespmem:s7+$0x14E00] =	vst.add.f32.msk $0xffff, v4  }
0x3c2: {  	[tilespmem:s7+$0x16C00] =	vst.add.f32.msk $0xffff, v4  }
0x3c3: {  	[tilespmem:s7+$0x14C00] =	vst.add.f32.msk $0xffff, v4  }
0x3c4: {  	[tilespmem:s7+$0x16E00] =	vst.add.f32.msk $0xffff, v4  }
0x3c5: {  	v4 =	vld [tilespmem:s8+$0x280];
	_ =	sdelay $0x4  }
0x3c6: {  	[tilespmem:s7+$0x14E80] =	vst.add.f32.msk $0xffff, v4  }
0x3c7: {  	[tilespmem:s7+$0x16C80] =	vst.add.f32.msk $0xffff, v4  }
0x3c8: {  	[tilespmem:s7+$0x14C80] =	vst.add.f32.msk $0xffff, v4  }
0x3c9: {  	[tilespmem:s7+$0x16E80] =	vst.add.f32.msk $0xffff, v4  }
0x3ca: {  	v5 =	vld [tilespmem:s8+$0x300]  }
0x3cb: {  	s24 =	simm.s32 $0x10;
	s9 =	simm.s32 $0x80  }
0x3cc: {  	s26 =	sand.u32 $0x70, s24;
	s11 =	sand.u32 $0x1C00, s9  }
0x3cd: {  	s29 =	sor.u32 s26, s11  }
0x3ce: {  	s11 =	simm.s32 $0x20;
	v4 =	vld [tilespmem:s29+$0x1CC00]  }
0x3cf: {  	s10 =	sor.u32 s2, s2;
	s8 =	sor.u32 s9, s24;
	s24 =	sadd.s32 $0x1CC00, s29;
	[tilespmem:s7+$0x14F00] =	vst.add.f32.msk $0xffff, v5  }
.LBB2_7:
0x3d0: {  	p1 =	sne.s32 s11, $0x3F0  }
0x3d1: {  	s9 =	sadd.s32 $0x80, s9;
	[tilespmem:s7+$0x16D00] =	vst.add.f32.msk $0xffff, v5;
	s2 =	smov.u32 s11;
	s11 =	sadd.s32 $0x10, s11  }
0x3d2: {  	s12 =	sor.u32 s9, s2;
	[tilespmem:s7+$0x14D00] =	vst.add.f32.msk $0xffff, v5  }
0x3d3: {  	s26 =	sor.u32 $0x380, s10;
	s10 =	smov.u32 s8;
	[tilespmem:s7+$0x16F00] =	vst.add.f32.msk $0xffff, v5;
	s8 =	smov.u32 s12  }
0x3d4: {  	v5 =	vld [tilespmem:s26+$0x1CC00]  }
0x3d5: {  	[tilespmem:s29+$0x12E00] =	vst.add.f32.msk $0xffff, v4  }
0x3d6: {  	[tilespmem:s29+$0x12C00] =	vst.add.f32.msk $0xffff, v4  }
0x3d7: {  	[tilespmem:s29+$0x10E00] =	vst.add.f32.msk $0xffff, v4  }
0x3d8: {  	[tilespmem:s29+$0x10C00] =	vst.add.f32.msk $0xffff, v4  }
0x3d9: {  	[tilespmem:s7+$0x16F80] =	vst.add.f32.msk $0xffff, v5  }
0x3da: {  	[tilespmem:s7+$0x14D80] =	vst.add.f32.msk $0xffff, v5  }
0x3db: {  	[tilespmem:s7+$0x16D80] =	vst.add.f32.msk $0xffff, v5  }
0x3dc: {  	[tilespmem:s7+$0x14F80] =	vst.add.f32.msk $0xffff, v5;
	s7 =	smov.u32 s29  }
0x3dd: {  	v4 =	vld [tilespmem:s24+$0x80];
	_ =	sdelay $0x1  }
0x3de: {  	s2 =	sand.u32 $0x70, s2;
	s12 =	sand.u32 $0x1C00, s9  }
0x3df: {  	s29 =	sor.u32 s2, s12;
	_ =	sdelay $0x1  }
0x3e0: {  	[tilespmem:s7+$0x12E80] =	vst.add.f32.msk $0xffff, v4  }
0x3e1: {  	[tilespmem:s7+$0x12C80] =	vst.add.f32.msk $0xffff, v4  }
0x3e2: {  	[tilespmem:s7+$0x10C80] =	vst.add.f32.msk $0xffff, v4  }
0x3e3: {  	[tilespmem:s7+$0x10E80] =	vst.add.f32.msk $0xffff, v4  }
0x3e4: {  	v4 =	vld [tilespmem:s24+$0x100];
	_ =	sdelay $0x3  }
0x3e5: {  	s2 =	sadd.s32 $0x1CC00, s29  }
0x3e6: {  	[tilespmem:s7+$0x12D00] =	vst.add.f32.msk $0xffff, v4  }
0x3e7: {  	[tilespmem:s7+$0x12F00] =	vst.add.f32.msk $0xffff, v4  }
0x3e8: {  	[tilespmem:s7+$0x10D00] =	vst.add.f32.msk $0xffff, v4  }
0x3e9: {  	[tilespmem:s7+$0x10F00] =	vst.add.f32.msk $0xffff, v4  }
0x3ea: {  	v4 =	vld [tilespmem:s24+$0x180];
	_ =	sdelay $0x4  }
0x3eb: {  	[tilespmem:s7+$0x10F80] =	vst.add.f32.msk $0xffff, v4  }
0x3ec: {  	[tilespmem:s7+$0x12D80] =	vst.add.f32.msk $0xffff, v4  }
0x3ed: {  	[tilespmem:s7+$0x10D80] =	vst.add.f32.msk $0xffff, v4  }
0x3ee: {  	[tilespmem:s7+$0x12F80] =	vst.add.f32.msk $0xffff, v4  }
0x3ef: {  	v4 =	vld [tilespmem:s24+$0x200];
	_ =	sdelay $0x4  }
0x3f0: {  	[tilespmem:s7+$0x14E00] =	vst.add.f32.msk $0xffff, v4  }
0x3f1: {  	[tilespmem:s7+$0x16C00] =	vst.add.f32.msk $0xffff, v4  }
0x3f2: {  	[tilespmem:s7+$0x14C00] =	vst.add.f32.msk $0xffff, v4  }
0x3f3: {  	[tilespmem:s7+$0x16E00] =	vst.add.f32.msk $0xffff, v4  }
0x3f4: {  	v4 =	vld [tilespmem:s24+$0x280];
	_ =	sdelay $0x4  }
0x3f5: {  	[tilespmem:s7+$0x14E80] =	vst.add.f32.msk $0xffff, v4  }
0x3f6: {  	[tilespmem:s7+$0x16C80] =	vst.add.f32.msk $0xffff, v4  }
0x3f7: {  	[tilespmem:s7+$0x14C80] =	vst.add.f32.msk $0xffff, v4  }
0x3f8: {  	[tilespmem:s7+$0x16E80] =	vst.add.f32.msk $0xffff, v4  }
0x3f9: {  	v5 =	vld [tilespmem:s24+$0x300];
	s24 =	smov.u32 s2  }
.Ltmp2:
0x3fa: {  	(pc) =	sbr.rel @p1 .LBB2_7-.Ltmp2, $3  }
0x3fb: {  	_ =	sdelay $0x1  }
0x3fc: {  	v4 =	vld [tilespmem:s29+$0x1CC00]  }
0x3fd: {  	[tilespmem:s7+$0x14F00] =	vst.add.f32.msk $0xffff, v5  }
0x3fe: {  	[tilespmem:s7+$0x16D00] =	vst.add.f32.msk $0xffff, v5  }
0x3ff: {  	[tilespmem:s7+$0x14D00] =	vst.add.f32.msk $0xffff, v5  }
0x400: {  	[tilespmem:s7+$0x16F00] =	vst.add.f32.msk $0xffff, v5;
	s2 =	sor.u32 $0x380, s10  }
0x401: {  	v5 =	vld [tilespmem:s2+$0x1CC00]  }
0x402: {  	[tilespmem:s29+$0x12E00] =	vst.add.f32.msk $0xffff, v4  }
0x403: {  	[tilespmem:s29+$0x12C00] =	vst.add.f32.msk $0xffff, v4  }
0x404: {  	[tilespmem:s29+$0x10E00] =	vst.add.f32.msk $0xffff, v4  }
0x405: {  	[tilespmem:s29+$0x10C00] =	vst.add.f32.msk $0xffff, v4  }
0x406: {  	[tilespmem:s7+$0x16F80] =	vst.add.f32.msk $0xffff, v5  }
0x407: {  	[tilespmem:s7+$0x14D80] =	vst.add.f32.msk $0xffff, v5  }
0x408: {  	[tilespmem:s7+$0x16D80] =	vst.add.f32.msk $0xffff, v5  }
0x409: {  	[tilespmem:s7+$0x14F80] =	vst.add.f32.msk $0xffff, v5  }
0x40a: {  	v4 =	vld [tilespmem:s24+$0x80];
	_ =	sdelay $0x4  }
0x40b: {  	[tilespmem:s29+$0x12E80] =	vst.add.f32.msk $0xffff, v4  }
0x40c: {  	[tilespmem:s29+$0x12C80] =	vst.add.f32.msk $0xffff, v4  }
0x40d: {  	[tilespmem:s29+$0x10C80] =	vst.add.f32.msk $0xffff, v4  }
0x40e: {  	[tilespmem:s29+$0x10E80] =	vst.add.f32.msk $0xffff, v4  }
0x40f: {  	v4 =	vld [tilespmem:s24+$0x100];
	_ =	sdelay $0x4  }
0x410: {  	[tilespmem:s29+$0x12D00] =	vst.add.f32.msk $0xffff, v4  }
0x411: {  	[tilespmem:s29+$0x12F00] =	vst.add.f32.msk $0xffff, v4  }
0x412: {  	[tilespmem:s29+$0x10D00] =	vst.add.f32.msk $0xffff, v4  }
0x413: {  	[tilespmem:s29+$0x10F00] =	vst.add.f32.msk $0xffff, v4  }
0x414: {  	v4 =	vld [tilespmem:s24+$0x180];
	_ =	sdelay $0x4  }
0x415: {  	[tilespmem:s29+$0x10F80] =	vst.add.f32.msk $0xffff, v4  }
0x416: {  	[tilespmem:s29+$0x12D80] =	vst.add.f32.msk $0xffff, v4  }
0x417: {  	[tilespmem:s29+$0x10D80] =	vst.add.f32.msk $0xffff, v4  }
0x418: {  	[tilespmem:s29+$0x12F80] =	vst.add.f32.msk $0xffff, v4  }
0x419: {  	v4 =	vld [tilespmem:s24+$0x200];
	_ =	sdelay $0x4  }
0x41a: {  	[tilespmem:s29+$0x14E00] =	vst.add.f32.msk $0xffff, v4  }
0x41b: {  	[tilespmem:s29+$0x16C00] =	vst.add.f32.msk $0xffff, v4  }
0x41c: {  	[tilespmem:s29+$0x14C00] =	vst.add.f32.msk $0xffff, v4  }
0x41d: {  	[tilespmem:s29+$0x16E00] =	vst.add.f32.msk $0xffff, v4  }
0x41e: {  	v4 =	vld [tilespmem:s24+$0x280];
	_ =	sdelay $0x4  }
0x41f: {  	[tilespmem:s29+$0x14E80] =	vst.add.f32.msk $0xffff, v4  }
0x420: {  	[tilespmem:s29+$0x16C80] =	vst.add.f32.msk $0xffff, v4  }
0x421: {  	[tilespmem:s29+$0x14C80] =	vst.add.f32.msk $0xffff, v4  }
0x422: {  	[tilespmem:s29+$0x16E80] =	vst.add.f32.msk $0xffff, v4  }
0x423: {  	v4 =	vld [tilespmem:s24+$0x300];
	_ =	sdelay $0x4  }
0x424: {  	[tilespmem:s29+$0x14F00] =	vst.add.f32.msk $0xffff, v4  }
0x425: {  	[tilespmem:s29+$0x16D00] =	vst.add.f32.msk $0xffff, v4  }
0x426: {  	[tilespmem:s29+$0x14D00] =	vst.add.f32.msk $0xffff, v4  }
0x427: {  	s10 =	sor.u32 $0x380, s8;
	[tilespmem:s29+$0x16F00] =	vst.add.f32.msk $0xffff, v4  }
0x428: {  	v4 =	vld [tilespmem:s10+$0x1CC00];
	_ =	sdelay $0x4  }
0x429: {  	[tilespmem:s29+$0x16F80] =	vst.add.f32.msk $0xffff, v4  }
0x42a: {  	[tilespmem:s29+$0x14D80] =	vst.add.f32.msk $0xffff, v4  }
0x42b: {  	s11 =	sshll.u32 s22, $0x7;
	[tilespmem:s29+$0x16D80] =	vst.add.f32.msk $0xffff, v4  }
0x42c: {  	s2 =	sand.u32 $0x3FFFFF80, s11;
	[tilespmem:s29+$0x14F80] =	vst.add.f32.msk $0xffff, v4  }
0x42d: {  	v4 =	vld [tilespmem:s2+$0x400];
	_ =	sdelay $0x4  }
0x42e: {  	v5 =	vshll.u32 v4, $0x3  }
0x42f: {  	v4 =	vand.u32 $0x7, v4;
	v5 =	vand.u32 $0xFFFFFFC0, v5  }
0x430: {  	v4 =	vor.u32 v4, v5  }
0x431: {  	v5 =	vperm.xlane v4, v2;
	_ =	sdelay $0x1  }
0x432: {  	v5 =	vadd.s32 v1, v5;
	_ =	sdelay $0x3  }
0x433: {  	s12 =	simm.s32 $0x10C00  }
0x434: {  	[hbm4b:s4+s5] =	stream.indirect_vreg.scatter [tilespmem:s12], [sflag:$0x9], $0x80, v5, vm0, $0xb8;
	[tilespmem:$0x1EC00] =	vst v63  }
0x435: {  	s20 =	simm.s32 $0x11400;
	v4 =	vperm.xlane v4, v3  }
0x436: {  	[hbm4b:s16+s5] =	stream.indirect_vreg.scatter [tilespmem:s20], [sflag:$0x9], $0x80, v5, vm0, $0xb8;
	[tilespmem:$0x1EC00] =	vst v63  }
0x437: {  	s22 =	simm.s32 $0x11C00;
	v4 =	vadd.s32 v1, v4  }
0x438: {  	[hbm4b:s17+s5] =	stream.indirect_vreg.scatter [tilespmem:s22], [sflag:$0x9], $0x80, v5, vm0, $0xb8;
	[tilespmem:$0x1EC00] =	vst v63  }
0x439: {  	s24 =	simm.s32 $0x12400  }
0x43a: {  	[hbm4b:s18+s5] =	stream.indirect_vreg.scatter [tilespmem:s24], [sflag:$0x9], $0x80, v5, vm0, $0xb8;
	[tilespmem:$0x1EC00] =	vst v63  }
0x43b: {  	s26 =	simm.s32 $0x12C00  }
0x43c: {  	[hbm4b:s4+s5] =	stream.indirect_vreg.scatter [tilespmem:s26], [sflag:$0x9], $0x80, v4, vm0, $0xb8;
	[tilespmem:$0x1EC00] =	vst v63  }
0x43d: {  	s29 =	simm.s32 $0x13400  }
0x43e: {  	[hbm4b:s16+s5] =	stream.indirect_vreg.scatter [tilespmem:s29], [sflag:$0x9], $0x80, v4, vm0, $0xb8;
	[tilespmem:$0x1EC00] =	vst v63  }
0x43f: {  	s8 =	simm.s32 $0x13C00  }
0x440: {  	[hbm4b:s17+s5] =	stream.indirect_vreg.scatter [tilespmem:s8], [sflag:$0x9], $0x80, v4, vm0, $0xb8;
	[tilespmem:$0x1EC00] =	vst v63  }
0x441: {  	s9 =	simm.s32 $0x14400  }
0x442: {  	[hbm4b:s18+s5] =	stream.indirect_vreg.scatter [tilespmem:s9], [sflag:$0x9], $0x80, v4, vm0, $0xb8;
	[tilespmem:$0x1EC00] =	vst v63  }
0x443: {  	v4 =	vld [tilespmem:s2+$0x410];
	_ =	sdelay $0x4  }
0x444: {  	v5 =	vshll.u32 v4, $0x3  }
0x445: {  	v4 =	vand.u32 $0x7, v4;
	v5 =	vand.u32 $0xFFFFFFC0, v5  }
0x446: {  	v4 =	vor.u32 v4, v5  }
0x447: {  	v5 =	vperm.xlane v4, v2;
	_ =	sdelay $0x1  }
0x448: {  	v5 =	vadd.s32 v1, v5;
	_ =	sdelay $0x3  }
0x449: {  	s10 =	simm.s32 $0x14C00  }
0x44a: {  	[hbm4b:s4+s5] =	stream.indirect_vreg.scatter [tilespmem:s10], [sflag:$0x9], $0x80, v5, vm0, $0xb8;
	[tilespmem:$0x1EC00] =	vst v63  }
0x44b: {  	s11 =	simm.s32 $0x15400;
	v4 =	vperm.xlane v4, v3  }
0x44c: {  	[hbm4b:s16+s5] =	stream.indirect_vreg.scatter [tilespmem:s11], [sflag:$0x9], $0x80, v5, vm0, $0xb8;
	[tilespmem:$0x1EC00] =	vst v63  }
0x44d: {  	s12 =	simm.s32 $0x15C00;
	v4 =	vadd.s32 v1, v4  }
0x44e: {  	[hbm4b:s17+s5] =	stream.indirect_vreg.scatter [tilespmem:s12], [sflag:$0x9], $0x80, v5, vm0, $0xb8;
	[tilespmem:$0x1EC00] =	vst v63  }
0x44f: {  	s20 =	simm.s32 $0x16400  }
0x450: {  	[hbm4b:s18+s5] =	stream.indirect_vreg.scatter [tilespmem:s20], [sflag:$0x9], $0x80, v5, vm0, $0xb8;
	[tilespmem:$0x1EC00] =	vst v63  }
0x451: {  	s22 =	simm.s32 $0x16C00  }
0x452: {  	[hbm4b:s4+s5] =	stream.indirect_vreg.scatter [tilespmem:s22], [sflag:$0x9], $0x80, v4, vm0, $0xb8;
	[tilespmem:$0x1EC00] =	vst v63  }
0x453: {  	s24 =	simm.s32 $0x17400  }
0x454: {  	[hbm4b:s16+s5] =	stream.indirect_vreg.scatter [tilespmem:s24], [sflag:$0x9], $0x80, v4, vm0, $0xb8;
	[tilespmem:$0x1EC00] =	vst v63  }
.Ltmp3:
0x455: {  	_ = 	snop;
	(pc) =	sbr.rel @p0 .LBB2_10-.Ltmp3, $4  }
0x456: {  	s26 =	simm.s32 $0x17C00  }
0x457: {  	[hbm4b:s17+s5] =	stream.indirect_vreg.scatter [tilespmem:s26], [sflag:$0x9], $0x80, v4, vm0, $0xb8;
	[tilespmem:$0x1EC00] =	vst v63  }
0x458: {  	s29 =	simm.s32 $0x18400  }
0x459: {  	[hbm4b:s18+s5] =	stream.indirect_vreg.scatter [tilespmem:s29], [sflag:$0x9], $0x80, v4, vm0, $0xb8;
	[tilespmem:$0x1EC00] =	vst v63  }
0x45a: {  	_ =	swait.ge [sflag:s19], $0x8000  }
0x45b: {  	s2 =	sshll.u32 s23, $0x5;
	[sflag:s19] =	ssyncset.done $0x0  }
0x45c: {  	s2 =	sand.u32 $0x3FFFFFE0, s2;
	[sflag:s19] =	ssyncadd.s32 $0xFFFF8000  }
0x45d: {  	v4 =	vld [tilespmem:s2+$0x200];
	_ =	sdelay $0x4  }
0x45e: {  	v5 =	vshll.u32 v4, $0x3  }
0x45f: {  	v4 =	vand.u32 $0x7, v4;
	v5 =	vand.u32 $0xFFFFFFC0, v5  }
0x460: {  	v4 =	vor.u32 v4, v5  }
0x461: {  	v5 =	vperm.xlane v4, v2;
	_ =	sdelay $0x1  }
0x462: {  	v5 =	vadd.s32 v1, v5;
	_ =	sdelay $0x3  }
0x463: {  	s0 =	simm.s32 $0x8C00  }
0x464: {  	[tilespmem:s0], [sflag:$0x2] =	stream.indirect_vreg.gather [hbm4b:s1+s5], $0x80, v5, vm0, $0xb8;
	[tilespmem:$0x1EC00] =	vst v63  }
0x465: {  	s29 =	simm.s32 $0x9400;
	v4 =	vperm.xlane v4, v3  }
0x466: {  	[tilespmem:s29], [sflag:$0x2] =	stream.indirect_vreg.gather [hbm4b:s13+s5], $0x80, v5, vm0, $0xb8;
	[tilespmem:$0x1EC00] =	vst v63  }
0x467: {  	s3 =	simm.s32 $0x9C00;
	v4 =	vadd.s32 v1, v4  }
0x468: {  	[tilespmem:s3], [sflag:$0x2] =	stream.indirect_vreg.gather [hbm4b:s14+s5], $0x80, v5, vm0, $0xb8;
	[tilespmem:$0x1EC00] =	vst v63  }
0x469: {  	s7 =	simm.s32 $0xA400  }
0x46a: {  	[tilespmem:s7], [sflag:$0x2] =	stream.indirect_vreg.gather [hbm4b:s15+s5], $0x80, v5, vm0, $0xb8;
	[tilespmem:$0x1EC00] =	vst v63  }
0x46b: {  	s8 =	simm.s32 $0xAC00  }
0x46c: {  	[tilespmem:s8], [sflag:$0x2] =	stream.indirect_vreg.gather [hbm4b:s1+s5], $0x80, v4, vm0, $0xb8;
	[tilespmem:$0x1EC00] =	vst v63  }
0x46d: {  	s9 =	simm.s32 $0xB400  }
0x46e: {  	[tilespmem:s9], [sflag:$0x2] =	stream.indirect_vreg.gather [hbm4b:s13+s5], $0x80, v4, vm0, $0xb8;
	[tilespmem:$0x1EC00] =	vst v63  }
0x46f: {  	s10 =	simm.s32 $0xBC00  }
0x470: {  	[tilespmem:s10], [sflag:$0x2] =	stream.indirect_vreg.gather [hbm4b:s14+s5], $0x80, v4, vm0, $0xb8;
	[tilespmem:$0x1EC00] =	vst v63  }
0x471: {  	s11 =	simm.s32 $0xC400  }
0x472: {  	[tilespmem:s11], [sflag:$0x2] =	stream.indirect_vreg.gather [hbm4b:s15+s5], $0x80, v4, vm0, $0xb8;
	[tilespmem:$0x1EC00] =	vst v63  }
0x473: {  	v4 =	vld [tilespmem:s2+$0x210];
	_ =	sdelay $0x4  }
0x474: {  	v5 =	vshll.u32 v4, $0x3  }
0x475: {  	v4 =	vand.u32 $0x7, v4;
	v5 =	vand.u32 $0xFFFFFFC0, v5  }
0x476: {  	v4 =	vor.u32 v4, v5  }
0x477: {  	v5 =	vperm.xlane v4, v2;
	_ =	sdelay $0x1  }
0x478: {  	v5 =	vadd.s32 v1, v5;
	_ =	sdelay $0x3  }
0x479: {  	s12 =	simm.s32 $0xCC00  }
0x47a: {  	[tilespmem:s12], [sflag:$0x2] =	stream.indirect_vreg.gather [hbm4b:s1+s5], $0x80, v5, vm0, $0xb8;
	[tilespmem:$0x1EC00] =	vst v63  }
0x47b: {  	s20 =	simm.s32 $0xD400;
	v4 =	vperm.xlane v4, v3  }
0x47c: {  	[tilespmem:s20], [sflag:$0x2] =	stream.indirect_vreg.gather [hbm4b:s13+s5], $0x80, v5, vm0, $0xb8;
	[tilespmem:$0x1EC00] =	vst v63  }
0x47d: {  	s22 =	simm.s32 $0xDC00;
	v4 =	vadd.s32 v1, v4  }
0x47e: {  	[tilespmem:s22], [sflag:$0x2] =	stream.indirect_vreg.gather [hbm4b:s14+s5], $0x80, v5, vm0, $0xb8;
	[tilespmem:$0x1EC00] =	vst v63  }
0x47f: {  	s23 =	simm.s32 $0xE400  }
0x480: {  	[tilespmem:s23], [sflag:$0x2] =	stream.indirect_vreg.gather [hbm4b:s15+s5], $0x80, v5, vm0, $0xb8;
	[tilespmem:$0x1EC00] =	vst v63  }
0x481: {  	s24 =	simm.s32 $0xEC00  }
0x482: {  	[tilespmem:s24], [sflag:$0x2] =	stream.indirect_vreg.gather [hbm4b:s1+s5], $0x80, v4, vm0, $0xb8;
	[tilespmem:$0x1EC00] =	vst v63  }
0x483: {  	s26 =	simm.s32 $0xF400  }
0x484: {  	[tilespmem:s26], [sflag:$0x2] =	stream.indirect_vreg.gather [hbm4b:s13+s5], $0x80, v4, vm0, $0xb8;
	[tilespmem:$0x1EC00] =	vst v63  }
.Ltmp4:
0x485: {  	_ = 	snop;
	(pc) =	sbr.rel .LBB2_2-.Ltmp4, $4  }
0x486: {  	s28 =	simm.s32 $0xFC00;
	s21 =	sadd.s32 $0x1, s21  }
0x487: {  	[tilespmem:s28], [sflag:$0x2] =	stream.indirect_vreg.gather [hbm4b:s14+s5], $0x80, v4, vm0, $0xb8;
	[tilespmem:$0x1EC00] =	vst v63  }
0x488: {  	s29 =	simm.s32 $0x10400;
	s12 =	simm.s32 $0x1400;
	s20 =	simm.s32 $0x2400  }
0x489: {  	[tilespmem:s29], [sflag:$0x2] =	stream.indirect_vreg.gather [hbm4b:s15+s5], $0x80, v4, vm0, $0xb8;
	[tilespmem:$0x1EC00] =	vst v63  }
.LBB2_10:
0x48a: {  	s2 =	simm.s32 $0x1  }
0x48b: {  	_ =	swait.ge [sflag:s2], $0x8000  }
0x48c: {  	[sflag:s2] =	ssyncset.done $0x0  }
0x48d: {  	s9 =	simm.s32 $0x4;
	[sflag:s2] =	ssyncadd.s32 $0xFFFF8000  }
0x48e: {  	s29 =	simm.s32 $0x0;
	_ =	swait.ge [sflag:s9], $0x2000  }
0x48f: {  	s7 =	sand.u32 $0x70, s29;
	s8 =	sand.u32 $0x1C00, s29;
	[sflag:s9] =	ssyncset.done $0x0  }
0x490: {  	s7 =	sor.u32 s7, s8;
	[sflag:s9] =	ssyncadd.s32 $0xFFFFE000  }
0x491: {  	v5 =	vld [tilespmem:s7+$0x18D80]  }
0x492: {  	v4 =	vld [tilespmem:s7+$0x18C00];
	_ =	sdelay $0x1  }
0x493: {  	v6 =	vld [tilespmem:s7+$0x18C80]  }
0x494: {  	v7 =	vld [tilespmem:s7+$0x18D00]  }
0x495: {  	[tilespmem:s7+$0xD80] =	vst.add.f32.msk $0xffff, v5  }
0x496: {  	[tilespmem:s7+$0x2C00] =	vst.add.f32.msk $0xffff, v4  }
0x497: {  	[tilespmem:s7+$0x2E00] =	vst.add.f32.msk $0xffff, v4  }
0x498: {  	[tilespmem:s7+$0x2E80] =	vst.add.f32.msk $0xffff, v6  }
0x499: {  	[tilespmem:s7+$0x2C80] =	vst.add.f32.msk $0xffff, v6  }
0x49a: {  	[tilespmem:s7+$0xE80] =	vst.add.f32.msk $0xffff, v6  }
0x49b: {  	[tilespmem:s7+$0xC80] =	vst.add.f32.msk $0xffff, v6  }
0x49c: {  	[tilespmem:s7+$0xE00] =	vst.add.f32.msk $0xffff, v4  }
0x49d: {  	[tilespmem:s7+$0x2F00] =	vst.add.f32.msk $0xffff, v7  }
0x49e: {  	[tilespmem:s7+$0xC00] =	vst.add.f32.msk $0xffff, v4  }
0x49f: {  	[tilespmem:s7+$0x2D00] =	vst.add.f32.msk $0xffff, v7  }
0x4a0: {  	s2 =	sor.u32 s29, s29;
	[tilespmem:s7+$0xF00] =	vst.add.f32.msk $0xffff, v7  }
0x4a1: {  	s10 =	sor.u32 $0x380, s2;
	[tilespmem:s7+$0xD00] =	vst.add.f32.msk $0xffff, v7  }
0x4a2: {  	[tilespmem:s10+$0xC00] =	vst.add.f32.msk $0xffff, v5  }
0x4a3: {  	v6 =	vld [tilespmem:s7+$0x18E00]  }
0x4a4: {  	v4 =	vld [tilespmem:s7+$0x18E80]  }
0x4a5: {  	v7 =	vld [tilespmem:s7+$0x18F00]  }
0x4a6: {  	[tilespmem:s7+$0x2D80] =	vst.add.f32.msk $0xffff, v5  }
0x4a7: {  	[tilespmem:s7+$0x2F80] =	vst.add.f32.msk $0xffff, v5  }
0x4a8: {  	[tilespmem:s7+$0x4C00] =	vst.add.f32.msk $0xffff, v6  }
0x4a9: {  	[tilespmem:s7+$0x6E80] =	vst.add.f32.msk $0xffff, v4  }
0x4aa: {  	[tilespmem:s7+$0x6C00] =	vst.add.f32.msk $0xffff, v6  }
0x4ab: {  	[tilespmem:s7+$0x4D00] =	vst.add.f32.msk $0xffff, v7  }
0x4ac: {  	[tilespmem:s7+$0x4F00] =	vst.add.f32.msk $0xffff, v7  }
0x4ad: {  	[tilespmem:s7+$0x6D00] =	vst.add.f32.msk $0xffff, v7  }
0x4ae: {  	[tilespmem:s7+$0x6F00] =	vst.add.f32.msk $0xffff, v7  }
0x4af: {  	s11 =	simm.s32 $0x10;
	[tilespmem:s7+$0x6E00] =	vst.add.f32.msk $0xffff, v6  }
0x4b0: {  	s20 =	simm.s32 $0x2400;
	s26 =	simm.s32 $0x7C00;
	s8 =	simm.s32 $0x80;
	[tilespmem:s7+$0x4E00] =	vst.add.f32.msk $0xffff, v6  }
.LBB2_11:
0x4b1: {  	s2 =	sand.u32 $0x70, s11  }
0x4b2: {  	s12 =	sand.u32 $0x1C00, s8;
	[tilespmem:s7+$0x4C80] =	vst.add.f32.msk $0xffff, v4;
	s21 =	smov.u32 s11;
	s9 =	sadd.s32 $0x10, s11  }
0x4b3: {  	p0 =	sne.s32 s11, $0x3F0;
	s2 =	sor.u32 s2, s12;
	[tilespmem:s7+$0x4E80] =	vst.add.f32.msk $0xffff, v4  }
0x4b4: {  	v5 =	vld [tilespmem:s2+$0x18C00]  }
0x4b5: {  	v6 =	vld [tilespmem:s2+$0x18D80]  }
0x4b6: {  	[tilespmem:s7+$0x6C80] =	vst.add.f32.msk $0xffff, v4  }
0x4b7: {  	v4 =	vld [tilespmem:s2+$0x18D00]  }
0x4b8: {  	v7 =	vld [tilespmem:s10+$0x18C00]  }
0x4b9: {  	v8 =	vld [tilespmem:s2+$0x18C80]  }
0x4ba: {  	[tilespmem:s2+$0xD80] =	vst.add.f32.msk $0xffff, v6  }
0x4bb: {  	[tilespmem:s2+$0x2C00] =	vst.add.f32.msk $0xffff, v5  }
0x4bc: {  	[tilespmem:s2+$0x2E00] =	vst.add.f32.msk $0xffff, v5  }
0x4bd: {  	[tilespmem:s7+$0x4D80] =	vst.add.f32.msk $0xffff, v7  }
0x4be: {  	[tilespmem:s2+$0x2E80] =	vst.add.f32.msk $0xffff, v8  }
0x4bf: {  	[tilespmem:s7+$0x4F80] =	vst.add.f32.msk $0xffff, v7  }
0x4c0: {  	[tilespmem:s2+$0x2C80] =	vst.add.f32.msk $0xffff, v8  }
0x4c1: {  	[tilespmem:s7+$0x6D80] =	vst.add.f32.msk $0xffff, v7  }
0x4c2: {  	[tilespmem:s7+$0x6F80] =	vst.add.f32.msk $0xffff, v7;
	s7 =	smov.u32 s2  }
0x4c3: {  	[tilespmem:s7+$0xE80] =	vst.add.f32.msk $0xffff, v8  }
0x4c4: {  	[tilespmem:s7+$0xC80] =	vst.add.f32.msk $0xffff, v8  }
0x4c5: {  	[tilespmem:s7+$0xE00] =	vst.add.f32.msk $0xffff, v5  }
0x4c6: {  	[tilespmem:s7+$0x2F00] =	vst.add.f32.msk $0xffff, v4  }
0x4c7: {  	[tilespmem:s7+$0xC00] =	vst.add.f32.msk $0xffff, v5  }
0x4c8: {  	[tilespmem:s7+$0x2D00] =	vst.add.f32.msk $0xffff, v4  }
0x4c9: {  	s2 =	sor.u32 s8, s21;
	[tilespmem:s7+$0xF00] =	vst.add.f32.msk $0xffff, v4  }
0x4ca: {  	s10 =	sor.u32 $0x380, s2;
	[tilespmem:s7+$0xD00] =	vst.add.f32.msk $0xffff, v4  }
0x4cb: {  	[tilespmem:s10+$0xC00] =	vst.add.f32.msk $0xffff, v6  }
0x4cc: {  	v5 =	vld [tilespmem:s7+$0x18E00]  }
0x4cd: {  	v4 =	vld [tilespmem:s7+$0x18E80]  }
0x4ce: {  	v7 =	vld [tilespmem:s7+$0x18F00]  }
0x4cf: {  	[tilespmem:s7+$0x2D80] =	vst.add.f32.msk $0xffff, v6  }
0x4d0: {  	[tilespmem:s7+$0x2F80] =	vst.add.f32.msk $0xffff, v6  }
0x4d1: {  	[tilespmem:s7+$0x4C00] =	vst.add.f32.msk $0xffff, v5  }
0x4d2: {  	[tilespmem:s7+$0x6E80] =	vst.add.f32.msk $0xffff, v4  }
0x4d3: {  	[tilespmem:s7+$0x6C00] =	vst.add.f32.msk $0xffff, v5  }
0x4d4: {  	[tilespmem:s7+$0x4D00] =	vst.add.f32.msk $0xffff, v7  }
.Ltmp5:
0x4d5: {  	[tilespmem:s7+$0x4F00] =	vst.add.f32.msk $0xffff, v7;
	(pc) =	sbr.rel @p0 .LBB2_11-.Ltmp5, $4  }
0x4d6: {  	[tilespmem:s7+$0x6D00] =	vst.add.f32.msk $0xffff, v7  }
0x4d7: {  	[tilespmem:s7+$0x6F00] =	vst.add.f32.msk $0xffff, v7  }
0x4d8: {  	[tilespmem:s7+$0x6E00] =	vst.add.f32.msk $0xffff, v5  }
0x4d9: {  	s11 =	smov.u32 s9;
	s8 =	sadd.s32 $0x80, s8;
	[tilespmem:s7+$0x4E00] =	vst.add.f32.msk $0xffff, v5  }
0x4da: {  	[tilespmem:s7+$0x4C80] =	vst.add.f32.msk $0xffff, v4  }
0x4db: {  	[tilespmem:s7+$0x4E80] =	vst.add.f32.msk $0xffff, v4  }
0x4dc: {  	[tilespmem:s7+$0x6C80] =	vst.add.f32.msk $0xffff, v4  }
0x4dd: {  	v4 =	vld [tilespmem:s10+$0x18C00];
	_ =	sdelay $0x4  }
0x4de: {  	[tilespmem:s7+$0x4D80] =	vst.add.f32.msk $0xffff, v4  }
0x4df: {  	[tilespmem:s7+$0x4F80] =	vst.add.f32.msk $0xffff, v4  }
0x4e0: {  	[tilespmem:s7+$0x6D80] =	vst.add.f32.msk $0xffff, v4  }
0x4e1: {  	[tilespmem:s7+$0x6F80] =	vst.add.f32.msk $0xffff, v4  }
0x4e2: {  	v4 =	vld [tilespmem:$0xB80];
	_ =	sdelay $0x4  }
0x4e3: {  	v5 =	vshll.u32 v4, $0x3  }
0x4e4: {  	v4 =	vand.u32 $0x7, v4;
	v5 =	vand.u32 $0xFFFFFFC0, v5  }
0x4e5: {  	v4 =	vor.u32 v4, v5  }
0x4e6: {  	v5 =	vperm.xlane v4, v2;
	_ =	sdelay $0x1  }
0x4e7: {  	v5 =	vadd.s32 v1, v5;
	_ =	sdelay $0x4  }
0x4e8: {  	[hbm4b:s4+s5] =	stream.indirect_vreg.scatter [tilespmem:s31], [sflag:$0x7], $0x80, v5, vm0, $0xb8;
	[tilespmem:$0x1EC00] =	vst v63  }
0x4e9: {  	s12 =	simm.s32 $0x1400;
	v4 =	vperm.xlane v4, v3  }
0x4ea: {  	[hbm4b:s16+s5] =	stream.indirect_vreg.scatter [tilespmem:s12], [sflag:$0x7], $0x80, v5, vm0, $0xb8;
	[tilespmem:$0x1EC00] =	vst v63  }
0x4eb: {  	v4 =	vadd.s32 v1, v4  }
0x4ec: {  	[hbm4b:s17+s5] =	stream.indirect_vreg.scatter [tilespmem:s3], [sflag:$0x7], $0x80, v5, vm0, $0xb8;
	[tilespmem:$0x1EC00] =	vst v63  }
0x4ed: {  	_ = 	snop  }
0x4ee: {  	[hbm4b:s18+s5] =	stream.indirect_vreg.scatter [tilespmem:s20], [sflag:$0x7], $0x80, v5, vm0, $0xb8;
	[tilespmem:$0x1EC00] =	vst v63  }
0x4ef: {  	_ = 	snop  }
0x4f0: {  	[hbm4b:s4+s5] =	stream.indirect_vreg.scatter [tilespmem:s28], [sflag:$0x7], $0x80, v4, vm0, $0xb8;
	[tilespmem:$0x1EC00] =	vst v63  }
0x4f1: {  	_ = 	snop  }
0x4f2: {  	[hbm4b:s16+s5] =	stream.indirect_vreg.scatter [tilespmem:s0], [sflag:$0x7], $0x80, v4, vm0, $0xb8;
	[tilespmem:$0x1EC00] =	vst v63  }
0x4f3: {  	s8 =	simm.s32 $0x3C00  }
0x4f4: {  	[hbm4b:s17+s5] =	stream.indirect_vreg.scatter [tilespmem:s8], [sflag:$0x7], $0x80, v4, vm0, $0xb8;
	[tilespmem:$0x1EC00] =	vst v63  }
0x4f5: {  	s9 =	simm.s32 $0x4400  }
0x4f6: {  	[hbm4b:s18+s5] =	stream.indirect_vreg.scatter [tilespmem:s9], [sflag:$0x7], $0x80, v4, vm0, $0xb8;
	[tilespmem:$0x1EC00] =	vst v63  }
0x4f7: {  	v4 =	vld [tilespmem:$0xB90];
	_ =	sdelay $0x4  }
0x4f8: {  	v5 =	vshll.u32 v4, $0x3  }
0x4f9: {  	v4 =	vand.u32 $0x7, v4;
	v5 =	vand.u32 $0xFFFFFFC0, v5  }
0x4fa: {  	v4 =	vor.u32 v4, v5  }
0x4fb: {  	v2 =	vperm.xlane v4, v2;
	_ =	sdelay $0x1  }
0x4fc: {  	v2 =	vadd.s32 v1, v2;
	_ =	sdelay $0x3  }
0x4fd: {  	s10 =	simm.s32 $0x4C00  }
0x4fe: {  	[hbm4b:s4+s5] =	stream.indirect_vreg.scatter [tilespmem:s10], [sflag:$0x7], $0x80, v2, vm0, $0xb8;
	[tilespmem:$0x1EC00] =	vst v63  }
0x4ff: {  	s11 =	simm.s32 $0x5400;
	v3 =	vperm.xlane v4, v3  }
0x500: {  	[hbm4b:s16+s5] =	stream.indirect_vreg.scatter [tilespmem:s11], [sflag:$0x7], $0x80, v2, vm0, $0xb8;
	[tilespmem:$0x1EC00] =	vst v63  }
0x501: {  	s21 =	simm.s32 $0x5C00;
	v1 =	vadd.s32 v1, v3  }
0x502: {  	[hbm4b:s17+s5] =	stream.indirect_vreg.scatter [tilespmem:s21], [sflag:$0x7], $0x80, v2, vm0, $0xb8;
	[tilespmem:$0x1EC00] =	vst v63  }
0x503: {  	s22 =	simm.s32 $0x6400  }
0x504: {  	[hbm4b:s18+s5] =	stream.indirect_vreg.scatter [tilespmem:s22], [sflag:$0x7], $0x80, v2, vm0, $0xb8;
	[tilespmem:$0x1EC00] =	vst v63  }
0x505: {  	s23 =	simm.s32 $0x6C00  }
0x506: {  	[hbm4b:s4+s5] =	stream.indirect_vreg.scatter [tilespmem:s23], [sflag:$0x7], $0x80, v1, vm0, $0xb8;
	[tilespmem:$0x1EC00] =	vst v63  }
0x507: {  	s24 =	simm.s32 $0x7400  }
0x508: {  	[hbm4b:s16+s5] =	stream.indirect_vreg.scatter [tilespmem:s24], [sflag:$0x7], $0x80, v1, vm0, $0xb8;
	[tilespmem:$0x1EC00] =	vst v63  }
0x509: {  	_ = 	snop  }
0x50a: {  	[hbm4b:s17+s5] =	stream.indirect_vreg.scatter [tilespmem:s26], [sflag:$0x7], $0x80, v1, vm0, $0xb8;
	[tilespmem:$0x1EC00] =	vst v63  }
0x50b: {  	s29 =	simm.s32 $0x8400  }
0x50c: {  	[hbm4b:s18+s5] =	stream.indirect_vreg.scatter [tilespmem:s29], [sflag:$0x7], $0x80, v1, vm0, $0xb8;
	[tilespmem:$0x1EC00] =	vst v63  }
0x50d: {  	_ =	swait.ge [sflag:s19], $0x8000  }
0x50e: {  	[sflag:s19] =	ssyncset.done $0x0  }
0x50f: {  	s2 =	simm.s32 $0x9;
	[sflag:s19] =	ssyncadd.s32 $0xFFFF8000  }
0x510: {  	_ =	swait.ge [sflag:s2], $0x8000  }
0x511: {  	[sflag:s2] =	ssyncset.done $0x0  }
0x512: {  	[sflag:s2] =	ssyncadd.s32 $0xFFFF8000  }
0x513: {  	_ =	swait.ge [sflag:s25], $0x8000  }
0x514: {  	s2 =	rddreg [dreg:$0xc]  }
0x515: {  	s7 =	sadd.s32 $0x1, s2;
	s2 =	rddreg [dreg:$0xb]  }
0x516: {  	p0 =	sne.s32 s7, s2  }
.Ltmp6:
0x517: {  	_ = 	snop;
	(pc) =	sbr.rel @p0 .LBB2_1-.Ltmp6, $3  }
0x518: {  	_ =	sdelay $0x1  }
0x519: {  	[sflag:s25] =	ssyncset.done $0x0  }
0x51a: {  	[sflag:s25] =	ssyncadd.s32 $0xFFFF8000  }
0x51b: {  	_ =	sfence.sel $0x180000  }
0x51c: {  	[bflag:$0x0] =	sbarrier.arrive $0xFFFF  }
0x51d: {  	_ =	strace $0x90000047  }
0x51e: {  	s0 =	stileid.u32;
	[bflag:$0x2] =	sbarrier.arrive $0xFFFF  }
0x51f: {  	p0 =	sne.s32 s0, $0x0;
	s0 =	rddreg [dreg:$0x4]  }
0x520: {  	s0 =	sadd.s32 @!p0 $0x100000, s0  }
0x521: {  	[sflag:s0] =	ssyncadd.tile.s32 @!p0 $0x1;
	_ =	shalt  }
.Lfunc_end2:
_tile_overlayer_lowered:
.L_overlay_start_2:
0x522: {  	(tag) =	ssettag $0x2  }
0x523: {  	s0 =	rddreg [dreg:$0x0];
	s2 =	stileid.u32  }
0x524: {  	s1 =	rddreg [dreg:$0x1];
	p0 =	sne.s32 s2, $0x0  }
0x525: {  	s3 =	rddreg [dreg:$0x2];
	[bflag:$0x3] =	sbarrier.arrive $0xFFFF;
	s2 =	simm.s32 @!p0 $0x1C0A  }
0x526: {  	[timem:s3], [sflag:s2] =	dma.local @!p0 [hbm:s0], s1  }
0x527: {  	s0 =	simm.s32 @!p0 $0xA  }
0x528: {  	_ =	swait.ge @!p0 [sflag:s0], s1  }
0x529: {  	s1 =	ssub.s32 @!p0 $0x0, s1;
	[sflag:s0] =	ssyncset.done @!p0 $0x0  }
0x52a: {  	[sflag:s0] =	ssyncadd.s32 @!p0 s1  }
0x52b: {  	[bflag:$0x3] =	sbarrier.arrive $0xFFFF  }
0x52c: {  	_ =	shalt  }

</sc_bundles>
